<compile_context>
chip_gen: v7x
topology: tpu7x:2x2x1
jax: 0.10.2.dev20260603
libtpu: 0.0.44.dev20260713+nightly
codegen_flags: <defaults>
</compile_context>

<pallas_src>
import jax
import jax.numpy as jnp
from jax import lax
from jax.experimental import pallas as pl
from jax.experimental.pallas import tpu as pltpu
from jax.experimental.pallas import tpu_sc as plsc

_NUM_EXPERTS = 16
_L = 16
_NS = 16
_NUM_LAYERS = 24
_TOKENS = 4 * 4096
_TOK_PER_TILE = _TOKENS // _NS
_CHUNKS = _TOK_PER_TILE // _L
_BANKS = 8

_TOTAL_CAPITAL = 10000.0
_MIN_CAP = _TOTAL_CAPITAL * 0.05 / _NUM_EXPERTS
_TAX_THRESHOLD = 2.0
_TAX_RATE = 0.1


def _sc_body(ll_h, w0li_h, cb_h,
             caps_out, base_out,
             loss_v, lc_v, w0_v, w1_v,
             c0, c1, c2, c3, c4, c5, c6, c7,
             s0, s1, s2, s3, s4, s5, s6, s7, part_v,
             li_v, base24_v, caps24_v, shared, all_v, sem, sem2):
    cnt_bs = (c0, c1, c2, c3, c4, c5, c6, c7)
    s_bs = (s0, s1, s2, s3, s4, s5, s6, s7)
    sid = lax.axis_index("s")
    off = sid * _TOK_PER_TILE
    d1 = pltpu.async_copy(ll_h.at[pl.ds(off, _TOK_PER_TILE)], loss_v, sem)
    d2 = pltpu.async_copy(ll_h.at[pl.ds(_TOKENS + off, _TOK_PER_TILE)],
                          lc_v, sem)
    d3 = pltpu.async_copy(w0li_h.at[pl.ds(off, _TOK_PER_TILE)], w0_v, sem)
    d4 = pltpu.async_copy(ll_h.at[pl.ds(2 * _TOKENS + off, _TOK_PER_TILE)],
                          w1_v, sem)

    @pl.when(sid == 0)
    def _prefetch():
        pltpu.async_copy(w0li_h.at[pl.ds(_TOKENS, _L)], li_v, sem2)
        pltpu.async_copy(cb_h.at[pl.ds(0, _NUM_LAYERS * _NUM_EXPERTS)],
                         caps24_v, sem2)
        pltpu.async_copy(
            cb_h.at[pl.ds(_NUM_LAYERS * _NUM_EXPERTS, _NUM_LAYERS)],
            base24_v, sem2)

    zeros = jnp.zeros((_L,), jnp.float32)
    ones = jnp.ones((_L,), jnp.float32)
    lanes = lax.iota(jnp.int32, _L)
    for r in cnt_bs + s_bs:
        r[...] = zeros

    d1.wait()
    d2.wait()
    d3.wait()
    d4.wait()

    loss_accs = [zeros] * 4
    for i in range(_CHUNKS):
        sl = pl.ds(i * _L, _L)
        lo = loss_v[sl]
        lc = lc_v[sl]
        a = w0_v[sl]
        b = plsc.bitcast(w1_v[sl], jnp.int32)
        m = b != a
        bk0 = (2 * i) % _BANKS
        bk1 = (2 * i + 1) % _BANKS
        plsc.addupdate_scatter(cnt_bs[bk0], [a], ones)
        plsc.addupdate_scatter(s_bs[bk0], [a], lc)
        plsc.addupdate_scatter(cnt_bs[bk1], [b], ones, mask=m)
        plsc.addupdate_scatter(s_bs[bk1], [b], lc, mask=m)
        loss_accs[i % 4] = loss_accs[i % 4] + lo

    cnt_p = zeros
    s_p = zeros
    for bnk in range(_BANKS):
        cnt_p = cnt_p + cnt_bs[bnk][...]
        s_p = s_p + s_bs[bnk][...]
    loss_acc = (loss_accs[0] + loss_accs[1]) + (loss_accs[2] + loss_accs[3])

    part_v[pl.ds(0, _L)] = cnt_p
    part_v[pl.ds(_L, _L)] = s_p
    part_v[pl.ds(2 * _L, _L)] = loss_acc
    pltpu.sync_copy(part_v, shared.at[pl.ds(sid * 3 * _L, 3 * _L)])
    plsc.subcore_barrier()

    @pl.when(sid == 0)
    def _finalize():
        pltpu.sync_copy(shared, all_v)
        pltpu.make_async_copy(w0li_h.at[pl.ds(_TOKENS, _L)], li_v,
                              sem2).wait()
        pltpu.make_async_copy(
            cb_h.at[pl.ds(0, _NUM_LAYERS * _NUM_EXPERTS)],
            caps24_v, sem2).wait()
        pltpu.make_async_copy(
            cb_h.at[pl.ds(_NUM_LAYERS * _NUM_EXPERTS, _NUM_LAYERS)],
            base24_v, sem2).wait()
        li_vec = li_v[...]
        cnt = all_v[pl.ds(0, _L)]
        s = all_v[pl.ds(_L, _L)]
        lsum = all_v[pl.ds(2 * _L, _L)]
        for i in range(1, _NS):
            cnt = cnt + all_v[pl.ds(i * 3 * _L, _L)]
            s = s + all_v[pl.ds((i * 3 + 1) * _L, _L)]
            lsum = lsum + all_v[pl.ds((i * 3 + 2) * _L, _L)]
        avg_loss = jnp.sum(lsum) * (1.0 / _TOKENS)
        base_splat = plsc.load_gather(base24_v, [li_vec])
        new_base = 0.99 * base_splat + 0.01 * avg_loss
        row_idx = li_vec * _NUM_EXPERTS + lanes
        crow = plsc.load_gather(caps24_v, [row_idx])
        caps = crow + new_base * cnt - s
        thr = jnp.sum(caps) * (_TAX_THRESHOLD / _NUM_EXPERTS)
        caps = jnp.where(caps > thr, caps - (caps - thr) * _TAX_RATE, caps)
        caps = jnp.maximum(caps, _MIN_CAP)
        total = jnp.sum(caps)
        scale = jnp.where(total > _TOTAL_CAPITAL * 1.5, 0.95, 1.0)
        shift = jnp.where(total < _TOTAL_CAPITAL * 0.5,
                          _TOTAL_CAPITAL * 0.01, 0.0)
        caps = caps * scale + shift
        plsc.store_scatter(caps24_v, [row_idx], caps)
        plsc.store_scatter(base24_v, [li_vec], new_base, mask=lanes == 0)
        do1 = pltpu.async_copy(caps24_v, caps_out, sem2)
        do2 = pltpu.async_copy(base24_v, base_out, sem2)
        do1.wait()
        do2.wait()


_mesh = plsc.VectorSubcoreMesh(
    core_axis_name="c", subcore_axis_name="s", num_cores=1, num_subcores=_NS)

_sc_call = pl.kernel(
    _sc_body,
    out_type=(
        jax.ShapeDtypeStruct((_NUM_LAYERS * _NUM_EXPERTS,), jnp.float32),
        jax.ShapeDtypeStruct((_NUM_LAYERS,), jnp.float32),
    ),
    mesh=_mesh,
    scratch_types=[
        pltpu.VMEM((_TOK_PER_TILE,), jnp.float32),
        pltpu.VMEM((_TOK_PER_TILE,), jnp.float32),
        pltpu.VMEM((_TOK_PER_TILE,), jnp.int32),
        pltpu.VMEM((_TOK_PER_TILE,), jnp.float32),
        *([pltpu.VMEM((_L,), jnp.float32)] * (2 * _BANKS)),
        pltpu.VMEM((3 * _L,), jnp.float32),
        pltpu.VMEM((_L,), jnp.int32),
        pltpu.VMEM((_NUM_LAYERS,), jnp.float32),
        pltpu.VMEM((_NUM_LAYERS * _NUM_EXPERTS,), jnp.float32),
        pltpu.VMEM_SHARED((_NS * 3 * _L,), jnp.float32),
        pltpu.VMEM((_NS * 3 * _L,), jnp.float32),
        pltpu.SemaphoreType.DMA,
        pltpu.SemaphoreType.DMA,
    ],
    compiler_params=pltpu.CompilerParams(needs_layout_passes=False),
    name="capital_manager_sc",
)


def kernel(capitals, baseline_losses, token_losses, costs, winners, layer_idx):
    w = winners.reshape(_TOKENS, 2)
    ll = jnp.concatenate([
        token_losses.reshape(_TOKENS),
        (token_losses + costs).reshape(_TOKENS),
        lax.bitcast_convert_type(w[:, 1], jnp.float32),
    ])
    w0li = jnp.concatenate([
        w[:, 0],
        jnp.full((_L,), layer_idx, dtype=jnp.int32),
    ])
    cb = jnp.concatenate([
        capitals.reshape(_NUM_LAYERS * _NUM_EXPERTS),
        baseline_losses,
    ])
    caps_flat, new_baselines = _sc_call(ll, w0li, cb)
    return caps_flat.reshape(_NUM_LAYERS, _NUM_EXPERTS), new_baselines

# --- scband reference (transcript-rebuilt; emitter-appended) ---
"""Pipeline reference for scband-capital-manager-22462678958215 (READ-ONLY COPY).

The authoritative reference and input builder live on the scoring server;
editing this copy changes nothing except your own understanding.
"""

import jax, jax.numpy as jnp
import numpy as np

NUM_LAYERS = 24
NUM_EXPERTS = 16
TOTAL_CAPITAL = 10000.0
MIN_SHARE = 0.05
TAX_THRESHOLD = 2.0
TAX_RATE = 0.1


def setup_inputs(seed: int = 0) -> dict:
    key = jax.random.key(seed)
    k1, k2, k3 = jax.random.split(key, 3)
    winners = jax.random.randint(k1, (4, 4096, 2), 0, NUM_EXPERTS, dtype=jnp.int32)
    token_losses = jax.random.uniform(k2, (4, 4096), dtype=jnp.float32)
    costs = jax.random.uniform(k3, (4, 4096), dtype=jnp.float32)
    capitals = jnp.ones((NUM_LAYERS, NUM_EXPERTS), dtype=jnp.float32) * (TOTAL_CAPITAL / NUM_EXPERTS)
    baseline_losses = jnp.ones((NUM_LAYERS,), dtype=jnp.float32) * 5.0
    return {
        "capitals": capitals,
        "baseline_losses": baseline_losses,
        "token_losses": token_losses,
        "costs": costs,
        "winners": winners,
        "layer_idx": 3,
    }


def reference(capitals, baseline_losses, token_losses, costs, winners, layer_idx):
    # EMA baseline update
    avg_loss = token_losses.mean()
    new_base = 0.99 * baseline_losses[layer_idx] + 0.01 * avg_loss
    baseline = new_base

    caps = capitals[layer_idx]

    # presence[b, t, e] = 1 if expert e is among the top-2 winners for token (b, t)
    # (counted once even if both winner slots are the same expert, matching (winners == e).any(dim=-1))
    one_hot = jax.nn.one_hot(winners, NUM_EXPERTS, dtype=jnp.float32)  # [B, T, 2, E]
    presence = jnp.max(one_hot, axis=2)  # [B, T, E]

    # per-token profit contribution: performance - expense = (baseline - loss) - cost
    per_token = baseline - token_losses - costs  # [B, T]
    profit = jnp.einsum("bt,bte->e", per_token, presence)  # [E]
    caps = caps + profit

    # progressive wealth tax on capitals exceeding tax_threshold * mean
    avg_cap = caps.mean()
    thr = avg_cap * TAX_THRESHOLD
    caps = jnp.where(caps > thr, caps - (caps - thr) * TAX_RATE, caps)

    # minimum-share floor
    min_cap = TOTAL_CAPITAL * MIN_SHARE / NUM_EXPERTS
    caps = jnp.maximum(caps, min_cap)

    # global rebalancing
    total = caps.sum()
    caps = jnp.where(
        total > TOTAL_CAPITAL * 1.5,
        caps * 0.95,
        jnp.where(total < TOTAL_CAPITAL * 0.5, caps + TOTAL_CAPITAL * 0.01, caps),
    )

    new_capitals = capitals.at[layer_idx].set(caps)
    new_baselines = baseline_losses.at[layer_idx].set(new_base)
    return new_capitals, new_baselines

if __name__ == "__main__":
    import jax
    _d = setup_inputs()
    print(jax.jit(kernel)(*tuple(_d.values())))

</pallas_src>

<mosaic_0001>
#map = affine_map<(d0, d1) -> (0)>
module attributes {stable_mosaic.version = 14 : i64} {
  func.func @capital_manager_sc(%arg0: i32, %arg1: i32, %arg2: memref<49152xf32, #tpu.memory_space<hbm>>, %arg3: memref<16400xi32, #tpu.memory_space<hbm>>, %arg4: memref<408xf32, #tpu.memory_space<hbm>>, %arg5: memref<384xf32, #tpu.memory_space<hbm>>, %arg6: memref<24xf32, #tpu.memory_space<hbm>>, %arg7: memref<1024xf32, #tpu.memory_space<vmem>>, %arg8: memref<1024xf32, #tpu.memory_space<vmem>>, %arg9: memref<1024xi32, #tpu.memory_space<vmem>>, %arg10: memref<1024xf32, #tpu.memory_space<vmem>>, %arg11: memref<16xf32, #tpu.memory_space<vmem>>, %arg12: memref<16xf32, #tpu.memory_space<vmem>>, %arg13: memref<16xf32, #tpu.memory_space<vmem>>, %arg14: memref<16xf32, #tpu.memory_space<vmem>>, %arg15: memref<16xf32, #tpu.memory_space<vmem>>, %arg16: memref<16xf32, #tpu.memory_space<vmem>>, %arg17: memref<16xf32, #tpu.memory_space<vmem>>, %arg18: memref<16xf32, #tpu.memory_space<vmem>>, %arg19: memref<16xf32, #tpu.memory_space<vmem>>, %arg20: memref<16xf32, #tpu.memory_space<vmem>>, %arg21: memref<16xf32, #tpu.memory_space<vmem>>, %arg22: memref<16xf32, #tpu.memory_space<vmem>>, %arg23: memref<16xf32, #tpu.memory_space<vmem>>, %arg24: memref<16xf32, #tpu.memory_space<vmem>>, %arg25: memref<16xf32, #tpu.memory_space<vmem>>, %arg26: memref<16xf32, #tpu.memory_space<vmem>>, %arg27: memref<48xf32, #tpu.memory_space<vmem>>, %arg28: memref<16xi32, #tpu.memory_space<vmem>>, %arg29: memref<24xf32, #tpu.memory_space<vmem>>, %arg30: memref<384xf32, #tpu.memory_space<vmem>>, %arg31: memref<768xf32, #tpu.memory_space<vmem_shared>>, %arg32: memref<768xf32, #tpu.memory_space<vmem>>, %arg33: memref<!tpu.dma_semaphore, #tpu.memory_space<semaphore_mem>>, %arg34: memref<!tpu.dma_semaphore, #tpu.memory_space<semaphore_mem>>) attributes {dimension_semantics = [#tpu.dimension_semantics<core_parallel>, #tpu.dimension_semantics<subcore_parallel>], iteration_bounds = array<i64: 1, 16>, scalar_prefetch = 0 : i64, scratch_operands = 28 : i64, tpu.core_type = #tpu.core_type<sc_vector_subcore>, window_params = [{transform_indices = #map}, {transform_indices = #map}, {transform_indices = #map}, {transform_indices = #map}, {transform_indices = #map}]} {
    %mul3A = arith.constant 1024 : i32
    %mul3A_0 = arith.muli %arg1, %mul3A : i32
    %dma_start3A = tpu.memref_slice %arg2[%mul3A_0] : memref<49152xf32, #tpu.memory_space<hbm>> -> memref<1024xf32, #tpu.memory_space<hbm>>
    %dma_start3A_1 = tpu.memref_slice %arg2[%mul3A_0] : memref<49152xf32, #tpu.memory_space<hbm>> -> memref<1024xf32, #tpu.memory_space<hbm>>
    tpu.enqueue_dma source(%dma_start3A_1 : memref<1024xf32, #tpu.memory_space<hbm>>) target(%arg7 : memref<1024xf32, #tpu.memory_space<vmem>>) target_semaphore(%arg33 : memref<!tpu.dma_semaphore, #tpu.memory_space<semaphore_mem>>)
    %add3A = arith.constant 16384 : i32
    %add3A_2 = arith.addi %add3A, %mul3A_0 : i32
    %dma_start3A_3 = tpu.memref_slice %arg2[%add3A_2] : memref<49152xf32, #tpu.memory_space<hbm>> -> memref<1024xf32, #tpu.memory_space<hbm>>
    %dma_start3A_4 = tpu.memref_slice %arg2[%add3A_2] : memref<49152xf32, #tpu.memory_space<hbm>> -> memref<1024xf32, #tpu.memory_space<hbm>>
    tpu.enqueue_dma source(%dma_start3A_4 : memref<1024xf32, #tpu.memory_space<hbm>>) target(%arg8 : memref<1024xf32, #tpu.memory_space<vmem>>) target_semaphore(%arg33 : memref<!tpu.dma_semaphore, #tpu.memory_space<semaphore_mem>>)
    %dma_start3A_5 = tpu.memref_slice %arg3[%mul3A_0] : memref<16400xi32, #tpu.memory_space<hbm>> -> memref<1024xi32, #tpu.memory_space<hbm>>
    %dma_start3A_6 = tpu.memref_slice %arg3[%mul3A_0] : memref<16400xi32, #tpu.memory_space<hbm>> -> memref<1024xi32, #tpu.memory_space<hbm>>
    tpu.enqueue_dma source(%dma_start3A_6 : memref<1024xi32, #tpu.memory_space<hbm>>) target(%arg9 : memref<1024xi32, #tpu.memory_space<vmem>>) target_semaphore(%arg33 : memref<!tpu.dma_semaphore, #tpu.memory_space<semaphore_mem>>)
    %add3A_7 = arith.constant 32768 : i32
    %add3A_8 = arith.addi %add3A_7, %mul3A_0 : i32
    %dma_start3A_9 = tpu.memref_slice %arg2[%add3A_8] : memref<49152xf32, #tpu.memory_space<hbm>> -> memref<1024xf32, #tpu.memory_space<hbm>>
    %dma_start3A_10 = tpu.memref_slice %arg2[%add3A_8] : memref<49152xf32, #tpu.memory_space<hbm>> -> memref<1024xf32, #tpu.memory_space<hbm>>
    tpu.enqueue_dma source(%dma_start3A_10 : memref<1024xf32, #tpu.memory_space<hbm>>) target(%arg10 : memref<1024xf32, #tpu.memory_space<vmem>>) target_semaphore(%arg33 : memref<!tpu.dma_semaphore, #tpu.memory_space<semaphore_mem>>)
    %eq3A = arith.constant 0 : i32
    %eq3A_11 = arith.cmpi eq, %arg1, %eq3A : i32
    %convert_element_type3A = arith.extui %eq3A_11 : i1 to i32
    %cond3A = arith.constant 0 : i32
    %cond3A_12 = arith.cmpi ne, %convert_element_type3A, %cond3A : i32
    scf.if %cond3A_12 {
      %dma_start3A_821 = arith.constant 16384 : i32
      %dma_start3A_822 = tpu.memref_slice %arg3[%dma_start3A_821] : memref<16400xi32, #tpu.memory_space<hbm>> -> memref<16xi32, #tpu.memory_space<hbm>>
      %dma_start3A_823 = arith.constant 16384 : i32
      %dma_start3A_824 = tpu.memref_slice %arg3[%dma_start3A_823] : memref<16400xi32, #tpu.memory_space<hbm>> -> memref<16xi32, #tpu.memory_space<hbm>>
      tpu.enqueue_dma source(%dma_start3A_824 : memref<16xi32, #tpu.memory_space<hbm>>) target(%arg28 : memref<16xi32, #tpu.memory_space<vmem>>) target_semaphore(%arg34 : memref<!tpu.dma_semaphore, #tpu.memory_space<semaphore_mem>>)
      %dma_start3A_825 = arith.constant 0 : i32
      %dma_start3A_826 = tpu.memref_slice %arg4[%dma_start3A_825] : memref<408xf32, #tpu.memory_space<hbm>> -> memref<384xf32, #tpu.memory_space<hbm>>
      %dma_start3A_827 = arith.constant 0 : i32
      %dma_start3A_828 = tpu.memref_slice %arg4[%dma_start3A_827] : memref<408xf32, #tpu.memory_space<hbm>> -> memref<384xf32, #tpu.memory_space<hbm>>
      tpu.enqueue_dma source(%dma_start3A_828 : memref<384xf32, #tpu.memory_space<hbm>>) target(%arg30 : memref<384xf32, #tpu.memory_space<vmem>>) target_semaphore(%arg34 : memref<!tpu.dma_semaphore, #tpu.memory_space<semaphore_mem>>)
      %dma_start3A_829 = arith.constant 384 : i32
      %dma_start3A_830 = tpu.memref_slice %arg4[%dma_start3A_829] : memref<408xf32, #tpu.memory_space<hbm>> -> memref<24xf32, #tpu.memory_space<hbm>>
      %dma_start3A_831 = arith.constant 384 : i32
      %dma_start3A_832 = tpu.memref_slice %arg4[%dma_start3A_831] : memref<408xf32, #tpu.memory_space<hbm>> -> memref<24xf32, #tpu.memory_space<hbm>>
      tpu.enqueue_dma source(%dma_start3A_832 : memref<24xf32, #tpu.memory_space<hbm>>) target(%arg29 : memref<24xf32, #tpu.memory_space<vmem>>) target_semaphore(%arg34 : memref<!tpu.dma_semaphore, #tpu.memory_space<semaphore_mem>>)
    } else {
    }
    %broadcast_in_dim3A = arith.constant 0.000000e+00 : f32
    %broadcast_in_dim3A_13 = vector.broadcast %broadcast_in_dim3A : f32 to vector<16xf32>
    %broadcast_in_dim3A_14 = arith.constant 1.000000e+00 : f32
    %broadcast_in_dim3A_15 = vector.broadcast %broadcast_in_dim3A_14 : f32 to vector<16xf32>
    %iota3A = tpu.iota {dimensions = array<i32: 0>} : vector<16xi32>
    %swap3A = arith.constant 0 : index
    %swap3A_16 = tpu.vector_load %arg11[%swap3A] {strides = array<i32>} : memref<16xf32, #tpu.memory_space<vmem>>, vector<16xf32>,
    tpu.vector_store %arg11[%swap3A], %broadcast_in_dim3A_13 {strides = array<i32>} : memref<16xf32, #tpu.memory_space<vmem>>, vector<16xf32>,
    %swap3A_17 = arith.constant 0 : index
    %swap3A_18 = tpu.vector_load %arg12[%swap3A_17] {strides = array<i32>} : memref<16xf32, #tpu.memory_space<vmem>>, vector<16xf32>,
    tpu.vector_store %arg12[%swap3A_17], %broadcast_in_dim3A_13 {strides = array<i32>} : memref<16xf32, #tpu.memory_space<vmem>>, vector<16xf32>,
    %swap3A_19 = arith.constant 0 : index
    %swap3A_20 = tpu.vector_load %arg13[%swap3A_19] {strides = array<i32>} : memref<16xf32, #tpu.memory_space<vmem>>, vector<16xf32>,
    tpu.vector_store %arg13[%swap3A_19], %broadcast_in_dim3A_13 {strides = array<i32>} : memref<16xf32, #tpu.memory_space<vmem>>, vector<16xf32>,
    %swap3A_21 = arith.constant 0 : index
    %swap3A_22 = tpu.vector_load %arg14[%swap3A_21] {strides = array<i32>} : memref<16xf32, #tpu.memory_space<vmem>>, vector<16xf32>,
    tpu.vector_store %arg14[%swap3A_21], %broadcast_in_dim3A_13 {strides = array<i32>} : memref<16xf32, #tpu.memory_space<vmem>>, vector<16xf32>,
    %swap3A_23 = arith.constant 0 : index
    %swap3A_24 = tpu.vector_load %arg15[%swap3A_23] {strides = array<i32>} : memref<16xf32, #tpu.memory_space<vmem>>, vector<16xf32>,
    tpu.vector_store %arg15[%swap3A_23], %broadcast_in_dim3A_13 {strides = array<i32>} : memref<16xf32, #tpu.memory_space<vmem>>, vector<16xf32>,
    %swap3A_25 = arith.constant 0 : index
    %swap3A_26 = tpu.vector_load %arg16[%swap3A_25] {strides = array<i32>} : memref<16xf32, #tpu.memory_space<vmem>>, vector<16xf32>,
    tpu.vector_store %arg16[%swap3A_25], %broadcast_in_dim3A_13 {strides = array<i32>} : memref<16xf32, #tpu.memory_space<vmem>>, vector<16xf32>,
    %swap3A_27 = arith.constant 0 : index
    %swap3A_28 = tpu.vector_load %arg17[%swap3A_27] {strides = array<i32>} : memref<16xf32, #tpu.memory_space<vmem>>, vector<16xf32>,
    tpu.vector_store %arg17[%swap3A_27], %broadcast_in_dim3A_13 {strides = array<i32>} : memref<16xf32, #tpu.memory_space<vmem>>, vector<16xf32>,
    %swap3A_29 = arith.constant 0 : index
    %swap3A_30 = tpu.vector_load %arg18[%swap3A_29] {strides = array<i32>} : memref<16xf32, #tpu.memory_space<vmem>>, vector<16xf32>,
    tpu.vector_store %arg18[%swap3A_29], %broadcast_in_dim3A_13 {strides = array<i32>} : memref<16xf32, #tpu.memory_space<vmem>>, vector<16xf32>,
    %swap3A_31 = arith.constant 0 : index
    %swap3A_32 = tpu.vector_load %arg19[%swap3A_31] {strides = array<i32>} : memref<16xf32, #tpu.memory_space<vmem>>, vector<16xf32>,
    tpu.vector_store %arg19[%swap3A_31], %broadcast_in_dim3A_13 {strides = array<i32>} : memref<16xf32, #tpu.memory_space<vmem>>, vector<16xf32>,
    %swap3A_33 = arith.constant 0 : index
    %swap3A_34 = tpu.vector_load %arg20[%swap3A_33] {strides = array<i32>} : memref<16xf32, #tpu.memory_space<vmem>>, vector<16xf32>,
    tpu.vector_store %arg20[%swap3A_33], %broadcast_in_dim3A_13 {strides = array<i32>} : memref<16xf32, #tpu.memory_space<vmem>>, vector<16xf32>,
    %swap3A_35 = arith.constant 0 : index
    %swap3A_36 = tpu.vector_load %arg21[%swap3A_35] {strides = array<i32>} : memref<16xf32, #tpu.memory_space<vmem>>, vector<16xf32>,
    tpu.vector_store %arg21[%swap3A_35], %broadcast_in_dim3A_13 {strides = array<i32>} : memref<16xf32, #tpu.memory_space<vmem>>, vector<16xf32>,
    %swap3A_37 = arith.constant 0 : index
    %swap3A_38 = tpu.vector_load %arg22[%swap3A_37] {strides = array<i32>} : memref<16xf32, #tpu.memory_space<vmem>>, vector<16xf32>,
    tpu.vector_store %arg22[%swap3A_37], %broadcast_in_dim3A_13 {strides = array<i32>} : memref<16xf32, #tpu.memory_space<vmem>>, vector<16xf32>,
    %swap3A_39 = arith.constant 0 : index
    %swap3A_40 = tpu.vector_load %arg23[%swap3A_39] {strides = array<i32>} : memref<16xf32, #tpu.memory_space<vmem>>, vector<16xf32>,
    tpu.vector_store %arg23[%swap3A_39], %broadcast_in_dim3A_13 {strides = array<i32>} : memref<16xf32, #tpu.memory_space<vmem>>, vector<16xf32>,
    %swap3A_41 = arith.constant 0 : index
    %swap3A_42 = tpu.vector_load %arg24[%swap3A_41] {strides = array<i32>} : memref<16xf32, #tpu.memory_space<vmem>>, vector<16xf32>,
    tpu.vector_store %arg24[%swap3A_41], %broadcast_in_dim3A_13 {strides = array<i32>} : memref<16xf32, #tpu.memory_space<vmem>>, vector<16xf32>,
    %swap3A_43 = arith.constant 0 : index
    %swap3A_44 = tpu.vector_load %arg25[%swap3A_43] {strides = array<i32>} : memref<16xf32, #tpu.memory_space<vmem>>, vector<16xf32>,
    tpu.vector_store %arg25[%swap3A_43], %broadcast_in_dim3A_13 {strides = array<i32>} : memref<16xf32, #tpu.memory_space<vmem>>, vector<16xf32>,
    %swap3A_45 = arith.constant 0 : index
    %swap3A_46 = tpu.vector_load %arg26[%swap3A_45] {strides = array<i32>} : memref<16xf32, #tpu.memory_space<vmem>>, vector<16xf32>,
    tpu.vector_store %arg26[%swap3A_45], %broadcast_in_dim3A_13 {strides = array<i32>} : memref<16xf32, #tpu.memory_space<vmem>>, vector<16xf32>,
    %dma_wait3A = tpu.memref_slice %arg2[%mul3A_0] : memref<49152xf32, #tpu.memory_space<hbm>> -> memref<1024xf32, #tpu.memory_space<hbm>>
    %dma_wait3A_47 = tpu.memref_slice %arg2[%mul3A_0] : memref<49152xf32, #tpu.memory_space<hbm>> -> memref<1024xf32, #tpu.memory_space<hbm>>
    tpu.wait_dma2 semaphore(%arg33 : memref<!tpu.dma_semaphore, #tpu.memory_space<semaphore_mem>>) src(%dma_wait3A_47 : memref<1024xf32, #tpu.memory_space<hbm>>) dst(%arg7 : memref<1024xf32, #tpu.memory_space<vmem>>)
    %dma_wait3A_48 = tpu.memref_slice %arg2[%add3A_2] : memref<49152xf32, #tpu.memory_space<hbm>> -> memref<1024xf32, #tpu.memory_space<hbm>>
    %dma_wait3A_49 = tpu.memref_slice %arg2[%add3A_2] : memref<49152xf32, #tpu.memory_space<hbm>> -> memref<1024xf32, #tpu.memory_space<hbm>>
    tpu.wait_dma2 semaphore(%arg33 : memref<!tpu.dma_semaphore, #tpu.memory_space<semaphore_mem>>) src(%dma_wait3A_49 : memref<1024xf32, #tpu.memory_space<hbm>>) dst(%arg8 : memref<1024xf32, #tpu.memory_space<vmem>>)
    %dma_wait3A_50 = tpu.memref_slice %arg3[%mul3A_0] : memref<16400xi32, #tpu.memory_space<hbm>> -> memref<1024xi32, #tpu.memory_space<hbm>>
    %dma_wait3A_51 = tpu.memref_slice %arg3[%mul3A_0] : memref<16400xi32, #tpu.memory_space<hbm>> -> memref<1024xi32, #tpu.memory_space<hbm>>
    tpu.wait_dma2 semaphore(%arg33 : memref<!tpu.dma_semaphore, #tpu.memory_space<semaphore_mem>>) src(%dma_wait3A_51 : memref<1024xi32, #tpu.memory_space<hbm>>) dst(%arg9 : memref<1024xi32, #tpu.memory_space<vmem>>)
    %dma_wait3A_52 = tpu.memref_slice %arg2[%add3A_8] : memref<49152xf32, #tpu.memory_space<hbm>> -> memref<1024xf32, #tpu.memory_space<hbm>>
    %dma_wait3A_53 = tpu.memref_slice %arg2[%add3A_8] : memref<49152xf32, #tpu.memory_space<hbm>> -> memref<1024xf32, #tpu.memory_space<hbm>>
    tpu.wait_dma2 semaphore(%arg33 : memref<!tpu.dma_semaphore, #tpu.memory_space<semaphore_mem>>) src(%dma_wait3A_53 : memref<1024xf32, #tpu.memory_space<hbm>>) dst(%arg10 : memref<1024xf32, #tpu.memory_space<vmem>>)
    %get3A = arith.constant 0 : index
    %get3A_54 = tpu.vector_load %arg7[%get3A] {strides = array<i32>} : memref<1024xf32, #tpu.memory_space<vmem>>, vector<16xf32>,
    %get3A_55 = arith.constant 0 : index
    %get3A_56 = tpu.vector_load %arg8[%get3A_55] {strides = array<i32>} : memref<1024xf32, #tpu.memory_space<vmem>>, vector<16xf32>,
    %get3A_57 = arith.constant 0 : index
    %get3A_58 = tpu.vector_load %arg9[%get3A_57] {strides = array<i32>} : memref<1024xi32, #tpu.memory_space<vmem>>, vector<16xi32>,
    %get3A_59 = arith.constant 0 : index
    %get3A_60 = tpu.vector_load %arg10[%get3A_59] {strides = array<i32>} : memref<1024xf32, #tpu.memory_space<vmem>>, vector<16xf32>,
    %bitcast3A = vector.bitcast %get3A_60 : vector<16xf32> to vector<16xi32>
    %ne3A = arith.cmpi ne, %bitcast3A, %get3A_58 : vector<16xi32>
    tpu.vector_store_idx %arg11[%get3A_58], %broadcast_in_dim3A_15 {add = true} : memref<16xf32, #tpu.memory_space<vmem>>[vector<16xi32>], vector<16xf32>,
    tpu.vector_store_idx %arg19[%get3A_58], %get3A_56 {add = true} : memref<16xf32, #tpu.memory_space<vmem>>[vector<16xi32>], vector<16xf32>,
    tpu.vector_store_idx %arg12[%bitcast3A], %broadcast_in_dim3A_15 masked %ne3A {add = true} : memref<16xf32, #tpu.memory_space<vmem>>[vector<16xi32>], vector<16xf32>, vector<16xi1>
    tpu.vector_store_idx %arg20[%bitcast3A], %get3A_56 masked %ne3A {add = true} : memref<16xf32, #tpu.memory_space<vmem>>[vector<16xi32>], vector<16xf32>, vector<16xi1>
    %add3A_61 = arith.addf %broadcast_in_dim3A_13, %get3A_54 : vector<16xf32>
    %get3A_62 = arith.constant 16 : index
    %get3A_63 = tpu.vector_load %arg7[%get3A_62] {strides = array<i32>} : memref<1024xf32, #tpu.memory_space<vmem>>, vector<16xf32>,
    %get3A_64 = arith.constant 16 : index
    %get3A_65 = tpu.vector_load %arg8[%get3A_64] {strides = array<i32>} : memref<1024xf32, #tpu.memory_space<vmem>>, vector<16xf32>,
    %get3A_66 = arith.constant 16 : index
    %get3A_67 = tpu.vector_load %arg9[%get3A_66] {strides = array<i32>} : memref<1024xi32, #tpu.memory_space<vmem>>, vector<16xi32>,
    %get3A_68 = arith.constant 16 : index
    %get3A_69 = tpu.vector_load %arg10[%get3A_68] {strides = array<i32>} : memref<1024xf32, #tpu.memory_space<vmem>>, vector<16xf32>,
    %bitcast3A_70 = vector.bitcast %get3A_69 : vector<16xf32> to vector<16xi32>
    %ne3A_71 = arith.cmpi ne, %bitcast3A_70, %get3A_67 : vector<16xi32>
    tpu.vector_store_idx %arg13[%get3A_67], %broadcast_in_dim3A_15 {add = true} : memref<16xf32, #tpu.memory_space<vmem>>[vector<16xi32>], vector<16xf32>,
    tpu.vector_store_idx %arg21[%get3A_67], %get3A_65 {add = true} : memref<16xf32, #tpu.memory_space<vmem>>[vector<16xi32>], vector<16xf32>,
    tpu.vector_store_idx %arg14[%bitcast3A_70], %broadcast_in_dim3A_15 masked %ne3A_71 {add = true} : memref<16xf32, #tpu.memory_space<vmem>>[vector<16xi32>], vector<16xf32>, vector<16xi1>
    tpu.vector_store_idx %arg22[%bitcast3A_70], %get3A_65 masked %ne3A_71 {add = true} : memref<16xf32, #tpu.memory_space<vmem>>[vector<16xi32>], vector<16xf32>, vector<16xi1>
    %add3A_72 = arith.addf %broadcast_in_dim3A_13, %get3A_63 : vector<16xf32>
    %get3A_73 = arith.constant 32 : index
    %get3A_74 = tpu.vector_load %arg7[%get3A_73] {strides = array<i32>} : memref<1024xf32, #tpu.memory_space<vmem>>, vector<16xf32>,
    %get3A_75 = arith.constant 32 : index
    %get3A_76 = tpu.vector_load %arg8[%get3A_75] {strides = array<i32>} : memref<1024xf32, #tpu.memory_space<vmem>>, vector<16xf32>,
    %get3A_77 = arith.constant 32 : index
    %get3A_78 = tpu.vector_load %arg9[%get3A_77] {strides = array<i32>} : memref<1024xi32, #tpu.memory_space<vmem>>, vector<16xi32>,
    %get3A_79 = arith.constant 32 : index
    %get3A_80 = tpu.vector_load %arg10[%get3A_79] {strides = array<i32>} : memref<1024xf32, #tpu.memory_space<vmem>>, vector<16xf32>,
    %bitcast3A_81 = vector.bitcast %get3A_80 : vector<16xf32> to vector<16xi32>
    %ne3A_82 = arith.cmpi ne, %bitcast3A_81, %get3A_78 : vector<16xi32>
    tpu.vector_store_idx %arg15[%get3A_78], %broadcast_in_dim3A_15 {add = true} : memref<16xf32, #tpu.memory_space<vmem>>[vector<16xi32>], vector<16xf32>,
    tpu.vector_store_idx %arg23[%get3A_78], %get3A_76 {add = true} : memref<16xf32, #tpu.memory_space<vmem>>[vector<16xi32>], vector<16xf32>,
    tpu.vector_store_idx %arg16[%bitcast3A_81], %broadcast_in_dim3A_15 masked %ne3A_82 {add = true} : memref<16xf32, #tpu.memory_space<vmem>>[vector<16xi32>], vector<16xf32>, vector<16xi1>
    tpu.vector_store_idx %arg24[%bitcast3A_81], %get3A_76 masked %ne3A_82 {add = true} : memref<16xf32, #tpu.memory_space<vmem>>[vector<16xi32>], vector<16xf32>, vector<16xi1>
    %add3A_83 = arith.addf %broadcast_in_dim3A_13, %get3A_74 : vector<16xf32>
    %get3A_84 = arith.constant 48 : index
    %get3A_85 = tpu.vector_load %arg7[%get3A_84] {strides = array<i32>} : memref<1024xf32, #tpu.memory_space<vmem>>, vector<16xf32>,
    %get3A_86 = arith.constant 48 : index
    %get3A_87 = tpu.vector_load %arg8[%get3A_86] {strides = array<i32>} : memref<1024xf32, #tpu.memory_space<vmem>>, vector<16xf32>,
    %get3A_88 = arith.constant 48 : index
    %get3A_89 = tpu.vector_load %arg9[%get3A_88] {strides = array<i32>} : memref<1024xi32, #tpu.memory_space<vmem>>, vector<16xi32>,
    %get3A_90 = arith.constant 48 : index
    %get3A_91 = tpu.vector_load %arg10[%get3A_90] {strides = array<i32>} : memref<1024xf32, #tpu.memory_space<vmem>>, vector<16xf32>,
    %bitcast3A_92 = vector.bitcast %get3A_91 : vector<16xf32> to vector<16xi32>
    %ne3A_93 = arith.cmpi ne, %bitcast3A_92, %get3A_89 : vector<16xi32>
    tpu.vector_store_idx %arg17[%get3A_89], %broadcast_in_dim3A_15 {add = true} : memref<16xf32, #tpu.memory_space<vmem>>[vector<16xi32>], vector<16xf32>,
    tpu.vector_store_idx %arg25[%get3A_89], %get3A_87 {add = true} : memref<16xf32, #tpu.memory_space<vmem>>[vector<16xi32>], vector<16xf32>,
    tpu.vector_store_idx %arg18[%bitcast3A_92], %broadcast_in_dim3A_15 masked %ne3A_93 {add = true} : memref<16xf32, #tpu.memory_space<vmem>>[vector<16xi32>], vector<16xf32>, vector<16xi1>
    tpu.vector_store_idx %arg26[%bitcast3A_92], %get3A_87 masked %ne3A_93 {add = true} : memref<16xf32, #tpu.memory_space<vmem>>[vector<16xi32>], vector<16xf32>, vector<16xi1>
    %add3A_94 = arith.addf %broadcast_in_dim3A_13, %get3A_85 : vector<16xf32>
    %get3A_95 = arith.constant 64 : index
    %get3A_96 = tpu.vector_load %arg7[%get3A_95] {strides = array<i32>} : memref<1024xf32, #tpu.memory_space<vmem>>, vector<16xf32>,
    %get3A_97 = arith.constant 64 : index
    %get3A_98 = tpu.vector_load %arg8[%get3A_97] {strides = array<i32>} : memref<1024xf32, #tpu.memory_space<vmem>>, vector<16xf32>,
    %get3A_99 = arith.constant 64 : index
    %get3A_100 = tpu.vector_load %arg9[%get3A_99] {strides = array<i32>} : memref<1024xi32, #tpu.memory_space<vmem>>, vector<16xi32>,
    %get3A_101 = arith.constant 64 : index
    %get3A_102 = tpu.vector_load %arg10[%get3A_101] {strides = array<i32>} : memref<1024xf32, #tpu.memory_space<vmem>>, vector<16xf32>,
    %bitcast3A_103 = vector.bitcast %get3A_102 : vector<16xf32> to vector<16xi32>
    %ne3A_104 = arith.cmpi ne, %bitcast3A_103, %get3A_100 : vector<16xi32>
    tpu.vector_store_idx %arg11[%get3A_100], %broadcast_in_dim3A_15 {add = true} : memref<16xf32, #tpu.memory_space<vmem>>[vector<16xi32>], vector<16xf32>,
    tpu.vector_store_idx %arg19[%get3A_100], %get3A_98 {add = true} : memref<16xf32, #tpu.memory_space<vmem>>[vector<16xi32>], vector<16xf32>,
    tpu.vector_store_idx %arg12[%bitcast3A_103], %broadcast_in_dim3A_15 masked %ne3A_104 {add = true} : memref<16xf32, #tpu.memory_space<vmem>>[vector<16xi32>], vector<16xf32>, vector<16xi1>
    tpu.vector_store_idx %arg20[%bitcast3A_103], %get3A_98 masked %ne3A_104 {add = true} : memref<16xf32, #tpu.memory_space<vmem>>[vector<16xi32>], vector<16xf32>, vector<16xi1>
    %add3A_105 = arith.addf %add3A_61, %get3A_96 : vector<16xf32>
    %get3A_106 = arith.constant 80 : index
    %get3A_107 = tpu.vector_load %arg7[%get3A_106] {strides = array<i32>} : memref<1024xf32, #tpu.memory_space<vmem>>, vector<16xf32>,
    %get3A_108 = arith.constant 80 : index
    %get3A_109 = tpu.vector_load %arg8[%get3A_108] {strides = array<i32>} : memref<1024xf32, #tpu.memory_space<vmem>>, vector<16xf32>,
    %get3A_110 = arith.constant 80 : index
    %get3A_111 = tpu.vector_load %arg9[%get3A_110] {strides = array<i32>} : memref<1024xi32, #tpu.memory_space<vmem>>, vector<16xi32>,
    %get3A_112 = arith.constant 80 : index
    %get3A_113 = tpu.vector_load %arg10[%get3A_112] {strides = array<i32>} : memref<1024xf32, #tpu.memory_space<vmem>>, vector<16xf32>,
    %bitcast3A_114 = vector.bitcast %get3A_113 : vector<16xf32> to vector<16xi32>
    %ne3A_115 = arith.cmpi ne, %bitcast3A_114, %get3A_111 : vector<16xi32>
    tpu.vector_store_idx %arg13[%get3A_111], %broadcast_in_dim3A_15 {add = true} : memref<16xf32, #tpu.memory_space<vmem>>[vector<16xi32>], vector<16xf32>,
    tpu.vector_store_idx %arg21[%get3A_111], %get3A_109 {add = true} : memref<16xf32, #tpu.memory_space<vmem>>[vector<16xi32>], vector<16xf32>,
    tpu.vector_store_idx %arg14[%bitcast3A_114], %broadcast_in_dim3A_15 masked %ne3A_115 {add = true} : memref<16xf32, #tpu.memory_space<vmem>>[vector<16xi32>], vector<16xf32>, vector<16xi1>
    tpu.vector_store_idx %arg22[%bitcast3A_114], %get3A_109 masked %ne3A_115 {add = true} : memref<16xf32, #tpu.memory_space<vmem>>[vector<16xi32>], vector<16xf32>, vector<16xi1>
    %add3A_116 = arith.addf %add3A_72, %get3A_107 : vector<16xf32>
    %get3A_117 = arith.constant 96 : index
    %get3A_118 = tpu.vector_load %arg7[%get3A_117] {strides = array<i32>} : memref<1024xf32, #tpu.memory_space<vmem>>, vector<16xf32>,
    %get3A_119 = arith.constant 96 : index
    %get3A_120 = tpu.vector_load %arg8[%get3A_119] {strides = array<i32>} : memref<1024xf32, #tpu.memory_space<vmem>>, vector<16xf32>,
    %get3A_121 = arith.constant 96 : index
    %get3A_122 = tpu.vector_load %arg9[%get3A_121] {strides = array<i32>} : memref<1024xi32, #tpu.memory_space<vmem>>, vector<16xi32>,
    %get3A_123 = arith.constant 96 : index
    %get3A_124 = tpu.vector_load %arg10[%get3A_123] {strides = array<i32>} : memref<1024xf32, #tpu.memory_space<vmem>>, vector<16xf32>,
    %bitcast3A_125 = vector.bitcast %get3A_124 : vector<16xf32> to vector<16xi32>
    %ne3A_126 = arith.cmpi ne, %bitcast3A_125, %get3A_122 : vector<16xi32>
    tpu.vector_store_idx %arg15[%get3A_122], %broadcast_in_dim3A_15 {add = true} : memref<16xf32, #tpu.memory_space<vmem>>[vector<16xi32>], vector<16xf32>,
    tpu.vector_store_idx %arg23[%get3A_122], %get3A_120 {add = true} : memref<16xf32, #tpu.memory_space<vmem>>[vector<16xi32>], vector<16xf32>,
    tpu.vector_store_idx %arg16[%bitcast3A_125], %broadcast_in_dim3A_15 masked %ne3A_126 {add = true} : memref<16xf32, #tpu.memory_space<vmem>>[vector<16xi32>], vector<16xf32>, vector<16xi1>
    tpu.vector_store_idx %arg24[%bitcast3A_125], %get3A_120 masked %ne3A_126 {add = true} : memref<16xf32, #tpu.memory_space<vmem>>[vector<16xi32>], vector<16xf32>, vector<16xi1>
    %add3A_127 = arith.addf %add3A_83, %get3A_118 : vector<16xf32>
    %get3A_128 = arith.constant 112 : index
    %get3A_129 = tpu.vector_load %arg7[%get3A_128] {strides = array<i32>} : memref<1024xf32, #tpu.memory_space<vmem>>, vector<16xf32>,
    %get3A_130 = arith.constant 112 : index
    %get3A_131 = tpu.vector_load %arg8[%get3A_130] {strides = array<i32>} : memref<1024xf32, #tpu.memory_space<vmem>>, vector<16xf32>,
    %get3A_132 = arith.constant 112 : index
    %get3A_133 = tpu.vector_load %arg9[%get3A_132] {strides = array<i32>} : memref<1024xi32, #tpu.memory_space<vmem>>, vector<16xi32>,
    %get3A_134 = arith.constant 112 : index
    %get3A_135 = tpu.vector_load %arg10[%get3A_134] {strides = array<i32>} : memref<1024xf32, #tpu.memory_space<vmem>>, vector<16xf32>,
    %bitcast3A_136 = vector.bitcast %get3A_135 : vector<16xf32> to vector<16xi32>
    %ne3A_137 = arith.cmpi ne, %bitcast3A_136, %get3A_133 : vector<16xi32>
    tpu.vector_store_idx %arg17[%get3A_133], %broadcast_in_dim3A_15 {add = true} : memref<16xf32, #tpu.memory_space<vmem>>[vector<16xi32>], vector<16xf32>,
    tpu.vector_store_idx %arg25[%get3A_133], %get3A_131 {add = true} : memref<16xf32, #tpu.memory_space<vmem>>[vector<16xi32>], vector<16xf32>,
    tpu.vector_store_idx %arg18[%bitcast3A_136], %broadcast_in_dim3A_15 masked %ne3A_137 {add = true} : memref<16xf32, #tpu.memory_space<vmem>>[vector<16xi32>], vector<16xf32>, vector<16xi1>
    tpu.vector_store_idx %arg26[%bitcast3A_136], %get3A_131 masked %ne3A_137 {add = true} : memref<16xf32, #tpu.memory_space<vmem>>[vector<16xi32>], vector<16xf32>, vector<16xi1>
    %add3A_138 = arith.addf %add3A_94, %get3A_129 : vector<16xf32>
    %get3A_139 = arith.constant 128 : index
    %get3A_140 = tpu.vector_load %arg7[%get3A_139] {strides = array<i32>} : memref<1024xf32, #tpu.memory_space<vmem>>, vector<16xf32>,
    %get3A_141 = arith.constant 128 : index
    %get3A_142 = tpu.vector_load %arg8[%get3A_141] {strides = array<i32>} : memref<1024xf32, #tpu.memory_space<vmem>>, vector<16xf32>,
    %get3A_143 = arith.constant 128 : index
    %get3A_144 = tpu.vector_load %arg9[%get3A_143] {strides = array<i32>} : memref<1024xi32, #tpu.memory_space<vmem>>, vector<16xi32>,
    %get3A_145 = arith.constant 128 : index
    %get3A_146 = tpu.vector_load %arg10[%get3A_145] {strides = array<i32>} : memref<1024xf32, #tpu.memory_space<vmem>>, vector<16xf32>,
    %bitcast3A_147 = vector.bitcast %get3A_146 : vector<16xf32> to vector<16xi32>
    %ne3A_148 = arith.cmpi ne, %bitcast3A_147, %get3A_144 : vector<16xi32>
    tpu.vector_store_idx %arg11[%get3A_144], %broadcast_in_dim3A_15 {add = true} : memref<16xf32, #tpu.memory_space<vmem>>[vector<16xi32>], vector<16xf32>,
    tpu.vector_store_idx %arg19[%get3A_144], %get3A_142 {add = true} : memref<16xf32, #tpu.memory_space<vmem>>[vector<16xi32>], vector<16xf32>,
    tpu.vector_store_idx %arg12[%bitcast3A_147], %broadcast_in_dim3A_15 masked %ne3A_148 {add = true} : memref<16xf32, #tpu.memory_space<vmem>>[vector<16xi32>], vector<16xf32>, vector<16xi1>
    tpu.vector_store_idx %arg20[%bitcast3A_147], %get3A_142 masked %ne3A_148 {add = true} : memref<16xf32, #tpu.memory_space<vmem>>[vector<16xi32>], vector<16xf32>, vector<16xi1>
    %add3A_149 = arith.addf %add3A_105, %get3A_140 : vector<16xf32>
    %get3A_150 = arith.constant 144 : index
    %get3A_151 = tpu.vector_load %arg7[%get3A_150] {strides = array<i32>} : memref<1024xf32, #tpu.memory_space<vmem>>, vector<16xf32>,
    %get3A_152 = arith.constant 144 : index
    %get3A_153 = tpu.vector_load %arg8[%get3A_152] {strides = array<i32>} : memref<1024xf32, #tpu.memory_space<vmem>>, vector<16xf32>,
    %get3A_154 = arith.constant 144 : index
    %get3A_155 = tpu.vector_load %arg9[%get3A_154] {strides = array<i32>} : memref<1024xi32, #tpu.memory_space<vmem>>, vector<16xi32>,
    %get3A_156 = arith.constant 144 : index
    %get3A_157 = tpu.vector_load %arg10[%get3A_156] {strides = array<i32>} : memref<1024xf32, #tpu.memory_space<vmem>>, vector<16xf32>,
    %bitcast3A_158 = vector.bitcast %get3A_157 : vector<16xf32> to vector<16xi32>
    %ne3A_159 = arith.cmpi ne, %bitcast3A_158, %get3A_155 : vector<16xi32>
    tpu.vector_store_idx %arg13[%get3A_155], %broadcast_in_dim3A_15 {add = true} : memref<16xf32, #tpu.memory_space<vmem>>[vector<16xi32>], vector<16xf32>,
    tpu.vector_store_idx %arg21[%get3A_155], %get3A_153 {add = true} : memref<16xf32, #tpu.memory_space<vmem>>[vector<16xi32>], vector<16xf32>,
    tpu.vector_store_idx %arg14[%bitcast3A_158], %broadcast_in_dim3A_15 masked %ne3A_159 {add = true} : memref<16xf32, #tpu.memory_space<vmem>>[vector<16xi32>], vector<16xf32>, vector<16xi1>
    tpu.vector_store_idx %arg22[%bitcast3A_158], %get3A_153 masked %ne3A_159 {add = true} : memref<16xf32, #tpu.memory_space<vmem>>[vector<16xi32>], vector<16xf32>, vector<16xi1>
    %add3A_160 = arith.addf %add3A_116, %get3A_151 : vector<16xf32>
    %get3A_161 = arith.constant 160 : index
    %get3A_162 = tpu.vector_load %arg7[%get3A_161] {strides = array<i32>} : memref<1024xf32, #tpu.memory_space<vmem>>, vector<16xf32>,
    %get3A_163 = arith.constant 160 : index
    %get3A_164 = tpu.vector_load %arg8[%get3A_163] {strides = array<i32>} : memref<1024xf32, #tpu.memory_space<vmem>>, vector<16xf32>,
    %get3A_165 = arith.constant 160 : index
    %get3A_166 = tpu.vector_load %arg9[%get3A_165] {strides = array<i32>} : memref<1024xi32, #tpu.memory_space<vmem>>, vector<16xi32>,
    %get3A_167 = arith.constant 160 : index
    %get3A_168 = tpu.vector_load %arg10[%get3A_167] {strides = array<i32>} : memref<1024xf32, #tpu.memory_space<vmem>>, vector<16xf32>,
    %bitcast3A_169 = vector.bitcast %get3A_168 : vector<16xf32> to vector<16xi32>
    %ne3A_170 = arith.cmpi ne, %bitcast3A_169, %get3A_166 : vector<16xi32>
    tpu.vector_store_idx %arg15[%get3A_166], %broadcast_in_dim3A_15 {add = true} : memref<16xf32, #tpu.memory_space<vmem>>[vector<16xi32>], vector<16xf32>,
    tpu.vector_store_idx %arg23[%get3A_166], %get3A_164 {add = true} : memref<16xf32, #tpu.memory_space<vmem>>[vector<16xi32>], vector<16xf32>,
    tpu.vector_store_idx %arg16[%bitcast3A_169], %broadcast_in_dim3A_15 masked %ne3A_170 {add = true} : memref<16xf32, #tpu.memory_space<vmem>>[vector<16xi32>], vector<16xf32>, vector<16xi1>
    tpu.vector_store_idx %arg24[%bitcast3A_169], %get3A_164 masked %ne3A_170 {add = true} : memref<16xf32, #tpu.memory_space<vmem>>[vector<16xi32>], vector<16xf32>, vector<16xi1>
    %add3A_171 = arith.addf %add3A_127, %get3A_162 : vector<16xf32>
    %get3A_172 = arith.constant 176 : index
    %get3A_173 = tpu.vector_load %arg7[%get3A_172] {strides = array<i32>} : memref<1024xf32, #tpu.memory_space<vmem>>, vector<16xf32>,
    %get3A_174 = arith.constant 176 : index
    %get3A_175 = tpu.vector_load %arg8[%get3A_174] {strides = array<i32>} : memref<1024xf32, #tpu.memory_space<vmem>>, vector<16xf32>,
    %get3A_176 = arith.constant 176 : index
    %get3A_177 = tpu.vector_load %arg9[%get3A_176] {strides = array<i32>} : memref<1024xi32, #tpu.memory_space<vmem>>, vector<16xi32>,
    %get3A_178 = arith.constant 176 : index
    %get3A_179 = tpu.vector_load %arg10[%get3A_178] {strides = array<i32>} : memref<1024xf32, #tpu.memory_space<vmem>>, vector<16xf32>,
    %bitcast3A_180 = vector.bitcast %get3A_179 : vector<16xf32> to vector<16xi32>
    %ne3A_181 = arith.cmpi ne, %bitcast3A_180, %get3A_177 : vector<16xi32>
    tpu.vector_store_idx %arg17[%get3A_177], %broadcast_in_dim3A_15 {add = true} : memref<16xf32, #tpu.memory_space<vmem>>[vector<16xi32>], vector<16xf32>,
    tpu.vector_store_idx %arg25[%get3A_177], %get3A_175 {add = true} : memref<16xf32, #tpu.memory_space<vmem>>[vector<16xi32>], vector<16xf32>,
    tpu.vector_store_idx %arg18[%bitcast3A_180], %broadcast_in_dim3A_15 masked %ne3A_181 {add = true} : memref<16xf32, #tpu.memory_space<vmem>>[vector<16xi32>], vector<16xf32>, vector<16xi1>
    tpu.vector_store_idx %arg26[%bitcast3A_180], %get3A_175 masked %ne3A_181 {add = true} : memref<16xf32, #tpu.memory_space<vmem>>[vector<16xi32>], vector<16xf32>, vector<16xi1>
    %add3A_182 = arith.addf %add3A_138, %get3A_173 : vector<16xf32>
    %get3A_183 = arith.constant 192 : index
    %get3A_184 = tpu.vector_load %arg7[%get3A_183] {strides = array<i32>} : memref<1024xf32, #tpu.memory_space<vmem>>, vector<16xf32>,
    %get3A_185 = arith.constant 192 : index
    %get3A_186 = tpu.vector_load %arg8[%get3A_185] {strides = array<i32>} : memref<1024xf32, #tpu.memory_space<vmem>>, vector<16xf32>,
    %get3A_187 = arith.constant 192 : index
    %get3A_188 = tpu.vector_load %arg9[%get3A_187] {strides = array<i32>} : memref<1024xi32, #tpu.memory_space<vmem>>, vector<16xi32>,
    %get3A_189 = arith.constant 192 : index
    %get3A_190 = tpu.vector_load %arg10[%get3A_189] {strides = array<i32>} : memref<1024xf32, #tpu.memory_space<vmem>>, vector<16xf32>,
    %bitcast3A_191 = vector.bitcast %get3A_190 : vector<16xf32> to vector<16xi32>
    %ne3A_192 = arith.cmpi ne, %bitcast3A_191, %get3A_188 : vector<16xi32>
    tpu.vector_store_idx %arg11[%get3A_188], %broadcast_in_dim3A_15 {add = true} : memref<16xf32, #tpu.memory_space<vmem>>[vector<16xi32>], vector<16xf32>,
    tpu.vector_store_idx %arg19[%get3A_188], %get3A_186 {add = true} : memref<16xf32, #tpu.memory_space<vmem>>[vector<16xi32>], vector<16xf32>,
    tpu.vector_store_idx %arg12[%bitcast3A_191], %broadcast_in_dim3A_15 masked %ne3A_192 {add = true} : memref<16xf32, #tpu.memory_space<vmem>>[vector<16xi32>], vector<16xf32>, vector<16xi1>
    tpu.vector_store_idx %arg20[%bitcast3A_191], %get3A_186 masked %ne3A_192 {add = true} : memref<16xf32, #tpu.memory_space<vmem>>[vector<16xi32>], vector<16xf32>, vector<16xi1>
    %add3A_193 = arith.addf %add3A_149, %get3A_184 : vector<16xf32>
    %get3A_194 = arith.constant 208 : index
    %get3A_195 = tpu.vector_load %arg7[%get3A_194] {strides = array<i32>} : memref<1024xf32, #tpu.memory_space<vmem>>, vector<16xf32>,
    %get3A_196 = arith.constant 208 : index
    %get3A_197 = tpu.vector_load %arg8[%get3A_196] {strides = array<i32>} : memref<1024xf32, #tpu.memory_space<vmem>>, vector<16xf32>,
    %get3A_198 = arith.constant 208 : index
    %get3A_199 = tpu.vector_load %arg9[%get3A_198] {strides = array<i32>} : memref<1024xi32, #tpu.memory_space<vmem>>, vector<16xi32>,
    %get3A_200 = arith.constant 208 : index
    %get3A_201 = tpu.vector_load %arg10[%get3A_200] {strides = array<i32>} : memref<1024xf32, #tpu.memory_space<vmem>>, vector<16xf32>,
    %bitcast3A_202 = vector.bitcast %get3A_201 : vector<16xf32> to vector<16xi32>
    %ne3A_203 = arith.cmpi ne, %bitcast3A_202, %get3A_199 : vector<16xi32>
    tpu.vector_store_idx %arg13[%get3A_199], %broadcast_in_dim3A_15 {add = true} : memref<16xf32, #tpu.memory_space<vmem>>[vector<16xi32>], vector<16xf32>,
    tpu.vector_store_idx %arg21[%get3A_199], %get3A_197 {add = true} : memref<16xf32, #tpu.memory_space<vmem>>[vector<16xi32>], vector<16xf32>,
    tpu.vector_store_idx %arg14[%bitcast3A_202], %broadcast_in_dim3A_15 masked %ne3A_203 {add = true} : memref<16xf32, #tpu.memory_space<vmem>>[vector<16xi32>], vector<16xf32>, vector<16xi1>
    tpu.vector_store_idx %arg22[%bitcast3A_202], %get3A_197 masked %ne3A_203 {add = true} : memref<16xf32, #tpu.memory_space<vmem>>[vector<16xi32>], vector<16xf32>, vector<16xi1>
    %add3A_204 = arith.addf %add3A_160, %get3A_195 : vector<16xf32>
    %get3A_205 = arith.constant 224 : index
    %get3A_206 = tpu.vector_load %arg7[%get3A_205] {strides = array<i32>} : memref<1024xf32, #tpu.memory_space<vmem>>, vector<16xf32>,
    %get3A_207 = arith.constant 224 : index
    %get3A_208 = tpu.vector_load %arg8[%get3A_207] {strides = array<i32>} : memref<1024xf32, #tpu.memory_space<vmem>>, vector<16xf32>,
    %get3A_209 = arith.constant 224 : index
    %get3A_210 = tpu.vector_load %arg9[%get3A_209] {strides = array<i32>} : memref<1024xi32, #tpu.memory_space<vmem>>, vector<16xi32>,
    %get3A_211 = arith.constant 224 : index
    %get3A_212 = tpu.vector_load %arg10[%get3A_211] {strides = array<i32>} : memref<1024xf32, #tpu.memory_space<vmem>>, vector<16xf32>,
    %bitcast3A_213 = vector.bitcast %get3A_212 : vector<16xf32> to vector<16xi32>
    %ne3A_214 = arith.cmpi ne, %bitcast3A_213, %get3A_210 : vector<16xi32>
    tpu.vector_store_idx %arg15[%get3A_210], %broadcast_in_dim3A_15 {add = true} : memref<16xf32, #tpu.memory_space<vmem>>[vector<16xi32>], vector<16xf32>,
    tpu.vector_store_idx %arg23[%get3A_210], %get3A_208 {add = true} : memref<16xf32, #tpu.memory_space<vmem>>[vector<16xi32>], vector<16xf32>,
    tpu.vector_store_idx %arg16[%bitcast3A_213], %broadcast_in_dim3A_15 masked %ne3A_214 {add = true} : memref<16xf32, #tpu.memory_space<vmem>>[vector<16xi32>], vector<16xf32>, vector<16xi1>
    tpu.vector_store_idx %arg24[%bitcast3A_213], %get3A_208 masked %ne3A_214 {add = true} : memref<16xf32, #tpu.memory_space<vmem>>[vector<16xi32>], vector<16xf32>, vector<16xi1>
    %add3A_215 = arith.addf %add3A_171, %get3A_206 : vector<16xf32>
    %get3A_216 = arith.constant 240 : index
    %get3A_217 = tpu.vector_load %arg7[%get3A_216] {strides = array<i32>} : memref<1024xf32, #tpu.memory_space<vmem>>, vector<16xf32>,
    %get3A_218 = arith.constant 240 : index
    %get3A_219 = tpu.vector_load %arg8[%get3A_218] {strides = array<i32>} : memref<1024xf32, #tpu.memory_space<vmem>>, vector<16xf32>,
    %get3A_220 = arith.constant 240 : index
    %get3A_221 = tpu.vector_load %arg9[%get3A_220] {strides = array<i32>} : memref<1024xi32, #tpu.memory_space<vmem>>, vector<16xi32>,
    %get3A_222 = arith.constant 240 : index
    %get3A_223 = tpu.vector_load %arg10[%get3A_222] {strides = array<i32>} : memref<1024xf32, #tpu.memory_space<vmem>>, vector<16xf32>,
    %bitcast3A_224 = vector.bitcast %get3A_223 : vector<16xf32> to vector<16xi32>
    %ne3A_225 = arith.cmpi ne, %bitcast3A_224, %get3A_221 : vector<16xi32>
    tpu.vector_store_idx %arg17[%get3A_221], %broadcast_in_dim3A_15 {add = true} : memref<16xf32, #tpu.memory_space<vmem>>[vector<16xi32>], vector<16xf32>,
    tpu.vector_store_idx %arg25[%get3A_221], %get3A_219 {add = true} : memref<16xf32, #tpu.memory_space<vmem>>[vector<16xi32>], vector<16xf32>,
    tpu.vector_store_idx %arg18[%bitcast3A_224], %broadcast_in_dim3A_15 masked %ne3A_225 {add = true} : memref<16xf32, #tpu.memory_space<vmem>>[vector<16xi32>], vector<16xf32>, vector<16xi1>
    tpu.vector_store_idx %arg26[%bitcast3A_224], %get3A_219 masked %ne3A_225 {add = true} : memref<16xf32, #tpu.memory_space<vmem>>[vector<16xi32>], vector<16xf32>, vector<16xi1>
    %add3A_226 = arith.addf %add3A_182, %get3A_217 : vector<16xf32>
    %get3A_227 = arith.constant 256 : index
    %get3A_228 = tpu.vector_load %arg7[%get3A_227] {strides = array<i32>} : memref<1024xf32, #tpu.memory_space<vmem>>, vector<16xf32>,
    %get3A_229 = arith.constant 256 : index
    %get3A_230 = tpu.vector_load %arg8[%get3A_229] {strides = array<i32>} : memref<1024xf32, #tpu.memory_space<vmem>>, vector<16xf32>,
    %get3A_231 = arith.constant 256 : index
    %get3A_232 = tpu.vector_load %arg9[%get3A_231] {strides = array<i32>} : memref<1024xi32, #tpu.memory_space<vmem>>, vector<16xi32>,
    %get3A_233 = arith.constant 256 : index
    %get3A_234 = tpu.vector_load %arg10[%get3A_233] {strides = array<i32>} : memref<1024xf32, #tpu.memory_space<vmem>>, vector<16xf32>,
    %bitcast3A_235 = vector.bitcast %get3A_234 : vector<16xf32> to vector<16xi32>
    %ne3A_236 = arith.cmpi ne, %bitcast3A_235, %get3A_232 : vector<16xi32>
    tpu.vector_store_idx %arg11[%get3A_232], %broadcast_in_dim3A_15 {add = true} : memref<16xf32, #tpu.memory_space<vmem>>[vector<16xi32>], vector<16xf32>,
    tpu.vector_store_idx %arg19[%get3A_232], %get3A_230 {add = true} : memref<16xf32, #tpu.memory_space<vmem>>[vector<16xi32>], vector<16xf32>,
    tpu.vector_store_idx %arg12[%bitcast3A_235], %broadcast_in_dim3A_15 masked %ne3A_236 {add = true} : memref<16xf32, #tpu.memory_space<vmem>>[vector<16xi32>], vector<16xf32>, vector<16xi1>
    tpu.vector_store_idx %arg20[%bitcast3A_235], %get3A_230 masked %ne3A_236 {add = true} : memref<16xf32, #tpu.memory_space<vmem>>[vector<16xi32>], vector<16xf32>, vector<16xi1>
    %add3A_237 = arith.addf %add3A_193, %get3A_228 : vector<16xf32>
    %get3A_238 = arith.constant 272 : index
    %get3A_239 = tpu.vector_load %arg7[%get3A_238] {strides = array<i32>} : memref<1024xf32, #tpu.memory_space<vmem>>, vector<16xf32>,
    %get3A_240 = arith.constant 272 : index
    %get3A_241 = tpu.vector_load %arg8[%get3A_240] {strides = array<i32>} : memref<1024xf32, #tpu.memory_space<vmem>>, vector<16xf32>,
    %get3A_242 = arith.constant 272 : index
    %get3A_243 = tpu.vector_load %arg9[%get3A_242] {strides = array<i32>} : memref<1024xi32, #tpu.memory_space<vmem>>, vector<16xi32>,
    %get3A_244 = arith.constant 272 : index
    %get3A_245 = tpu.vector_load %arg10[%get3A_244] {strides = array<i32>} : memref<1024xf32, #tpu.memory_space<vmem>>, vector<16xf32>,
    %bitcast3A_246 = vector.bitcast %get3A_245 : vector<16xf32> to vector<16xi32>
    %ne3A_247 = arith.cmpi ne, %bitcast3A_246, %get3A_243 : vector<16xi32>
    tpu.vector_store_idx %arg13[%get3A_243], %broadcast_in_dim3A_15 {add = true} : memref<16xf32, #tpu.memory_space<vmem>>[vector<16xi32>], vector<16xf32>,
    tpu.vector_store_idx %arg21[%get3A_243], %get3A_241 {add = true} : memref<16xf32, #tpu.memory_space<vmem>>[vector<16xi32>], vector<16xf32>,
    tpu.vector_store_idx %arg14[%bitcast3A_246], %broadcast_in_dim3A_15 masked %ne3A_247 {add = true} : memref<16xf32, #tpu.memory_space<vmem>>[vector<16xi32>], vector<16xf32>, vector<16xi1>
    tpu.vector_store_idx %arg22[%bitcast3A_246], %get3A_241 masked %ne3A_247 {add = true} : memref<16xf32, #tpu.memory_space<vmem>>[vector<16xi32>], vector<16xf32>, vector<16xi1>
    %add3A_248 = arith.addf %add3A_204, %get3A_239 : vector<16xf32>
    %get3A_249 = arith.constant 288 : index
    %get3A_250 = tpu.vector_load %arg7[%get3A_249] {strides = array<i32>} : memref<1024xf32, #tpu.memory_space<vmem>>, vector<16xf32>,
    %get3A_251 = arith.constant 288 : index
    %get3A_252 = tpu.vector_load %arg8[%get3A_251] {strides = array<i32>} : memref<1024xf32, #tpu.memory_space<vmem>>, vector<16xf32>,
    %get3A_253 = arith.constant 288 : index
    %get3A_254 = tpu.vector_load %arg9[%get3A_253] {strides = array<i32>} : memref<1024xi32, #tpu.memory_space<vmem>>, vector<16xi32>,
    %get3A_255 = arith.constant 288 : index
    %get3A_256 = tpu.vector_load %arg10[%get3A_255] {strides = array<i32>} : memref<1024xf32, #tpu.memory_space<vmem>>, vector<16xf32>,
    %bitcast3A_257 = vector.bitcast %get3A_256 : vector<16xf32> to vector<16xi32>
    %ne3A_258 = arith.cmpi ne, %bitcast3A_257, %get3A_254 : vector<16xi32>
    tpu.vector_store_idx %arg15[%get3A_254], %broadcast_in_dim3A_15 {add = true} : memref<16xf32, #tpu.memory_space<vmem>>[vector<16xi32>], vector<16xf32>,
    tpu.vector_store_idx %arg23[%get3A_254], %get3A_252 {add = true} : memref<16xf32, #tpu.memory_space<vmem>>[vector<16xi32>], vector<16xf32>,
    tpu.vector_store_idx %arg16[%bitcast3A_257], %broadcast_in_dim3A_15 masked %ne3A_258 {add = true} : memref<16xf32, #tpu.memory_space<vmem>>[vector<16xi32>], vector<16xf32>, vector<16xi1>
    tpu.vector_store_idx %arg24[%bitcast3A_257], %get3A_252 masked %ne3A_258 {add = true} : memref<16xf32, #tpu.memory_space<vmem>>[vector<16xi32>], vector<16xf32>, vector<16xi1>
    %add3A_259 = arith.addf %add3A_215, %get3A_250 : vector<16xf32>
    %get3A_260 = arith.constant 304 : index
    %get3A_261 = tpu.vector_load %arg7[%get3A_260] {strides = array<i32>} : memref<1024xf32, #tpu.memory_space<vmem>>, vector<16xf32>,
    %get3A_262 = arith.constant 304 : index
    %get3A_263 = tpu.vector_load %arg8[%get3A_262] {strides = array<i32>} : memref<1024xf32, #tpu.memory_space<vmem>>, vector<16xf32>,
    %get3A_264 = arith.constant 304 : index
    %get3A_265 = tpu.vector_load %arg9[%get3A_264] {strides = array<i32>} : memref<1024xi32, #tpu.memory_space<vmem>>, vector<16xi32>,
    %get3A_266 = arith.constant 304 : index
    %get3A_267 = tpu.vector_load %arg10[%get3A_266] {strides = array<i32>} : memref<1024xf32, #tpu.memory_space<vmem>>, vector<16xf32>,
    %bitcast3A_268 = vector.bitcast %get3A_267 : vector<16xf32> to vector<16xi32>
    %ne3A_269 = arith.cmpi ne, %bitcast3A_268, %get3A_265 : vector<16xi32>
    tpu.vector_store_idx %arg17[%get3A_265], %broadcast_in_dim3A_15 {add = true} : memref<16xf32, #tpu.memory_space<vmem>>[vector<16xi32>], vector<16xf32>,
    tpu.vector_store_idx %arg25[%get3A_265], %get3A_263 {add = true} : memref<16xf32, #tpu.memory_space<vmem>>[vector<16xi32>], vector<16xf32>,
    tpu.vector_store_idx %arg18[%bitcast3A_268], %broadcast_in_dim3A_15 masked %ne3A_269 {add = true} : memref<16xf32, #tpu.memory_space<vmem>>[vector<16xi32>], vector<16xf32>, vector<16xi1>
    tpu.vector_store_idx %arg26[%bitcast3A_268], %get3A_263 masked %ne3A_269 {add = true} : memref<16xf32, #tpu.memory_space<vmem>>[vector<16xi32>], vector<16xf32>, vector<16xi1>
    %add3A_270 = arith.addf %add3A_226, %get3A_261 : vector<16xf32>
    %get3A_271 = arith.constant 320 : index
    %get3A_272 = tpu.vector_load %arg7[%get3A_271] {strides = array<i32>} : memref<1024xf32, #tpu.memory_space<vmem>>, vector<16xf32>,
    %get3A_273 = arith.constant 320 : index
    %get3A_274 = tpu.vector_load %arg8[%get3A_273] {strides = array<i32>} : memref<1024xf32, #tpu.memory_space<vmem>>, vector<16xf32>,
    %get3A_275 = arith.constant 320 : index
    %get3A_276 = tpu.vector_load %arg9[%get3A_275] {strides = array<i32>} : memref<1024xi32, #tpu.memory_space<vmem>>, vector<16xi32>,
    %get3A_277 = arith.constant 320 : index
    %get3A_278 = tpu.vector_load %arg10[%get3A_277] {strides = array<i32>} : memref<1024xf32, #tpu.memory_space<vmem>>, vector<16xf32>,
    %bitcast3A_279 = vector.bitcast %get3A_278 : vector<16xf32> to vector<16xi32>
    %ne3A_280 = arith.cmpi ne, %bitcast3A_279, %get3A_276 : vector<16xi32>
    tpu.vector_store_idx %arg11[%get3A_276], %broadcast_in_dim3A_15 {add = true} : memref<16xf32, #tpu.memory_space<vmem>>[vector<16xi32>], vector<16xf32>,
    tpu.vector_store_idx %arg19[%get3A_276], %get3A_274 {add = true} : memref<16xf32, #tpu.memory_space<vmem>>[vector<16xi32>], vector<16xf32>,
    tpu.vector_store_idx %arg12[%bitcast3A_279], %broadcast_in_dim3A_15 masked %ne3A_280 {add = true} : memref<16xf32, #tpu.memory_space<vmem>>[vector<16xi32>], vector<16xf32>, vector<16xi1>
    tpu.vector_store_idx %arg20[%bitcast3A_279], %get3A_274 masked %ne3A_280 {add = true} : memref<16xf32, #tpu.memory_space<vmem>>[vector<16xi32>], vector<16xf32>, vector<16xi1>
    %add3A_281 = arith.addf %add3A_237, %get3A_272 : vector<16xf32>
    %get3A_282 = arith.constant 336 : index
    %get3A_283 = tpu.vector_load %arg7[%get3A_282] {strides = array<i32>} : memref<1024xf32, #tpu.memory_space<vmem>>, vector<16xf32>,
    %get3A_284 = arith.constant 336 : index
    %get3A_285 = tpu.vector_load %arg8[%get3A_284] {strides = array<i32>} : memref<1024xf32, #tpu.memory_space<vmem>>, vector<16xf32>,
    %get3A_286 = arith.constant 336 : index
    %get3A_287 = tpu.vector_load %arg9[%get3A_286] {strides = array<i32>} : memref<1024xi32, #tpu.memory_space<vmem>>, vector<16xi32>,
    %get3A_288 = arith.constant 336 : index
    %get3A_289 = tpu.vector_load %arg10[%get3A_288] {strides = array<i32>} : memref<1024xf32, #tpu.memory_space<vmem>>, vector<16xf32>,
    %bitcast3A_290 = vector.bitcast %get3A_289 : vector<16xf32> to vector<16xi32>
    %ne3A_291 = arith.cmpi ne, %bitcast3A_290, %get3A_287 : vector<16xi32>
    tpu.vector_store_idx %arg13[%get3A_287], %broadcast_in_dim3A_15 {add = true} : memref<16xf32, #tpu.memory_space<vmem>>[vector<16xi32>], vector<16xf32>,
    tpu.vector_store_idx %arg21[%get3A_287], %get3A_285 {add = true} : memref<16xf32, #tpu.memory_space<vmem>>[vector<16xi32>], vector<16xf32>,
    tpu.vector_store_idx %arg14[%bitcast3A_290], %broadcast_in_dim3A_15 masked %ne3A_291 {add = true} : memref<16xf32, #tpu.memory_space<vmem>>[vector<16xi32>], vector<16xf32>, vector<16xi1>
    tpu.vector_store_idx %arg22[%bitcast3A_290], %get3A_285 masked %ne3A_291 {add = true} : memref<16xf32, #tpu.memory_space<vmem>>[vector<16xi32>], vector<16xf32>, vector<16xi1>
    %add3A_292 = arith.addf %add3A_248, %get3A_283 : vector<16xf32>
    %get3A_293 = arith.constant 352 : index
    %get3A_294 = tpu.vector_load %arg7[%get3A_293] {strides = array<i32>} : memref<1024xf32, #tpu.memory_space<vmem>>, vector<16xf32>,
    %get3A_295 = arith.constant 352 : index
    %get3A_296 = tpu.vector_load %arg8[%get3A_295] {strides = array<i32>} : memref<1024xf32, #tpu.memory_space<vmem>>, vector<16xf32>,
    %get3A_297 = arith.constant 352 : index
    %get3A_298 = tpu.vector_load %arg9[%get3A_297] {strides = array<i32>} : memref<1024xi32, #tpu.memory_space<vmem>>, vector<16xi32>,
    %get3A_299 = arith.constant 352 : index
    %get3A_300 = tpu.vector_load %arg10[%get3A_299] {strides = array<i32>} : memref<1024xf32, #tpu.memory_space<vmem>>, vector<16xf32>,
    %bitcast3A_301 = vector.bitcast %get3A_300 : vector<16xf32> to vector<16xi32>
    %ne3A_302 = arith.cmpi ne, %bitcast3A_301, %get3A_298 : vector<16xi32>
    tpu.vector_store_idx %arg15[%get3A_298], %broadcast_in_dim3A_15 {add = true} : memref<16xf32, #tpu.memory_space<vmem>>[vector<16xi32>], vector<16xf32>,
    tpu.vector_store_idx %arg23[%get3A_298], %get3A_296 {add = true} : memref<16xf32, #tpu.memory_space<vmem>>[vector<16xi32>], vector<16xf32>,
    tpu.vector_store_idx %arg16[%bitcast3A_301], %broadcast_in_dim3A_15 masked %ne3A_302 {add = true} : memref<16xf32, #tpu.memory_space<vmem>>[vector<16xi32>], vector<16xf32>, vector<16xi1>
    tpu.vector_store_idx %arg24[%bitcast3A_301], %get3A_296 masked %ne3A_302 {add = true} : memref<16xf32, #tpu.memory_space<vmem>>[vector<16xi32>], vector<16xf32>, vector<16xi1>
    %add3A_303 = arith.addf %add3A_259, %get3A_294 : vector<16xf32>
    %get3A_304 = arith.constant 368 : index
    %get3A_305 = tpu.vector_load %arg7[%get3A_304] {strides = array<i32>} : memref<1024xf32, #tpu.memory_space<vmem>>, vector<16xf32>,
    %get3A_306 = arith.constant 368 : index
    %get3A_307 = tpu.vector_load %arg8[%get3A_306] {strides = array<i32>} : memref<1024xf32, #tpu.memory_space<vmem>>, vector<16xf32>,
    %get3A_308 = arith.constant 368 : index
    %get3A_309 = tpu.vector_load %arg9[%get3A_308] {strides = array<i32>} : memref<1024xi32, #tpu.memory_space<vmem>>, vector<16xi32>,
    %get3A_310 = arith.constant 368 : index
    %get3A_311 = tpu.vector_load %arg10[%get3A_310] {strides = array<i32>} : memref<1024xf32, #tpu.memory_space<vmem>>, vector<16xf32>,
    %bitcast3A_312 = vector.bitcast %get3A_311 : vector<16xf32> to vector<16xi32>
    %ne3A_313 = arith.cmpi ne, %bitcast3A_312, %get3A_309 : vector<16xi32>
    tpu.vector_store_idx %arg17[%get3A_309], %broadcast_in_dim3A_15 {add = true} : memref<16xf32, #tpu.memory_space<vmem>>[vector<16xi32>], vector<16xf32>,
    tpu.vector_store_idx %arg25[%get3A_309], %get3A_307 {add = true} : memref<16xf32, #tpu.memory_space<vmem>>[vector<16xi32>], vector<16xf32>,
    tpu.vector_store_idx %arg18[%bitcast3A_312], %broadcast_in_dim3A_15 masked %ne3A_313 {add = true} : memref<16xf32, #tpu.memory_space<vmem>>[vector<16xi32>], vector<16xf32>, vector<16xi1>
    tpu.vector_store_idx %arg26[%bitcast3A_312], %get3A_307 masked %ne3A_313 {add = true} : memref<16xf32, #tpu.memory_space<vmem>>[vector<16xi32>], vector<16xf32>, vector<16xi1>
    %add3A_314 = arith.addf %add3A_270, %get3A_305 : vector<16xf32>
    %get3A_315 = arith.constant 384 : index
    %get3A_316 = tpu.vector_load %arg7[%get3A_315] {strides = array<i32>} : memref<1024xf32, #tpu.memory_space<vmem>>, vector<16xf32>,
    %get3A_317 = arith.constant 384 : index
    %get3A_318 = tpu.vector_load %arg8[%get3A_317] {strides = array<i32>} : memref<1024xf32, #tpu.memory_space<vmem>>, vector<16xf32>,
    %get3A_319 = arith.constant 384 : index
    %get3A_320 = tpu.vector_load %arg9[%get3A_319] {strides = array<i32>} : memref<1024xi32, #tpu.memory_space<vmem>>, vector<16xi32>,
    %get3A_321 = arith.constant 384 : index
    %get3A_322 = tpu.vector_load %arg10[%get3A_321] {strides = array<i32>} : memref<1024xf32, #tpu.memory_space<vmem>>, vector<16xf32>,
    %bitcast3A_323 = vector.bitcast %get3A_322 : vector<16xf32> to vector<16xi32>
    %ne3A_324 = arith.cmpi ne, %bitcast3A_323, %get3A_320 : vector<16xi32>
    tpu.vector_store_idx %arg11[%get3A_320], %broadcast_in_dim3A_15 {add = true} : memref<16xf32, #tpu.memory_space<vmem>>[vector<16xi32>], vector<16xf32>,
    tpu.vector_store_idx %arg19[%get3A_320], %get3A_318 {add = true} : memref<16xf32, #tpu.memory_space<vmem>>[vector<16xi32>], vector<16xf32>,
    tpu.vector_store_idx %arg12[%bitcast3A_323], %broadcast_in_dim3A_15 masked %ne3A_324 {add = true} : memref<16xf32, #tpu.memory_space<vmem>>[vector<16xi32>], vector<16xf32>, vector<16xi1>
    tpu.vector_store_idx %arg20[%bitcast3A_323], %get3A_318 masked %ne3A_324 {add = true} : memref<16xf32, #tpu.memory_space<vmem>>[vector<16xi32>], vector<16xf32>, vector<16xi1>
    %add3A_325 = arith.addf %add3A_281, %get3A_316 : vector<16xf32>
    %get3A_326 = arith.constant 400 : index
    %get3A_327 = tpu.vector_load %arg7[%get3A_326] {strides = array<i32>} : memref<1024xf32, #tpu.memory_space<vmem>>, vector<16xf32>,
    %get3A_328 = arith.constant 400 : index
    %get3A_329 = tpu.vector_load %arg8[%get3A_328] {strides = array<i32>} : memref<1024xf32, #tpu.memory_space<vmem>>, vector<16xf32>,
    %get3A_330 = arith.constant 400 : index
    %get3A_331 = tpu.vector_load %arg9[%get3A_330] {strides = array<i32>} : memref<1024xi32, #tpu.memory_space<vmem>>, vector<16xi32>,
    %get3A_332 = arith.constant 400 : index
    %get3A_333 = tpu.vector_load %arg10[%get3A_332] {strides = array<i32>} : memref<1024xf32, #tpu.memory_space<vmem>>, vector<16xf32>,
    %bitcast3A_334 = vector.bitcast %get3A_333 : vector<16xf32> to vector<16xi32>
    %ne3A_335 = arith.cmpi ne, %bitcast3A_334, %get3A_331 : vector<16xi32>
    tpu.vector_store_idx %arg13[%get3A_331], %broadcast_in_dim3A_15 {add = true} : memref<16xf32, #tpu.memory_space<vmem>>[vector<16xi32>], vector<16xf32>,
    tpu.vector_store_idx %arg21[%get3A_331], %get3A_329 {add = true} : memref<16xf32, #tpu.memory_space<vmem>>[vector<16xi32>], vector<16xf32>,
    tpu.vector_store_idx %arg14[%bitcast3A_334], %broadcast_in_dim3A_15 masked %ne3A_335 {add = true} : memref<16xf32, #tpu.memory_space<vmem>>[vector<16xi32>], vector<16xf32>, vector<16xi1>
    tpu.vector_store_idx %arg22[%bitcast3A_334], %get3A_329 masked %ne3A_335 {add = true} : memref<16xf32, #tpu.memory_space<vmem>>[vector<16xi32>], vector<16xf32>, vector<16xi1>
    %add3A_336 = arith.addf %add3A_292, %get3A_327 : vector<16xf32>
    %get3A_337 = arith.constant 416 : index
    %get3A_338 = tpu.vector_load %arg7[%get3A_337] {strides = array<i32>} : memref<1024xf32, #tpu.memory_space<vmem>>, vector<16xf32>,
    %get3A_339 = arith.constant 416 : index
    %get3A_340 = tpu.vector_load %arg8[%get3A_339] {strides = array<i32>} : memref<1024xf32, #tpu.memory_space<vmem>>, vector<16xf32>,
    %get3A_341 = arith.constant 416 : index
    %get3A_342 = tpu.vector_load %arg9[%get3A_341] {strides = array<i32>} : memref<1024xi32, #tpu.memory_space<vmem>>, vector<16xi32>,
    %get3A_343 = arith.constant 416 : index
    %get3A_344 = tpu.vector_load %arg10[%get3A_343] {strides = array<i32>} : memref<1024xf32, #tpu.memory_space<vmem>>, vector<16xf32>,
    %bitcast3A_345 = vector.bitcast %get3A_344 : vector<16xf32> to vector<16xi32>
    %ne3A_346 = arith.cmpi ne, %bitcast3A_345, %get3A_342 : vector<16xi32>
    tpu.vector_store_idx %arg15[%get3A_342], %broadcast_in_dim3A_15 {add = true} : memref<16xf32, #tpu.memory_space<vmem>>[vector<16xi32>], vector<16xf32>,
    tpu.vector_store_idx %arg23[%get3A_342], %get3A_340 {add = true} : memref<16xf32, #tpu.memory_space<vmem>>[vector<16xi32>], vector<16xf32>,
    tpu.vector_store_idx %arg16[%bitcast3A_345], %broadcast_in_dim3A_15 masked %ne3A_346 {add = true} : memref<16xf32, #tpu.memory_space<vmem>>[vector<16xi32>], vector<16xf32>, vector<16xi1>
    tpu.vector_store_idx %arg24[%bitcast3A_345], %get3A_340 masked %ne3A_346 {add = true} : memref<16xf32, #tpu.memory_space<vmem>>[vector<16xi32>], vector<16xf32>, vector<16xi1>
    %add3A_347 = arith.addf %add3A_303, %get3A_338 : vector<16xf32>
    %get3A_348 = arith.constant 432 : index
    %get3A_349 = tpu.vector_load %arg7[%get3A_348] {strides = array<i32>} : memref<1024xf32, #tpu.memory_space<vmem>>, vector<16xf32>,
    %get3A_350 = arith.constant 432 : index
    %get3A_351 = tpu.vector_load %arg8[%get3A_350] {strides = array<i32>} : memref<1024xf32, #tpu.memory_space<vmem>>, vector<16xf32>,
    %get3A_352 = arith.constant 432 : index
    %get3A_353 = tpu.vector_load %arg9[%get3A_352] {strides = array<i32>} : memref<1024xi32, #tpu.memory_space<vmem>>, vector<16xi32>,
    %get3A_354 = arith.constant 432 : index
    %get3A_355 = tpu.vector_load %arg10[%get3A_354] {strides = array<i32>} : memref<1024xf32, #tpu.memory_space<vmem>>, vector<16xf32>,
    %bitcast3A_356 = vector.bitcast %get3A_355 : vector<16xf32> to vector<16xi32>
    %ne3A_357 = arith.cmpi ne, %bitcast3A_356, %get3A_353 : vector<16xi32>
    tpu.vector_store_idx %arg17[%get3A_353], %broadcast_in_dim3A_15 {add = true} : memref<16xf32, #tpu.memory_space<vmem>>[vector<16xi32>], vector<16xf32>,
    tpu.vector_store_idx %arg25[%get3A_353], %get3A_351 {add = true} : memref<16xf32, #tpu.memory_space<vmem>>[vector<16xi32>], vector<16xf32>,
    tpu.vector_store_idx %arg18[%bitcast3A_356], %broadcast_in_dim3A_15 masked %ne3A_357 {add = true} : memref<16xf32, #tpu.memory_space<vmem>>[vector<16xi32>], vector<16xf32>, vector<16xi1>
    tpu.vector_store_idx %arg26[%bitcast3A_356], %get3A_351 masked %ne3A_357 {add = true} : memref<16xf32, #tpu.memory_space<vmem>>[vector<16xi32>], vector<16xf32>, vector<16xi1>
    %add3A_358 = arith.addf %add3A_314, %get3A_349 : vector<16xf32>
    %get3A_359 = arith.constant 448 : index
    %get3A_360 = tpu.vector_load %arg7[%get3A_359] {strides = array<i32>} : memref<1024xf32, #tpu.memory_space<vmem>>, vector<16xf32>,
    %get3A_361 = arith.constant 448 : index
    %get3A_362 = tpu.vector_load %arg8[%get3A_361] {strides = array<i32>} : memref<1024xf32, #tpu.memory_space<vmem>>, vector<16xf32>,
    %get3A_363 = arith.constant 448 : index
    %get3A_364 = tpu.vector_load %arg9[%get3A_363] {strides = array<i32>} : memref<1024xi32, #tpu.memory_space<vmem>>, vector<16xi32>,
    %get3A_365 = arith.constant 448 : index
    %get3A_366 = tpu.vector_load %arg10[%get3A_365] {strides = array<i32>} : memref<1024xf32, #tpu.memory_space<vmem>>, vector<16xf32>,
    %bitcast3A_367 = vector.bitcast %get3A_366 : vector<16xf32> to vector<16xi32>
    %ne3A_368 = arith.cmpi ne, %bitcast3A_367, %get3A_364 : vector<16xi32>
    tpu.vector_store_idx %arg11[%get3A_364], %broadcast_in_dim3A_15 {add = true} : memref<16xf32, #tpu.memory_space<vmem>>[vector<16xi32>], vector<16xf32>,
    tpu.vector_store_idx %arg19[%get3A_364], %get3A_362 {add = true} : memref<16xf32, #tpu.memory_space<vmem>>[vector<16xi32>], vector<16xf32>,
    tpu.vector_store_idx %arg12[%bitcast3A_367], %broadcast_in_dim3A_15 masked %ne3A_368 {add = true} : memref<16xf32, #tpu.memory_space<vmem>>[vector<16xi32>], vector<16xf32>, vector<16xi1>
    tpu.vector_store_idx %arg20[%bitcast3A_367], %get3A_362 masked %ne3A_368 {add = true} : memref<16xf32, #tpu.memory_space<vmem>>[vector<16xi32>], vector<16xf32>, vector<16xi1>
    %add3A_369 = arith.addf %add3A_325, %get3A_360 : vector<16xf32>
    %get3A_370 = arith.constant 464 : index
    %get3A_371 = tpu.vector_load %arg7[%get3A_370] {strides = array<i32>} : memref<1024xf32, #tpu.memory_space<vmem>>, vector<16xf32>,
    %get3A_372 = arith.constant 464 : index
    %get3A_373 = tpu.vector_load %arg8[%get3A_372] {strides = array<i32>} : memref<1024xf32, #tpu.memory_space<vmem>>, vector<16xf32>,
    %get3A_374 = arith.constant 464 : index
    %get3A_375 = tpu.vector_load %arg9[%get3A_374] {strides = array<i32>} : memref<1024xi32, #tpu.memory_space<vmem>>, vector<16xi32>,
    %get3A_376 = arith.constant 464 : index
    %get3A_377 = tpu.vector_load %arg10[%get3A_376] {strides = array<i32>} : memref<1024xf32, #tpu.memory_space<vmem>>, vector<16xf32>,
    %bitcast3A_378 = vector.bitcast %get3A_377 : vector<16xf32> to vector<16xi32>
    %ne3A_379 = arith.cmpi ne, %bitcast3A_378, %get3A_375 : vector<16xi32>
    tpu.vector_store_idx %arg13[%get3A_375], %broadcast_in_dim3A_15 {add = true} : memref<16xf32, #tpu.memory_space<vmem>>[vector<16xi32>], vector<16xf32>,
    tpu.vector_store_idx %arg21[%get3A_375], %get3A_373 {add = true} : memref<16xf32, #tpu.memory_space<vmem>>[vector<16xi32>], vector<16xf32>,
    tpu.vector_store_idx %arg14[%bitcast3A_378], %broadcast_in_dim3A_15 masked %ne3A_379 {add = true} : memref<16xf32, #tpu.memory_space<vmem>>[vector<16xi32>], vector<16xf32>, vector<16xi1>
    tpu.vector_store_idx %arg22[%bitcast3A_378], %get3A_373 masked %ne3A_379 {add = true} : memref<16xf32, #tpu.memory_space<vmem>>[vector<16xi32>], vector<16xf32>, vector<16xi1>
    %add3A_380 = arith.addf %add3A_336, %get3A_371 : vector<16xf32>
    %get3A_381 = arith.constant 480 : index
    %get3A_382 = tpu.vector_load %arg7[%get3A_381] {strides = array<i32>} : memref<1024xf32, #tpu.memory_space<vmem>>, vector<16xf32>,
    %get3A_383 = arith.constant 480 : index
    %get3A_384 = tpu.vector_load %arg8[%get3A_383] {strides = array<i32>} : memref<1024xf32, #tpu.memory_space<vmem>>, vector<16xf32>,
    %get3A_385 = arith.constant 480 : index
    %get3A_386 = tpu.vector_load %arg9[%get3A_385] {strides = array<i32>} : memref<1024xi32, #tpu.memory_space<vmem>>, vector<16xi32>,
    %get3A_387 = arith.constant 480 : index
    %get3A_388 = tpu.vector_load %arg10[%get3A_387] {strides = array<i32>} : memref<1024xf32, #tpu.memory_space<vmem>>, vector<16xf32>,
    %bitcast3A_389 = vector.bitcast %get3A_388 : vector<16xf32> to vector<16xi32>
    %ne3A_390 = arith.cmpi ne, %bitcast3A_389, %get3A_386 : vector<16xi32>
    tpu.vector_store_idx %arg15[%get3A_386], %broadcast_in_dim3A_15 {add = true} : memref<16xf32, #tpu.memory_space<vmem>>[vector<16xi32>], vector<16xf32>,
    tpu.vector_store_idx %arg23[%get3A_386], %get3A_384 {add = true} : memref<16xf32, #tpu.memory_space<vmem>>[vector<16xi32>], vector<16xf32>,
    tpu.vector_store_idx %arg16[%bitcast3A_389], %broadcast_in_dim3A_15 masked %ne3A_390 {add = true} : memref<16xf32, #tpu.memory_space<vmem>>[vector<16xi32>], vector<16xf32>, vector<16xi1>
    tpu.vector_store_idx %arg24[%bitcast3A_389], %get3A_384 masked %ne3A_390 {add = true} : memref<16xf32, #tpu.memory_space<vmem>>[vector<16xi32>], vector<16xf32>, vector<16xi1>
    %add3A_391 = arith.addf %add3A_347, %get3A_382 : vector<16xf32>
    %get3A_392 = arith.constant 496 : index
    %get3A_393 = tpu.vector_load %arg7[%get3A_392] {strides = array<i32>} : memref<1024xf32, #tpu.memory_space<vmem>>, vector<16xf32>,
    %get3A_394 = arith.constant 496 : index
    %get3A_395 = tpu.vector_load %arg8[%get3A_394] {strides = array<i32>} : memref<1024xf32, #tpu.memory_space<vmem>>, vector<16xf32>,
    %get3A_396 = arith.constant 496 : index
    %get3A_397 = tpu.vector_load %arg9[%get3A_396] {strides = array<i32>} : memref<1024xi32, #tpu.memory_space<vmem>>, vector<16xi32>,
    %get3A_398 = arith.constant 496 : index
    %get3A_399 = tpu.vector_load %arg10[%get3A_398] {strides = array<i32>} : memref<1024xf32, #tpu.memory_space<vmem>>, vector<16xf32>,
    %bitcast3A_400 = vector.bitcast %get3A_399 : vector<16xf32> to vector<16xi32>
    %ne3A_401 = arith.cmpi ne, %bitcast3A_400, %get3A_397 : vector<16xi32>
    tpu.vector_store_idx %arg17[%get3A_397], %broadcast_in_dim3A_15 {add = true} : memref<16xf32, #tpu.memory_space<vmem>>[vector<16xi32>], vector<16xf32>,
    tpu.vector_store_idx %arg25[%get3A_397], %get3A_395 {add = true} : memref<16xf32, #tpu.memory_space<vmem>>[vector<16xi32>], vector<16xf32>,
    tpu.vector_store_idx %arg18[%bitcast3A_400], %broadcast_in_dim3A_15 masked %ne3A_401 {add = true} : memref<16xf32, #tpu.memory_space<vmem>>[vector<16xi32>], vector<16xf32>, vector<16xi1>
    tpu.vector_store_idx %arg26[%bitcast3A_400], %get3A_395 masked %ne3A_401 {add = true} : memref<16xf32, #tpu.memory_space<vmem>>[vector<16xi32>], vector<16xf32>, vector<16xi1>
    %add3A_402 = arith.addf %add3A_358, %get3A_393 : vector<16xf32>
    %get3A_403 = arith.constant 512 : index
    %get3A_404 = tpu.vector_load %arg7[%get3A_403] {strides = array<i32>} : memref<1024xf32, #tpu.memory_space<vmem>>, vector<16xf32>,
    %get3A_405 = arith.constant 512 : index
    %get3A_406 = tpu.vector_load %arg8[%get3A_405] {strides = array<i32>} : memref<1024xf32, #tpu.memory_space<vmem>>, vector<16xf32>,
    %get3A_407 = arith.constant 512 : index
    %get3A_408 = tpu.vector_load %arg9[%get3A_407] {strides = array<i32>} : memref<1024xi32, #tpu.memory_space<vmem>>, vector<16xi32>,
    %get3A_409 = arith.constant 512 : index
    %get3A_410 = tpu.vector_load %arg10[%get3A_409] {strides = array<i32>} : memref<1024xf32, #tpu.memory_space<vmem>>, vector<16xf32>,
    %bitcast3A_411 = vector.bitcast %get3A_410 : vector<16xf32> to vector<16xi32>
    %ne3A_412 = arith.cmpi ne, %bitcast3A_411, %get3A_408 : vector<16xi32>
    tpu.vector_store_idx %arg11[%get3A_408], %broadcast_in_dim3A_15 {add = true} : memref<16xf32, #tpu.memory_space<vmem>>[vector<16xi32>], vector<16xf32>,
    tpu.vector_store_idx %arg19[%get3A_408], %get3A_406 {add = true} : memref<16xf32, #tpu.memory_space<vmem>>[vector<16xi32>], vector<16xf32>,
    tpu.vector_store_idx %arg12[%bitcast3A_411], %broadcast_in_dim3A_15 masked %ne3A_412 {add = true} : memref<16xf32, #tpu.memory_space<vmem>>[vector<16xi32>], vector<16xf32>, vector<16xi1>
    tpu.vector_store_idx %arg20[%bitcast3A_411], %get3A_406 masked %ne3A_412 {add = true} : memref<16xf32, #tpu.memory_space<vmem>>[vector<16xi32>], vector<16xf32>, vector<16xi1>
    %add3A_413 = arith.addf %add3A_369, %get3A_404 : vector<16xf32>
    %get3A_414 = arith.constant 528 : index
    %get3A_415 = tpu.vector_load %arg7[%get3A_414] {strides = array<i32>} : memref<1024xf32, #tpu.memory_space<vmem>>, vector<16xf32>,
    %get3A_416 = arith.constant 528 : index
    %get3A_417 = tpu.vector_load %arg8[%get3A_416] {strides = array<i32>} : memref<1024xf32, #tpu.memory_space<vmem>>, vector<16xf32>,
    %get3A_418 = arith.constant 528 : index
    %get3A_419 = tpu.vector_load %arg9[%get3A_418] {strides = array<i32>} : memref<1024xi32, #tpu.memory_space<vmem>>, vector<16xi32>,
    %get3A_420 = arith.constant 528 : index
    %get3A_421 = tpu.vector_load %arg10[%get3A_420] {strides = array<i32>} : memref<1024xf32, #tpu.memory_space<vmem>>, vector<16xf32>,
    %bitcast3A_422 = vector.bitcast %get3A_421 : vector<16xf32> to vector<16xi32>
    %ne3A_423 = arith.cmpi ne, %bitcast3A_422, %get3A_419 : vector<16xi32>
    tpu.vector_store_idx %arg13[%get3A_419], %broadcast_in_dim3A_15 {add = true} : memref<16xf32, #tpu.memory_space<vmem>>[vector<16xi32>], vector<16xf32>,
    tpu.vector_store_idx %arg21[%get3A_419], %get3A_417 {add = true} : memref<16xf32, #tpu.memory_space<vmem>>[vector<16xi32>], vector<16xf32>,
    tpu.vector_store_idx %arg14[%bitcast3A_422], %broadcast_in_dim3A_15 masked %ne3A_423 {add = true} : memref<16xf32, #tpu.memory_space<vmem>>[vector<16xi32>], vector<16xf32>, vector<16xi1>
    tpu.vector_store_idx %arg22[%bitcast3A_422], %get3A_417 masked %ne3A_423 {add = true} : memref<16xf32, #tpu.memory_space<vmem>>[vector<16xi32>], vector<16xf32>, vector<16xi1>
    %add3A_424 = arith.addf %add3A_380, %get3A_415 : vector<16xf32>
    %get3A_425 = arith.constant 544 : index
    %get3A_426 = tpu.vector_load %arg7[%get3A_425] {strides = array<i32>} : memref<1024xf32, #tpu.memory_space<vmem>>, vector<16xf32>,
    %get3A_427 = arith.constant 544 : index
    %get3A_428 = tpu.vector_load %arg8[%get3A_427] {strides = array<i32>} : memref<1024xf32, #tpu.memory_space<vmem>>, vector<16xf32>,
    %get3A_429 = arith.constant 544 : index
    %get3A_430 = tpu.vector_load %arg9[%get3A_429] {strides = array<i32>} : memref<1024xi32, #tpu.memory_space<vmem>>, vector<16xi32>,
    %get3A_431 = arith.constant 544 : index
    %get3A_432 = tpu.vector_load %arg10[%get3A_431] {strides = array<i32>} : memref<1024xf32, #tpu.memory_space<vmem>>, vector<16xf32>,
    %bitcast3A_433 = vector.bitcast %get3A_432 : vector<16xf32> to vector<16xi32>
    %ne3A_434 = arith.cmpi ne, %bitcast3A_433, %get3A_430 : vector<16xi32>
    tpu.vector_store_idx %arg15[%get3A_430], %broadcast_in_dim3A_15 {add = true} : memref<16xf32, #tpu.memory_space<vmem>>[vector<16xi32>], vector<16xf32>,
    tpu.vector_store_idx %arg23[%get3A_430], %get3A_428 {add = true} : memref<16xf32, #tpu.memory_space<vmem>>[vector<16xi32>], vector<16xf32>,
    tpu.vector_store_idx %arg16[%bitcast3A_433], %broadcast_in_dim3A_15 masked %ne3A_434 {add = true} : memref<16xf32, #tpu.memory_space<vmem>>[vector<16xi32>], vector<16xf32>, vector<16xi1>
    tpu.vector_store_idx %arg24[%bitcast3A_433], %get3A_428 masked %ne3A_434 {add = true} : memref<16xf32, #tpu.memory_space<vmem>>[vector<16xi32>], vector<16xf32>, vector<16xi1>
    %add3A_435 = arith.addf %add3A_391, %get3A_426 : vector<16xf32>
    %get3A_436 = arith.constant 560 : index
    %get3A_437 = tpu.vector_load %arg7[%get3A_436] {strides = array<i32>} : memref<1024xf32, #tpu.memory_space<vmem>>, vector<16xf32>,
    %get3A_438 = arith.constant 560 : index
    %get3A_439 = tpu.vector_load %arg8[%get3A_438] {strides = array<i32>} : memref<1024xf32, #tpu.memory_space<vmem>>, vector<16xf32>,
    %get3A_440 = arith.constant 560 : index
    %get3A_441 = tpu.vector_load %arg9[%get3A_440] {strides = array<i32>} : memref<1024xi32, #tpu.memory_space<vmem>>, vector<16xi32>,
    %get3A_442 = arith.constant 560 : index
    %get3A_443 = tpu.vector_load %arg10[%get3A_442] {strides = array<i32>} : memref<1024xf32, #tpu.memory_space<vmem>>, vector<16xf32>,
    %bitcast3A_444 = vector.bitcast %get3A_443 : vector<16xf32> to vector<16xi32>
    %ne3A_445 = arith.cmpi ne, %bitcast3A_444, %get3A_441 : vector<16xi32>
    tpu.vector_store_idx %arg17[%get3A_441], %broadcast_in_dim3A_15 {add = true} : memref<16xf32, #tpu.memory_space<vmem>>[vector<16xi32>], vector<16xf32>,
    tpu.vector_store_idx %arg25[%get3A_441], %get3A_439 {add = true} : memref<16xf32, #tpu.memory_space<vmem>>[vector<16xi32>], vector<16xf32>,
    tpu.vector_store_idx %arg18[%bitcast3A_444], %broadcast_in_dim3A_15 masked %ne3A_445 {add = true} : memref<16xf32, #tpu.memory_space<vmem>>[vector<16xi32>], vector<16xf32>, vector<16xi1>
    tpu.vector_store_idx %arg26[%bitcast3A_444], %get3A_439 masked %ne3A_445 {add = true} : memref<16xf32, #tpu.memory_space<vmem>>[vector<16xi32>], vector<16xf32>, vector<16xi1>
    %add3A_446 = arith.addf %add3A_402, %get3A_437 : vector<16xf32>
    %get3A_447 = arith.constant 576 : index
    %get3A_448 = tpu.vector_load %arg7[%get3A_447] {strides = array<i32>} : memref<1024xf32, #tpu.memory_space<vmem>>, vector<16xf32>,
    %get3A_449 = arith.constant 576 : index
    %get3A_450 = tpu.vector_load %arg8[%get3A_449] {strides = array<i32>} : memref<1024xf32, #tpu.memory_space<vmem>>, vector<16xf32>,
    %get3A_451 = arith.constant 576 : index
    %get3A_452 = tpu.vector_load %arg9[%get3A_451] {strides = array<i32>} : memref<1024xi32, #tpu.memory_space<vmem>>, vector<16xi32>,
    %get3A_453 = arith.constant 576 : index
    %get3A_454 = tpu.vector_load %arg10[%get3A_453] {strides = array<i32>} : memref<1024xf32, #tpu.memory_space<vmem>>, vector<16xf32>,
    %bitcast3A_455 = vector.bitcast %get3A_454 : vector<16xf32> to vector<16xi32>
    %ne3A_456 = arith.cmpi ne, %bitcast3A_455, %get3A_452 : vector<16xi32>
    tpu.vector_store_idx %arg11[%get3A_452], %broadcast_in_dim3A_15 {add = true} : memref<16xf32, #tpu.memory_space<vmem>>[vector<16xi32>], vector<16xf32>,
    tpu.vector_store_idx %arg19[%get3A_452], %get3A_450 {add = true} : memref<16xf32, #tpu.memory_space<vmem>>[vector<16xi32>], vector<16xf32>,
    tpu.vector_store_idx %arg12[%bitcast3A_455], %broadcast_in_dim3A_15 masked %ne3A_456 {add = true} : memref<16xf32, #tpu.memory_space<vmem>>[vector<16xi32>], vector<16xf32>, vector<16xi1>
    tpu.vector_store_idx %arg20[%bitcast3A_455], %get3A_450 masked %ne3A_456 {add = true} : memref<16xf32, #tpu.memory_space<vmem>>[vector<16xi32>], vector<16xf32>, vector<16xi1>
    %add3A_457 = arith.addf %add3A_413, %get3A_448 : vector<16xf32>
    %get3A_458 = arith.constant 592 : index
    %get3A_459 = tpu.vector_load %arg7[%get3A_458] {strides = array<i32>} : memref<1024xf32, #tpu.memory_space<vmem>>, vector<16xf32>,
    %get3A_460 = arith.constant 592 : index
    %get3A_461 = tpu.vector_load %arg8[%get3A_460] {strides = array<i32>} : memref<1024xf32, #tpu.memory_space<vmem>>, vector<16xf32>,
    %get3A_462 = arith.constant 592 : index
    %get3A_463 = tpu.vector_load %arg9[%get3A_462] {strides = array<i32>} : memref<1024xi32, #tpu.memory_space<vmem>>, vector<16xi32>,
    %get3A_464 = arith.constant 592 : index
    %get3A_465 = tpu.vector_load %arg10[%get3A_464] {strides = array<i32>} : memref<1024xf32, #tpu.memory_space<vmem>>, vector<16xf32>,
    %bitcast3A_466 = vector.bitcast %get3A_465 : vector<16xf32> to vector<16xi32>
    %ne3A_467 = arith.cmpi ne, %bitcast3A_466, %get3A_463 : vector<16xi32>
    tpu.vector_store_idx %arg13[%get3A_463], %broadcast_in_dim3A_15 {add = true} : memref<16xf32, #tpu.memory_space<vmem>>[vector<16xi32>], vector<16xf32>,
    tpu.vector_store_idx %arg21[%get3A_463], %get3A_461 {add = true} : memref<16xf32, #tpu.memory_space<vmem>>[vector<16xi32>], vector<16xf32>,
    tpu.vector_store_idx %arg14[%bitcast3A_466], %broadcast_in_dim3A_15 masked %ne3A_467 {add = true} : memref<16xf32, #tpu.memory_space<vmem>>[vector<16xi32>], vector<16xf32>, vector<16xi1>
    tpu.vector_store_idx %arg22[%bitcast3A_466], %get3A_461 masked %ne3A_467 {add = true} : memref<16xf32, #tpu.memory_space<vmem>>[vector<16xi32>], vector<16xf32>, vector<16xi1>
    %add3A_468 = arith.addf %add3A_424, %get3A_459 : vector<16xf32>
    %get3A_469 = arith.constant 608 : index
    %get3A_470 = tpu.vector_load %arg7[%get3A_469] {strides = array<i32>} : memref<1024xf32, #tpu.memory_space<vmem>>, vector<16xf32>,
    %get3A_471 = arith.constant 608 : index
    %get3A_472 = tpu.vector_load %arg8[%get3A_471] {strides = array<i32>} : memref<1024xf32, #tpu.memory_space<vmem>>, vector<16xf32>,
    %get3A_473 = arith.constant 608 : index
    %get3A_474 = tpu.vector_load %arg9[%get3A_473] {strides = array<i32>} : memref<1024xi32, #tpu.memory_space<vmem>>, vector<16xi32>,
    %get3A_475 = arith.constant 608 : index
    %get3A_476 = tpu.vector_load %arg10[%get3A_475] {strides = array<i32>} : memref<1024xf32, #tpu.memory_space<vmem>>, vector<16xf32>,
    %bitcast3A_477 = vector.bitcast %get3A_476 : vector<16xf32> to vector<16xi32>
    %ne3A_478 = arith.cmpi ne, %bitcast3A_477, %get3A_474 : vector<16xi32>
    tpu.vector_store_idx %arg15[%get3A_474], %broadcast_in_dim3A_15 {add = true} : memref<16xf32, #tpu.memory_space<vmem>>[vector<16xi32>], vector<16xf32>,
    tpu.vector_store_idx %arg23[%get3A_474], %get3A_472 {add = true} : memref<16xf32, #tpu.memory_space<vmem>>[vector<16xi32>], vector<16xf32>,
    tpu.vector_store_idx %arg16[%bitcast3A_477], %broadcast_in_dim3A_15 masked %ne3A_478 {add = true} : memref<16xf32, #tpu.memory_space<vmem>>[vector<16xi32>], vector<16xf32>, vector<16xi1>
    tpu.vector_store_idx %arg24[%bitcast3A_477], %get3A_472 masked %ne3A_478 {add = true} : memref<16xf32, #tpu.memory_space<vmem>>[vector<16xi32>], vector<16xf32>, vector<16xi1>
    %add3A_479 = arith.addf %add3A_435, %get3A_470 : vector<16xf32>
    %get3A_480 = arith.constant 624 : index
    %get3A_481 = tpu.vector_load %arg7[%get3A_480] {strides = array<i32>} : memref<1024xf32, #tpu.memory_space<vmem>>, vector<16xf32>,
    %get3A_482 = arith.constant 624 : index
    %get3A_483 = tpu.vector_load %arg8[%get3A_482] {strides = array<i32>} : memref<1024xf32, #tpu.memory_space<vmem>>, vector<16xf32>,
    %get3A_484 = arith.constant 624 : index
    %get3A_485 = tpu.vector_load %arg9[%get3A_484] {strides = array<i32>} : memref<1024xi32, #tpu.memory_space<vmem>>, vector<16xi32>,
    %get3A_486 = arith.constant 624 : index
    %get3A_487 = tpu.vector_load %arg10[%get3A_486] {strides = array<i32>} : memref<1024xf32, #tpu.memory_space<vmem>>, vector<16xf32>,
    %bitcast3A_488 = vector.bitcast %get3A_487 : vector<16xf32> to vector<16xi32>
    %ne3A_489 = arith.cmpi ne, %bitcast3A_488, %get3A_485 : vector<16xi32>
    tpu.vector_store_idx %arg17[%get3A_485], %broadcast_in_dim3A_15 {add = true} : memref<16xf32, #tpu.memory_space<vmem>>[vector<16xi32>], vector<16xf32>,
    tpu.vector_store_idx %arg25[%get3A_485], %get3A_483 {add = true} : memref<16xf32, #tpu.memory_space<vmem>>[vector<16xi32>], vector<16xf32>,
    tpu.vector_store_idx %arg18[%bitcast3A_488], %broadcast_in_dim3A_15 masked %ne3A_489 {add = true} : memref<16xf32, #tpu.memory_space<vmem>>[vector<16xi32>], vector<16xf32>, vector<16xi1>
    tpu.vector_store_idx %arg26[%bitcast3A_488], %get3A_483 masked %ne3A_489 {add = true} : memref<16xf32, #tpu.memory_space<vmem>>[vector<16xi32>], vector<16xf32>, vector<16xi1>
    %add3A_490 = arith.addf %add3A_446, %get3A_481 : vector<16xf32>
    %get3A_491 = arith.constant 640 : index
    %get3A_492 = tpu.vector_load %arg7[%get3A_491] {strides = array<i32>} : memref<1024xf32, #tpu.memory_space<vmem>>, vector<16xf32>,
    %get3A_493 = arith.constant 640 : index
    %get3A_494 = tpu.vector_load %arg8[%get3A_493] {strides = array<i32>} : memref<1024xf32, #tpu.memory_space<vmem>>, vector<16xf32>,
    %get3A_495 = arith.constant 640 : index
    %get3A_496 = tpu.vector_load %arg9[%get3A_495] {strides = array<i32>} : memref<1024xi32, #tpu.memory_space<vmem>>, vector<16xi32>,
    %get3A_497 = arith.constant 640 : index
    %get3A_498 = tpu.vector_load %arg10[%get3A_497] {strides = array<i32>} : memref<1024xf32, #tpu.memory_space<vmem>>, vector<16xf32>,
    %bitcast3A_499 = vector.bitcast %get3A_498 : vector<16xf32> to vector<16xi32>
    %ne3A_500 = arith.cmpi ne, %bitcast3A_499, %get3A_496 : vector<16xi32>
    tpu.vector_store_idx %arg11[%get3A_496], %broadcast_in_dim3A_15 {add = true} : memref<16xf32, #tpu.memory_space<vmem>>[vector<16xi32>], vector<16xf32>,
    tpu.vector_store_idx %arg19[%get3A_496], %get3A_494 {add = true} : memref<16xf32, #tpu.memory_space<vmem>>[vector<16xi32>], vector<16xf32>,
    tpu.vector_store_idx %arg12[%bitcast3A_499], %broadcast_in_dim3A_15 masked %ne3A_500 {add = true} : memref<16xf32, #tpu.memory_space<vmem>>[vector<16xi32>], vector<16xf32>, vector<16xi1>
    tpu.vector_store_idx %arg20[%bitcast3A_499], %get3A_494 masked %ne3A_500 {add = true} : memref<16xf32, #tpu.memory_space<vmem>>[vector<16xi32>], vector<16xf32>, vector<16xi1>
    %add3A_501 = arith.addf %add3A_457, %get3A_492 : vector<16xf32>
    %get3A_502 = arith.constant 656 : index
    %get3A_503 = tpu.vector_load %arg7[%get3A_502] {strides = array<i32>} : memref<1024xf32, #tpu.memory_space<vmem>>, vector<16xf32>,
    %get3A_504 = arith.constant 656 : index
    %get3A_505 = tpu.vector_load %arg8[%get3A_504] {strides = array<i32>} : memref<1024xf32, #tpu.memory_space<vmem>>, vector<16xf32>,
    %get3A_506 = arith.constant 656 : index
    %get3A_507 = tpu.vector_load %arg9[%get3A_506] {strides = array<i32>} : memref<1024xi32, #tpu.memory_space<vmem>>, vector<16xi32>,
    %get3A_508 = arith.constant 656 : index
    %get3A_509 = tpu.vector_load %arg10[%get3A_508] {strides = array<i32>} : memref<1024xf32, #tpu.memory_space<vmem>>, vector<16xf32>,
    %bitcast3A_510 = vector.bitcast %get3A_509 : vector<16xf32> to vector<16xi32>
    %ne3A_511 = arith.cmpi ne, %bitcast3A_510, %get3A_507 : vector<16xi32>
    tpu.vector_store_idx %arg13[%get3A_507], %broadcast_in_dim3A_15 {add = true} : memref<16xf32, #tpu.memory_space<vmem>>[vector<16xi32>], vector<16xf32>,
    tpu.vector_store_idx %arg21[%get3A_507], %get3A_505 {add = true} : memref<16xf32, #tpu.memory_space<vmem>>[vector<16xi32>], vector<16xf32>,
    tpu.vector_store_idx %arg14[%bitcast3A_510], %broadcast_in_dim3A_15 masked %ne3A_511 {add = true} : memref<16xf32, #tpu.memory_space<vmem>>[vector<16xi32>], vector<16xf32>, vector<16xi1>
    tpu.vector_store_idx %arg22[%bitcast3A_510], %get3A_505 masked %ne3A_511 {add = true} : memref<16xf32, #tpu.memory_space<vmem>>[vector<16xi32>], vector<16xf32>, vector<16xi1>
    %add3A_512 = arith.addf %add3A_468, %get3A_503 : vector<16xf32>
    %get3A_513 = arith.constant 672 : index
    %get3A_514 = tpu.vector_load %arg7[%get3A_513] {strides = array<i32>} : memref<1024xf32, #tpu.memory_space<vmem>>, vector<16xf32>,
    %get3A_515 = arith.constant 672 : index
    %get3A_516 = tpu.vector_load %arg8[%get3A_515] {strides = array<i32>} : memref<1024xf32, #tpu.memory_space<vmem>>, vector<16xf32>,
    %get3A_517 = arith.constant 672 : index
    %get3A_518 = tpu.vector_load %arg9[%get3A_517] {strides = array<i32>} : memref<1024xi32, #tpu.memory_space<vmem>>, vector<16xi32>,
    %get3A_519 = arith.constant 672 : index
    %get3A_520 = tpu.vector_load %arg10[%get3A_519] {strides = array<i32>} : memref<1024xf32, #tpu.memory_space<vmem>>, vector<16xf32>,
    %bitcast3A_521 = vector.bitcast %get3A_520 : vector<16xf32> to vector<16xi32>
    %ne3A_522 = arith.cmpi ne, %bitcast3A_521, %get3A_518 : vector<16xi32>
    tpu.vector_store_idx %arg15[%get3A_518], %broadcast_in_dim3A_15 {add = true} : memref<16xf32, #tpu.memory_space<vmem>>[vector<16xi32>], vector<16xf32>,
    tpu.vector_store_idx %arg23[%get3A_518], %get3A_516 {add = true} : memref<16xf32, #tpu.memory_space<vmem>>[vector<16xi32>], vector<16xf32>,
    tpu.vector_store_idx %arg16[%bitcast3A_521], %broadcast_in_dim3A_15 masked %ne3A_522 {add = true} : memref<16xf32, #tpu.memory_space<vmem>>[vector<16xi32>], vector<16xf32>, vector<16xi1>
    tpu.vector_store_idx %arg24[%bitcast3A_521], %get3A_516 masked %ne3A_522 {add = true} : memref<16xf32, #tpu.memory_space<vmem>>[vector<16xi32>], vector<16xf32>, vector<16xi1>
    %add3A_523 = arith.addf %add3A_479, %get3A_514 : vector<16xf32>
    %get3A_524 = arith.constant 688 : index
    %get3A_525 = tpu.vector_load %arg7[%get3A_524] {strides = array<i32>} : memref<1024xf32, #tpu.memory_space<vmem>>, vector<16xf32>,
    %get3A_526 = arith.constant 688 : index
    %get3A_527 = tpu.vector_load %arg8[%get3A_526] {strides = array<i32>} : memref<1024xf32, #tpu.memory_space<vmem>>, vector<16xf32>,
    %get3A_528 = arith.constant 688 : index
    %get3A_529 = tpu.vector_load %arg9[%get3A_528] {strides = array<i32>} : memref<1024xi32, #tpu.memory_space<vmem>>, vector<16xi32>,
    %get3A_530 = arith.constant 688 : index
    %get3A_531 = tpu.vector_load %arg10[%get3A_530] {strides = array<i32>} : memref<1024xf32, #tpu.memory_space<vmem>>, vector<16xf32>,
    %bitcast3A_532 = vector.bitcast %get3A_531 : vector<16xf32> to vector<16xi32>
    %ne3A_533 = arith.cmpi ne, %bitcast3A_532, %get3A_529 : vector<16xi32>
    tpu.vector_store_idx %arg17[%get3A_529], %broadcast_in_dim3A_15 {add = true} : memref<16xf32, #tpu.memory_space<vmem>>[vector<16xi32>], vector<16xf32>,
    tpu.vector_store_idx %arg25[%get3A_529], %get3A_527 {add = true} : memref<16xf32, #tpu.memory_space<vmem>>[vector<16xi32>], vector<16xf32>,
    tpu.vector_store_idx %arg18[%bitcast3A_532], %broadcast_in_dim3A_15 masked %ne3A_533 {add = true} : memref<16xf32, #tpu.memory_space<vmem>>[vector<16xi32>], vector<16xf32>, vector<16xi1>
    tpu.vector_store_idx %arg26[%bitcast3A_532], %get3A_527 masked %ne3A_533 {add = true} : memref<16xf32, #tpu.memory_space<vmem>>[vector<16xi32>], vector<16xf32>, vector<16xi1>
    %add3A_534 = arith.addf %add3A_490, %get3A_525 : vector<16xf32>
    %get3A_535 = arith.constant 704 : index
    %get3A_536 = tpu.vector_load %arg7[%get3A_535] {strides = array<i32>} : memref<1024xf32, #tpu.memory_space<vmem>>, vector<16xf32>,
    %get3A_537 = arith.constant 704 : index
    %get3A_538 = tpu.vector_load %arg8[%get3A_537] {strides = array<i32>} : memref<1024xf32, #tpu.memory_space<vmem>>, vector<16xf32>,
    %get3A_539 = arith.constant 704 : index
    %get3A_540 = tpu.vector_load %arg9[%get3A_539] {strides = array<i32>} : memref<1024xi32, #tpu.memory_space<vmem>>, vector<16xi32>,
    %get3A_541 = arith.constant 704 : index
    %get3A_542 = tpu.vector_load %arg10[%get3A_541] {strides = array<i32>} : memref<1024xf32, #tpu.memory_space<vmem>>, vector<16xf32>,
    %bitcast3A_543 = vector.bitcast %get3A_542 : vector<16xf32> to vector<16xi32>
    %ne3A_544 = arith.cmpi ne, %bitcast3A_543, %get3A_540 : vector<16xi32>
    tpu.vector_store_idx %arg11[%get3A_540], %broadcast_in_dim3A_15 {add = true} : memref<16xf32, #tpu.memory_space<vmem>>[vector<16xi32>], vector<16xf32>,
    tpu.vector_store_idx %arg19[%get3A_540], %get3A_538 {add = true} : memref<16xf32, #tpu.memory_space<vmem>>[vector<16xi32>], vector<16xf32>,
    tpu.vector_store_idx %arg12[%bitcast3A_543], %broadcast_in_dim3A_15 masked %ne3A_544 {add = true} : memref<16xf32, #tpu.memory_space<vmem>>[vector<16xi32>], vector<16xf32>, vector<16xi1>
    tpu.vector_store_idx %arg20[%bitcast3A_543], %get3A_538 masked %ne3A_544 {add = true} : memref<16xf32, #tpu.memory_space<vmem>>[vector<16xi32>], vector<16xf32>, vector<16xi1>
    %add3A_545 = arith.addf %add3A_501, %get3A_536 : vector<16xf32>
    %get3A_546 = arith.constant 720 : index
    %get3A_547 = tpu.vector_load %arg7[%get3A_546] {strides = array<i32>} : memref<1024xf32, #tpu.memory_space<vmem>>, vector<16xf32>,
    %get3A_548 = arith.constant 720 : index
    %get3A_549 = tpu.vector_load %arg8[%get3A_548] {strides = array<i32>} : memref<1024xf32, #tpu.memory_space<vmem>>, vector<16xf32>,
    %get3A_550 = arith.constant 720 : index
    %get3A_551 = tpu.vector_load %arg9[%get3A_550] {strides = array<i32>} : memref<1024xi32, #tpu.memory_space<vmem>>, vector<16xi32>,
    %get3A_552 = arith.constant 720 : index
    %get3A_553 = tpu.vector_load %arg10[%get3A_552] {strides = array<i32>} : memref<1024xf32, #tpu.memory_space<vmem>>, vector<16xf32>,
    %bitcast3A_554 = vector.bitcast %get3A_553 : vector<16xf32> to vector<16xi32>
    %ne3A_555 = arith.cmpi ne, %bitcast3A_554, %get3A_551 : vector<16xi32>
    tpu.vector_store_idx %arg13[%get3A_551], %broadcast_in_dim3A_15 {add = true} : memref<16xf32, #tpu.memory_space<vmem>>[vector<16xi32>], vector<16xf32>,
    tpu.vector_store_idx %arg21[%get3A_551], %get3A_549 {add = true} : memref<16xf32, #tpu.memory_space<vmem>>[vector<16xi32>], vector<16xf32>,
    tpu.vector_store_idx %arg14[%bitcast3A_554], %broadcast_in_dim3A_15 masked %ne3A_555 {add = true} : memref<16xf32, #tpu.memory_space<vmem>>[vector<16xi32>], vector<16xf32>, vector<16xi1>
    tpu.vector_store_idx %arg22[%bitcast3A_554], %get3A_549 masked %ne3A_555 {add = true} : memref<16xf32, #tpu.memory_space<vmem>>[vector<16xi32>], vector<16xf32>, vector<16xi1>
    %add3A_556 = arith.addf %add3A_512, %get3A_547 : vector<16xf32>
    %get3A_557 = arith.constant 736 : index
    %get3A_558 = tpu.vector_load %arg7[%get3A_557] {strides = array<i32>} : memref<1024xf32, #tpu.memory_space<vmem>>, vector<16xf32>,
    %get3A_559 = arith.constant 736 : index
    %get3A_560 = tpu.vector_load %arg8[%get3A_559] {strides = array<i32>} : memref<1024xf32, #tpu.memory_space<vmem>>, vector<16xf32>,
    %get3A_561 = arith.constant 736 : index
    %get3A_562 = tpu.vector_load %arg9[%get3A_561] {strides = array<i32>} : memref<1024xi32, #tpu.memory_space<vmem>>, vector<16xi32>,
    %get3A_563 = arith.constant 736 : index
    %get3A_564 = tpu.vector_load %arg10[%get3A_563] {strides = array<i32>} : memref<1024xf32, #tpu.memory_space<vmem>>, vector<16xf32>,
    %bitcast3A_565 = vector.bitcast %get3A_564 : vector<16xf32> to vector<16xi32>
    %ne3A_566 = arith.cmpi ne, %bitcast3A_565, %get3A_562 : vector<16xi32>
    tpu.vector_store_idx %arg15[%get3A_562], %broadcast_in_dim3A_15 {add = true} : memref<16xf32, #tpu.memory_space<vmem>>[vector<16xi32>], vector<16xf32>,
    tpu.vector_store_idx %arg23[%get3A_562], %get3A_560 {add = true} : memref<16xf32, #tpu.memory_space<vmem>>[vector<16xi32>], vector<16xf32>,
    tpu.vector_store_idx %arg16[%bitcast3A_565], %broadcast_in_dim3A_15 masked %ne3A_566 {add = true} : memref<16xf32, #tpu.memory_space<vmem>>[vector<16xi32>], vector<16xf32>, vector<16xi1>
    tpu.vector_store_idx %arg24[%bitcast3A_565], %get3A_560 masked %ne3A_566 {add = true} : memref<16xf32, #tpu.memory_space<vmem>>[vector<16xi32>], vector<16xf32>, vector<16xi1>
    %add3A_567 = arith.addf %add3A_523, %get3A_558 : vector<16xf32>
    %get3A_568 = arith.constant 752 : index
    %get3A_569 = tpu.vector_load %arg7[%get3A_568] {strides = array<i32>} : memref<1024xf32, #tpu.memory_space<vmem>>, vector<16xf32>,
    %get3A_570 = arith.constant 752 : index
    %get3A_571 = tpu.vector_load %arg8[%get3A_570] {strides = array<i32>} : memref<1024xf32, #tpu.memory_space<vmem>>, vector<16xf32>,
    %get3A_572 = arith.constant 752 : index
    %get3A_573 = tpu.vector_load %arg9[%get3A_572] {strides = array<i32>} : memref<1024xi32, #tpu.memory_space<vmem>>, vector<16xi32>,
    %get3A_574 = arith.constant 752 : index
    %get3A_575 = tpu.vector_load %arg10[%get3A_574] {strides = array<i32>} : memref<1024xf32, #tpu.memory_space<vmem>>, vector<16xf32>,
    %bitcast3A_576 = vector.bitcast %get3A_575 : vector<16xf32> to vector<16xi32>
    %ne3A_577 = arith.cmpi ne, %bitcast3A_576, %get3A_573 : vector<16xi32>
    tpu.vector_store_idx %arg17[%get3A_573], %broadcast_in_dim3A_15 {add = true} : memref<16xf32, #tpu.memory_space<vmem>>[vector<16xi32>], vector<16xf32>,
    tpu.vector_store_idx %arg25[%get3A_573], %get3A_571 {add = true} : memref<16xf32, #tpu.memory_space<vmem>>[vector<16xi32>], vector<16xf32>,
    tpu.vector_store_idx %arg18[%bitcast3A_576], %broadcast_in_dim3A_15 masked %ne3A_577 {add = true} : memref<16xf32, #tpu.memory_space<vmem>>[vector<16xi32>], vector<16xf32>, vector<16xi1>
    tpu.vector_store_idx %arg26[%bitcast3A_576], %get3A_571 masked %ne3A_577 {add = true} : memref<16xf32, #tpu.memory_space<vmem>>[vector<16xi32>], vector<16xf32>, vector<16xi1>
    %add3A_578 = arith.addf %add3A_534, %get3A_569 : vector<16xf32>
    %get3A_579 = arith.constant 768 : index
    %get3A_580 = tpu.vector_load %arg7[%get3A_579] {strides = array<i32>} : memref<1024xf32, #tpu.memory_space<vmem>>, vector<16xf32>,
    %get3A_581 = arith.constant 768 : index
    %get3A_582 = tpu.vector_load %arg8[%get3A_581] {strides = array<i32>} : memref<1024xf32, #tpu.memory_space<vmem>>, vector<16xf32>,
    %get3A_583 = arith.constant 768 : index
    %get3A_584 = tpu.vector_load %arg9[%get3A_583] {strides = array<i32>} : memref<1024xi32, #tpu.memory_space<vmem>>, vector<16xi32>,
    %get3A_585 = arith.constant 768 : index
    %get3A_586 = tpu.vector_load %arg10[%get3A_585] {strides = array<i32>} : memref<1024xf32, #tpu.memory_space<vmem>>, vector<16xf32>,
    %bitcast3A_587 = vector.bitcast %get3A_586 : vector<16xf32> to vector<16xi32>
    %ne3A_588 = arith.cmpi ne, %bitcast3A_587, %get3A_584 : vector<16xi32>
    tpu.vector_store_idx %arg11[%get3A_584], %broadcast_in_dim3A_15 {add = true} : memref<16xf32, #tpu.memory_space<vmem>>[vector<16xi32>], vector<16xf32>,
    tpu.vector_store_idx %arg19[%get3A_584], %get3A_582 {add = true} : memref<16xf32, #tpu.memory_space<vmem>>[vector<16xi32>], vector<16xf32>,
    tpu.vector_store_idx %arg12[%bitcast3A_587], %broadcast_in_dim3A_15 masked %ne3A_588 {add = true} : memref<16xf32, #tpu.memory_space<vmem>>[vector<16xi32>], vector<16xf32>, vector<16xi1>
    tpu.vector_store_idx %arg20[%bitcast3A_587], %get3A_582 masked %ne3A_588 {add = true} : memref<16xf32, #tpu.memory_space<vmem>>[vector<16xi32>], vector<16xf32>, vector<16xi1>
    %add3A_589 = arith.addf %add3A_545, %get3A_580 : vector<16xf32>
    %get3A_590 = arith.constant 784 : index
    %get3A_591 = tpu.vector_load %arg7[%get3A_590] {strides = array<i32>} : memref<1024xf32, #tpu.memory_space<vmem>>, vector<16xf32>,
    %get3A_592 = arith.constant 784 : index
    %get3A_593 = tpu.vector_load %arg8[%get3A_592] {strides = array<i32>} : memref<1024xf32, #tpu.memory_space<vmem>>, vector<16xf32>,
    %get3A_594 = arith.constant 784 : index
    %get3A_595 = tpu.vector_load %arg9[%get3A_594] {strides = array<i32>} : memref<1024xi32, #tpu.memory_space<vmem>>, vector<16xi32>,
    %get3A_596 = arith.constant 784 : index
    %get3A_597 = tpu.vector_load %arg10[%get3A_596] {strides = array<i32>} : memref<1024xf32, #tpu.memory_space<vmem>>, vector<16xf32>,
    %bitcast3A_598 = vector.bitcast %get3A_597 : vector<16xf32> to vector<16xi32>
    %ne3A_599 = arith.cmpi ne, %bitcast3A_598, %get3A_595 : vector<16xi32>
    tpu.vector_store_idx %arg13[%get3A_595], %broadcast_in_dim3A_15 {add = true} : memref<16xf32, #tpu.memory_space<vmem>>[vector<16xi32>], vector<16xf32>,
    tpu.vector_store_idx %arg21[%get3A_595], %get3A_593 {add = true} : memref<16xf32, #tpu.memory_space<vmem>>[vector<16xi32>], vector<16xf32>,
    tpu.vector_store_idx %arg14[%bitcast3A_598], %broadcast_in_dim3A_15 masked %ne3A_599 {add = true} : memref<16xf32, #tpu.memory_space<vmem>>[vector<16xi32>], vector<16xf32>, vector<16xi1>
    tpu.vector_store_idx %arg22[%bitcast3A_598], %get3A_593 masked %ne3A_599 {add = true} : memref<16xf32, #tpu.memory_space<vmem>>[vector<16xi32>], vector<16xf32>, vector<16xi1>
    %add3A_600 = arith.addf %add3A_556, %get3A_591 : vector<16xf32>
    %get3A_601 = arith.constant 800 : index
    %get3A_602 = tpu.vector_load %arg7[%get3A_601] {strides = array<i32>} : memref<1024xf32, #tpu.memory_space<vmem>>, vector<16xf32>,
    %get3A_603 = arith.constant 800 : index
    %get3A_604 = tpu.vector_load %arg8[%get3A_603] {strides = array<i32>} : memref<1024xf32, #tpu.memory_space<vmem>>, vector<16xf32>,
    %get3A_605 = arith.constant 800 : index
    %get3A_606 = tpu.vector_load %arg9[%get3A_605] {strides = array<i32>} : memref<1024xi32, #tpu.memory_space<vmem>>, vector<16xi32>,
    %get3A_607 = arith.constant 800 : index
    %get3A_608 = tpu.vector_load %arg10[%get3A_607] {strides = array<i32>} : memref<1024xf32, #tpu.memory_space<vmem>>, vector<16xf32>,
    %bitcast3A_609 = vector.bitcast %get3A_608 : vector<16xf32> to vector<16xi32>
    %ne3A_610 = arith.cmpi ne, %bitcast3A_609, %get3A_606 : vector<16xi32>
    tpu.vector_store_idx %arg15[%get3A_606], %broadcast_in_dim3A_15 {add = true} : memref<16xf32, #tpu.memory_space<vmem>>[vector<16xi32>], vector<16xf32>,
    tpu.vector_store_idx %arg23[%get3A_606], %get3A_604 {add = true} : memref<16xf32, #tpu.memory_space<vmem>>[vector<16xi32>], vector<16xf32>,
    tpu.vector_store_idx %arg16[%bitcast3A_609], %broadcast_in_dim3A_15 masked %ne3A_610 {add = true} : memref<16xf32, #tpu.memory_space<vmem>>[vector<16xi32>], vector<16xf32>, vector<16xi1>
    tpu.vector_store_idx %arg24[%bitcast3A_609], %get3A_604 masked %ne3A_610 {add = true} : memref<16xf32, #tpu.memory_space<vmem>>[vector<16xi32>], vector<16xf32>, vector<16xi1>
    %add3A_611 = arith.addf %add3A_567, %get3A_602 : vector<16xf32>
    %get3A_612 = arith.constant 816 : index
    %get3A_613 = tpu.vector_load %arg7[%get3A_612] {strides = array<i32>} : memref<1024xf32, #tpu.memory_space<vmem>>, vector<16xf32>,
    %get3A_614 = arith.constant 816 : index
    %get3A_615 = tpu.vector_load %arg8[%get3A_614] {strides = array<i32>} : memref<1024xf32, #tpu.memory_space<vmem>>, vector<16xf32>,
    %get3A_616 = arith.constant 816 : index
    %get3A_617 = tpu.vector_load %arg9[%get3A_616] {strides = array<i32>} : memref<1024xi32, #tpu.memory_space<vmem>>, vector<16xi32>,
    %get3A_618 = arith.constant 816 : index
    %get3A_619 = tpu.vector_load %arg10[%get3A_618] {strides = array<i32>} : memref<1024xf32, #tpu.memory_space<vmem>>, vector<16xf32>,
    %bitcast3A_620 = vector.bitcast %get3A_619 : vector<16xf32> to vector<16xi32>
    %ne3A_621 = arith.cmpi ne, %bitcast3A_620, %get3A_617 : vector<16xi32>
    tpu.vector_store_idx %arg17[%get3A_617], %broadcast_in_dim3A_15 {add = true} : memref<16xf32, #tpu.memory_space<vmem>>[vector<16xi32>], vector<16xf32>,
    tpu.vector_store_idx %arg25[%get3A_617], %get3A_615 {add = true} : memref<16xf32, #tpu.memory_space<vmem>>[vector<16xi32>], vector<16xf32>,
    tpu.vector_store_idx %arg18[%bitcast3A_620], %broadcast_in_dim3A_15 masked %ne3A_621 {add = true} : memref<16xf32, #tpu.memory_space<vmem>>[vector<16xi32>], vector<16xf32>, vector<16xi1>
    tpu.vector_store_idx %arg26[%bitcast3A_620], %get3A_615 masked %ne3A_621 {add = true} : memref<16xf32, #tpu.memory_space<vmem>>[vector<16xi32>], vector<16xf32>, vector<16xi1>
    %add3A_622 = arith.addf %add3A_578, %get3A_613 : vector<16xf32>
    %get3A_623 = arith.constant 832 : index
    %get3A_624 = tpu.vector_load %arg7[%get3A_623] {strides = array<i32>} : memref<1024xf32, #tpu.memory_space<vmem>>, vector<16xf32>,
    %get3A_625 = arith.constant 832 : index
    %get3A_626 = tpu.vector_load %arg8[%get3A_625] {strides = array<i32>} : memref<1024xf32, #tpu.memory_space<vmem>>, vector<16xf32>,
    %get3A_627 = arith.constant 832 : index
    %get3A_628 = tpu.vector_load %arg9[%get3A_627] {strides = array<i32>} : memref<1024xi32, #tpu.memory_space<vmem>>, vector<16xi32>,
    %get3A_629 = arith.constant 832 : index
    %get3A_630 = tpu.vector_load %arg10[%get3A_629] {strides = array<i32>} : memref<1024xf32, #tpu.memory_space<vmem>>, vector<16xf32>,
    %bitcast3A_631 = vector.bitcast %get3A_630 : vector<16xf32> to vector<16xi32>
    %ne3A_632 = arith.cmpi ne, %bitcast3A_631, %get3A_628 : vector<16xi32>
    tpu.vector_store_idx %arg11[%get3A_628], %broadcast_in_dim3A_15 {add = true} : memref<16xf32, #tpu.memory_space<vmem>>[vector<16xi32>], vector<16xf32>,
    tpu.vector_store_idx %arg19[%get3A_628], %get3A_626 {add = true} : memref<16xf32, #tpu.memory_space<vmem>>[vector<16xi32>], vector<16xf32>,
    tpu.vector_store_idx %arg12[%bitcast3A_631], %broadcast_in_dim3A_15 masked %ne3A_632 {add = true} : memref<16xf32, #tpu.memory_space<vmem>>[vector<16xi32>], vector<16xf32>, vector<16xi1>
    tpu.vector_store_idx %arg20[%bitcast3A_631], %get3A_626 masked %ne3A_632 {add = true} : memref<16xf32, #tpu.memory_space<vmem>>[vector<16xi32>], vector<16xf32>, vector<16xi1>
    %add3A_633 = arith.addf %add3A_589, %get3A_624 : vector<16xf32>
    %get3A_634 = arith.constant 848 : index
    %get3A_635 = tpu.vector_load %arg7[%get3A_634] {strides = array<i32>} : memref<1024xf32, #tpu.memory_space<vmem>>, vector<16xf32>,
    %get3A_636 = arith.constant 848 : index
    %get3A_637 = tpu.vector_load %arg8[%get3A_636] {strides = array<i32>} : memref<1024xf32, #tpu.memory_space<vmem>>, vector<16xf32>,
    %get3A_638 = arith.constant 848 : index
    %get3A_639 = tpu.vector_load %arg9[%get3A_638] {strides = array<i32>} : memref<1024xi32, #tpu.memory_space<vmem>>, vector<16xi32>,
    %get3A_640 = arith.constant 848 : index
    %get3A_641 = tpu.vector_load %arg10[%get3A_640] {strides = array<i32>} : memref<1024xf32, #tpu.memory_space<vmem>>, vector<16xf32>,
    %bitcast3A_642 = vector.bitcast %get3A_641 : vector<16xf32> to vector<16xi32>
    %ne3A_643 = arith.cmpi ne, %bitcast3A_642, %get3A_639 : vector<16xi32>
    tpu.vector_store_idx %arg13[%get3A_639], %broadcast_in_dim3A_15 {add = true} : memref<16xf32, #tpu.memory_space<vmem>>[vector<16xi32>], vector<16xf32>,
    tpu.vector_store_idx %arg21[%get3A_639], %get3A_637 {add = true} : memref<16xf32, #tpu.memory_space<vmem>>[vector<16xi32>], vector<16xf32>,
    tpu.vector_store_idx %arg14[%bitcast3A_642], %broadcast_in_dim3A_15 masked %ne3A_643 {add = true} : memref<16xf32, #tpu.memory_space<vmem>>[vector<16xi32>], vector<16xf32>, vector<16xi1>
    tpu.vector_store_idx %arg22[%bitcast3A_642], %get3A_637 masked %ne3A_643 {add = true} : memref<16xf32, #tpu.memory_space<vmem>>[vector<16xi32>], vector<16xf32>, vector<16xi1>
    %add3A_644 = arith.addf %add3A_600, %get3A_635 : vector<16xf32>
    %get3A_645 = arith.constant 864 : index
    %get3A_646 = tpu.vector_load %arg7[%get3A_645] {strides = array<i32>} : memref<1024xf32, #tpu.memory_space<vmem>>, vector<16xf32>,
    %get3A_647 = arith.constant 864 : index
    %get3A_648 = tpu.vector_load %arg8[%get3A_647] {strides = array<i32>} : memref<1024xf32, #tpu.memory_space<vmem>>, vector<16xf32>,
    %get3A_649 = arith.constant 864 : index
    %get3A_650 = tpu.vector_load %arg9[%get3A_649] {strides = array<i32>} : memref<1024xi32, #tpu.memory_space<vmem>>, vector<16xi32>,
    %get3A_651 = arith.constant 864 : index
    %get3A_652 = tpu.vector_load %arg10[%get3A_651] {strides = array<i32>} : memref<1024xf32, #tpu.memory_space<vmem>>, vector<16xf32>,
    %bitcast3A_653 = vector.bitcast %get3A_652 : vector<16xf32> to vector<16xi32>
    %ne3A_654 = arith.cmpi ne, %bitcast3A_653, %get3A_650 : vector<16xi32>
    tpu.vector_store_idx %arg15[%get3A_650], %broadcast_in_dim3A_15 {add = true} : memref<16xf32, #tpu.memory_space<vmem>>[vector<16xi32>], vector<16xf32>,
    tpu.vector_store_idx %arg23[%get3A_650], %get3A_648 {add = true} : memref<16xf32, #tpu.memory_space<vmem>>[vector<16xi32>], vector<16xf32>,
    tpu.vector_store_idx %arg16[%bitcast3A_653], %broadcast_in_dim3A_15 masked %ne3A_654 {add = true} : memref<16xf32, #tpu.memory_space<vmem>>[vector<16xi32>], vector<16xf32>, vector<16xi1>
    tpu.vector_store_idx %arg24[%bitcast3A_653], %get3A_648 masked %ne3A_654 {add = true} : memref<16xf32, #tpu.memory_space<vmem>>[vector<16xi32>], vector<16xf32>, vector<16xi1>
    %add3A_655 = arith.addf %add3A_611, %get3A_646 : vector<16xf32>
    %get3A_656 = arith.constant 880 : index
    %get3A_657 = tpu.vector_load %arg7[%get3A_656] {strides = array<i32>} : memref<1024xf32, #tpu.memory_space<vmem>>, vector<16xf32>,
    %get3A_658 = arith.constant 880 : index
    %get3A_659 = tpu.vector_load %arg8[%get3A_658] {strides = array<i32>} : memref<1024xf32, #tpu.memory_space<vmem>>, vector<16xf32>,
    %get3A_660 = arith.constant 880 : index
    %get3A_661 = tpu.vector_load %arg9[%get3A_660] {strides = array<i32>} : memref<1024xi32, #tpu.memory_space<vmem>>, vector<16xi32>,
    %get3A_662 = arith.constant 880 : index
    %get3A_663 = tpu.vector_load %arg10[%get3A_662] {strides = array<i32>} : memref<1024xf32, #tpu.memory_space<vmem>>, vector<16xf32>,
    %bitcast3A_664 = vector.bitcast %get3A_663 : vector<16xf32> to vector<16xi32>
    %ne3A_665 = arith.cmpi ne, %bitcast3A_664, %get3A_661 : vector<16xi32>
    tpu.vector_store_idx %arg17[%get3A_661], %broadcast_in_dim3A_15 {add = true} : memref<16xf32, #tpu.memory_space<vmem>>[vector<16xi32>], vector<16xf32>,
    tpu.vector_store_idx %arg25[%get3A_661], %get3A_659 {add = true} : memref<16xf32, #tpu.memory_space<vmem>>[vector<16xi32>], vector<16xf32>,
    tpu.vector_store_idx %arg18[%bitcast3A_664], %broadcast_in_dim3A_15 masked %ne3A_665 {add = true} : memref<16xf32, #tpu.memory_space<vmem>>[vector<16xi32>], vector<16xf32>, vector<16xi1>
    tpu.vector_store_idx %arg26[%bitcast3A_664], %get3A_659 masked %ne3A_665 {add = true} : memref<16xf32, #tpu.memory_space<vmem>>[vector<16xi32>], vector<16xf32>, vector<16xi1>
    %add3A_666 = arith.addf %add3A_622, %get3A_657 : vector<16xf32>
    %get3A_667 = arith.constant 896 : index
    %get3A_668 = tpu.vector_load %arg7[%get3A_667] {strides = array<i32>} : memref<1024xf32, #tpu.memory_space<vmem>>, vector<16xf32>,
    %get3A_669 = arith.constant 896 : index
    %get3A_670 = tpu.vector_load %arg8[%get3A_669] {strides = array<i32>} : memref<1024xf32, #tpu.memory_space<vmem>>, vector<16xf32>,
    %get3A_671 = arith.constant 896 : index
    %get3A_672 = tpu.vector_load %arg9[%get3A_671] {strides = array<i32>} : memref<1024xi32, #tpu.memory_space<vmem>>, vector<16xi32>,
    %get3A_673 = arith.constant 896 : index
    %get3A_674 = tpu.vector_load %arg10[%get3A_673] {strides = array<i32>} : memref<1024xf32, #tpu.memory_space<vmem>>, vector<16xf32>,
    %bitcast3A_675 = vector.bitcast %get3A_674 : vector<16xf32> to vector<16xi32>
    %ne3A_676 = arith.cmpi ne, %bitcast3A_675, %get3A_672 : vector<16xi32>
    tpu.vector_store_idx %arg11[%get3A_672], %broadcast_in_dim3A_15 {add = true} : memref<16xf32, #tpu.memory_space<vmem>>[vector<16xi32>], vector<16xf32>,
    tpu.vector_store_idx %arg19[%get3A_672], %get3A_670 {add = true} : memref<16xf32, #tpu.memory_space<vmem>>[vector<16xi32>], vector<16xf32>,
    tpu.vector_store_idx %arg12[%bitcast3A_675], %broadcast_in_dim3A_15 masked %ne3A_676 {add = true} : memref<16xf32, #tpu.memory_space<vmem>>[vector<16xi32>], vector<16xf32>, vector<16xi1>
    tpu.vector_store_idx %arg20[%bitcast3A_675], %get3A_670 masked %ne3A_676 {add = true} : memref<16xf32, #tpu.memory_space<vmem>>[vector<16xi32>], vector<16xf32>, vector<16xi1>
    %add3A_677 = arith.addf %add3A_633, %get3A_668 : vector<16xf32>
    %get3A_678 = arith.constant 912 : index
    %get3A_679 = tpu.vector_load %arg7[%get3A_678] {strides = array<i32>} : memref<1024xf32, #tpu.memory_space<vmem>>, vector<16xf32>,
    %get3A_680 = arith.constant 912 : index
    %get3A_681 = tpu.vector_load %arg8[%get3A_680] {strides = array<i32>} : memref<1024xf32, #tpu.memory_space<vmem>>, vector<16xf32>,
    %get3A_682 = arith.constant 912 : index
    %get3A_683 = tpu.vector_load %arg9[%get3A_682] {strides = array<i32>} : memref<1024xi32, #tpu.memory_space<vmem>>, vector<16xi32>,
    %get3A_684 = arith.constant 912 : index
    %get3A_685 = tpu.vector_load %arg10[%get3A_684] {strides = array<i32>} : memref<1024xf32, #tpu.memory_space<vmem>>, vector<16xf32>,
    %bitcast3A_686 = vector.bitcast %get3A_685 : vector<16xf32> to vector<16xi32>
    %ne3A_687 = arith.cmpi ne, %bitcast3A_686, %get3A_683 : vector<16xi32>
    tpu.vector_store_idx %arg13[%get3A_683], %broadcast_in_dim3A_15 {add = true} : memref<16xf32, #tpu.memory_space<vmem>>[vector<16xi32>], vector<16xf32>,
    tpu.vector_store_idx %arg21[%get3A_683], %get3A_681 {add = true} : memref<16xf32, #tpu.memory_space<vmem>>[vector<16xi32>], vector<16xf32>,
    tpu.vector_store_idx %arg14[%bitcast3A_686], %broadcast_in_dim3A_15 masked %ne3A_687 {add = true} : memref<16xf32, #tpu.memory_space<vmem>>[vector<16xi32>], vector<16xf32>, vector<16xi1>
    tpu.vector_store_idx %arg22[%bitcast3A_686], %get3A_681 masked %ne3A_687 {add = true} : memref<16xf32, #tpu.memory_space<vmem>>[vector<16xi32>], vector<16xf32>, vector<16xi1>
    %add3A_688 = arith.addf %add3A_644, %get3A_679 : vector<16xf32>
    %get3A_689 = arith.constant 928 : index
    %get3A_690 = tpu.vector_load %arg7[%get3A_689] {strides = array<i32>} : memref<1024xf32, #tpu.memory_space<vmem>>, vector<16xf32>,
    %get3A_691 = arith.constant 928 : index
    %get3A_692 = tpu.vector_load %arg8[%get3A_691] {strides = array<i32>} : memref<1024xf32, #tpu.memory_space<vmem>>, vector<16xf32>,
    %get3A_693 = arith.constant 928 : index
    %get3A_694 = tpu.vector_load %arg9[%get3A_693] {strides = array<i32>} : memref<1024xi32, #tpu.memory_space<vmem>>, vector<16xi32>,
    %get3A_695 = arith.constant 928 : index
    %get3A_696 = tpu.vector_load %arg10[%get3A_695] {strides = array<i32>} : memref<1024xf32, #tpu.memory_space<vmem>>, vector<16xf32>,
    %bitcast3A_697 = vector.bitcast %get3A_696 : vector<16xf32> to vector<16xi32>
    %ne3A_698 = arith.cmpi ne, %bitcast3A_697, %get3A_694 : vector<16xi32>
    tpu.vector_store_idx %arg15[%get3A_694], %broadcast_in_dim3A_15 {add = true} : memref<16xf32, #tpu.memory_space<vmem>>[vector<16xi32>], vector<16xf32>,
    tpu.vector_store_idx %arg23[%get3A_694], %get3A_692 {add = true} : memref<16xf32, #tpu.memory_space<vmem>>[vector<16xi32>], vector<16xf32>,
    tpu.vector_store_idx %arg16[%bitcast3A_697], %broadcast_in_dim3A_15 masked %ne3A_698 {add = true} : memref<16xf32, #tpu.memory_space<vmem>>[vector<16xi32>], vector<16xf32>, vector<16xi1>
    tpu.vector_store_idx %arg24[%bitcast3A_697], %get3A_692 masked %ne3A_698 {add = true} : memref<16xf32, #tpu.memory_space<vmem>>[vector<16xi32>], vector<16xf32>, vector<16xi1>
    %add3A_699 = arith.addf %add3A_655, %get3A_690 : vector<16xf32>
    %get3A_700 = arith.constant 944 : index
    %get3A_701 = tpu.vector_load %arg7[%get3A_700] {strides = array<i32>} : memref<1024xf32, #tpu.memory_space<vmem>>, vector<16xf32>,
    %get3A_702 = arith.constant 944 : index
    %get3A_703 = tpu.vector_load %arg8[%get3A_702] {strides = array<i32>} : memref<1024xf32, #tpu.memory_space<vmem>>, vector<16xf32>,
    %get3A_704 = arith.constant 944 : index
    %get3A_705 = tpu.vector_load %arg9[%get3A_704] {strides = array<i32>} : memref<1024xi32, #tpu.memory_space<vmem>>, vector<16xi32>,
    %get3A_706 = arith.constant 944 : index
    %get3A_707 = tpu.vector_load %arg10[%get3A_706] {strides = array<i32>} : memref<1024xf32, #tpu.memory_space<vmem>>, vector<16xf32>,
    %bitcast3A_708 = vector.bitcast %get3A_707 : vector<16xf32> to vector<16xi32>
    %ne3A_709 = arith.cmpi ne, %bitcast3A_708, %get3A_705 : vector<16xi32>
    tpu.vector_store_idx %arg17[%get3A_705], %broadcast_in_dim3A_15 {add = true} : memref<16xf32, #tpu.memory_space<vmem>>[vector<16xi32>], vector<16xf32>,
    tpu.vector_store_idx %arg25[%get3A_705], %get3A_703 {add = true} : memref<16xf32, #tpu.memory_space<vmem>>[vector<16xi32>], vector<16xf32>,
    tpu.vector_store_idx %arg18[%bitcast3A_708], %broadcast_in_dim3A_15 masked %ne3A_709 {add = true} : memref<16xf32, #tpu.memory_space<vmem>>[vector<16xi32>], vector<16xf32>, vector<16xi1>
    tpu.vector_store_idx %arg26[%bitcast3A_708], %get3A_703 masked %ne3A_709 {add = true} : memref<16xf32, #tpu.memory_space<vmem>>[vector<16xi32>], vector<16xf32>, vector<16xi1>
    %add3A_710 = arith.addf %add3A_666, %get3A_701 : vector<16xf32>
    %get3A_711 = arith.constant 960 : index
    %get3A_712 = tpu.vector_load %arg7[%get3A_711] {strides = array<i32>} : memref<1024xf32, #tpu.memory_space<vmem>>, vector<16xf32>,
    %get3A_713 = arith.constant 960 : index
    %get3A_714 = tpu.vector_load %arg8[%get3A_713] {strides = array<i32>} : memref<1024xf32, #tpu.memory_space<vmem>>, vector<16xf32>,
    %get3A_715 = arith.constant 960 : index
    %get3A_716 = tpu.vector_load %arg9[%get3A_715] {strides = array<i32>} : memref<1024xi32, #tpu.memory_space<vmem>>, vector<16xi32>,
    %get3A_717 = arith.constant 960 : index
    %get3A_718 = tpu.vector_load %arg10[%get3A_717] {strides = array<i32>} : memref<1024xf32, #tpu.memory_space<vmem>>, vector<16xf32>,
    %bitcast3A_719 = vector.bitcast %get3A_718 : vector<16xf32> to vector<16xi32>
    %ne3A_720 = arith.cmpi ne, %bitcast3A_719, %get3A_716 : vector<16xi32>
    tpu.vector_store_idx %arg11[%get3A_716], %broadcast_in_dim3A_15 {add = true} : memref<16xf32, #tpu.memory_space<vmem>>[vector<16xi32>], vector<16xf32>,
    tpu.vector_store_idx %arg19[%get3A_716], %get3A_714 {add = true} : memref<16xf32, #tpu.memory_space<vmem>>[vector<16xi32>], vector<16xf32>,
    tpu.vector_store_idx %arg12[%bitcast3A_719], %broadcast_in_dim3A_15 masked %ne3A_720 {add = true} : memref<16xf32, #tpu.memory_space<vmem>>[vector<16xi32>], vector<16xf32>, vector<16xi1>
    tpu.vector_store_idx %arg20[%bitcast3A_719], %get3A_714 masked %ne3A_720 {add = true} : memref<16xf32, #tpu.memory_space<vmem>>[vector<16xi32>], vector<16xf32>, vector<16xi1>
    %add3A_721 = arith.addf %add3A_677, %get3A_712 : vector<16xf32>
    %get3A_722 = arith.constant 976 : index
    %get3A_723 = tpu.vector_load %arg7[%get3A_722] {strides = array<i32>} : memref<1024xf32, #tpu.memory_space<vmem>>, vector<16xf32>,
    %get3A_724 = arith.constant 976 : index
    %get3A_725 = tpu.vector_load %arg8[%get3A_724] {strides = array<i32>} : memref<1024xf32, #tpu.memory_space<vmem>>, vector<16xf32>,
    %get3A_726 = arith.constant 976 : index
    %get3A_727 = tpu.vector_load %arg9[%get3A_726] {strides = array<i32>} : memref<1024xi32, #tpu.memory_space<vmem>>, vector<16xi32>,
    %get3A_728 = arith.constant 976 : index
    %get3A_729 = tpu.vector_load %arg10[%get3A_728] {strides = array<i32>} : memref<1024xf32, #tpu.memory_space<vmem>>, vector<16xf32>,
    %bitcast3A_730 = vector.bitcast %get3A_729 : vector<16xf32> to vector<16xi32>
    %ne3A_731 = arith.cmpi ne, %bitcast3A_730, %get3A_727 : vector<16xi32>
    tpu.vector_store_idx %arg13[%get3A_727], %broadcast_in_dim3A_15 {add = true} : memref<16xf32, #tpu.memory_space<vmem>>[vector<16xi32>], vector<16xf32>,
    tpu.vector_store_idx %arg21[%get3A_727], %get3A_725 {add = true} : memref<16xf32, #tpu.memory_space<vmem>>[vector<16xi32>], vector<16xf32>,
    tpu.vector_store_idx %arg14[%bitcast3A_730], %broadcast_in_dim3A_15 masked %ne3A_731 {add = true} : memref<16xf32, #tpu.memory_space<vmem>>[vector<16xi32>], vector<16xf32>, vector<16xi1>
    tpu.vector_store_idx %arg22[%bitcast3A_730], %get3A_725 masked %ne3A_731 {add = true} : memref<16xf32, #tpu.memory_space<vmem>>[vector<16xi32>], vector<16xf32>, vector<16xi1>
    %add3A_732 = arith.addf %add3A_688, %get3A_723 : vector<16xf32>
    %get3A_733 = arith.constant 992 : index
    %get3A_734 = tpu.vector_load %arg7[%get3A_733] {strides = array<i32>} : memref<1024xf32, #tpu.memory_space<vmem>>, vector<16xf32>,
    %get3A_735 = arith.constant 992 : index
    %get3A_736 = tpu.vector_load %arg8[%get3A_735] {strides = array<i32>} : memref<1024xf32, #tpu.memory_space<vmem>>, vector<16xf32>,
    %get3A_737 = arith.constant 992 : index
    %get3A_738 = tpu.vector_load %arg9[%get3A_737] {strides = array<i32>} : memref<1024xi32, #tpu.memory_space<vmem>>, vector<16xi32>,
    %get3A_739 = arith.constant 992 : index
    %get3A_740 = tpu.vector_load %arg10[%get3A_739] {strides = array<i32>} : memref<1024xf32, #tpu.memory_space<vmem>>, vector<16xf32>,
    %bitcast3A_741 = vector.bitcast %get3A_740 : vector<16xf32> to vector<16xi32>
    %ne3A_742 = arith.cmpi ne, %bitcast3A_741, %get3A_738 : vector<16xi32>
    tpu.vector_store_idx %arg15[%get3A_738], %broadcast_in_dim3A_15 {add = true} : memref<16xf32, #tpu.memory_space<vmem>>[vector<16xi32>], vector<16xf32>,
    tpu.vector_store_idx %arg23[%get3A_738], %get3A_736 {add = true} : memref<16xf32, #tpu.memory_space<vmem>>[vector<16xi32>], vector<16xf32>,
    tpu.vector_store_idx %arg16[%bitcast3A_741], %broadcast_in_dim3A_15 masked %ne3A_742 {add = true} : memref<16xf32, #tpu.memory_space<vmem>>[vector<16xi32>], vector<16xf32>, vector<16xi1>
    tpu.vector_store_idx %arg24[%bitcast3A_741], %get3A_736 masked %ne3A_742 {add = true} : memref<16xf32, #tpu.memory_space<vmem>>[vector<16xi32>], vector<16xf32>, vector<16xi1>
    %add3A_743 = arith.addf %add3A_699, %get3A_734 : vector<16xf32>
    %get3A_744 = arith.constant 1008 : index
    %get3A_745 = tpu.vector_load %arg7[%get3A_744] {strides = array<i32>} : memref<1024xf32, #tpu.memory_space<vmem>>, vector<16xf32>,
    %get3A_746 = arith.constant 1008 : index
    %get3A_747 = tpu.vector_load %arg8[%get3A_746] {strides = array<i32>} : memref<1024xf32, #tpu.memory_space<vmem>>, vector<16xf32>,
    %get3A_748 = arith.constant 1008 : index
    %get3A_749 = tpu.vector_load %arg9[%get3A_748] {strides = array<i32>} : memref<1024xi32, #tpu.memory_space<vmem>>, vector<16xi32>,
    %get3A_750 = arith.constant 1008 : index
    %get3A_751 = tpu.vector_load %arg10[%get3A_750] {strides = array<i32>} : memref<1024xf32, #tpu.memory_space<vmem>>, vector<16xf32>,
    %bitcast3A_752 = vector.bitcast %get3A_751 : vector<16xf32> to vector<16xi32>
    %ne3A_753 = arith.cmpi ne, %bitcast3A_752, %get3A_749 : vector<16xi32>
    tpu.vector_store_idx %arg17[%get3A_749], %broadcast_in_dim3A_15 {add = true} : memref<16xf32, #tpu.memory_space<vmem>>[vector<16xi32>], vector<16xf32>,
    tpu.vector_store_idx %arg25[%get3A_749], %get3A_747 {add = true} : memref<16xf32, #tpu.memory_space<vmem>>[vector<16xi32>], vector<16xf32>,
    tpu.vector_store_idx %arg18[%bitcast3A_752], %broadcast_in_dim3A_15 masked %ne3A_753 {add = true} : memref<16xf32, #tpu.memory_space<vmem>>[vector<16xi32>], vector<16xf32>, vector<16xi1>
    tpu.vector_store_idx %arg26[%bitcast3A_752], %get3A_747 masked %ne3A_753 {add = true} : memref<16xf32, #tpu.memory_space<vmem>>[vector<16xi32>], vector<16xf32>, vector<16xi1>
    %add3A_754 = arith.addf %add3A_710, %get3A_745 : vector<16xf32>
    %get3A_755 = arith.constant 0 : index
    %get3A_756 = tpu.vector_load %arg11[%get3A_755] {strides = array<i32>} : memref<16xf32, #tpu.memory_space<vmem>>, vector<16xf32>,
    %add3A_757 = arith.addf %broadcast_in_dim3A_13, %get3A_756 : vector<16xf32>
    %get3A_758 = arith.constant 0 : index
    %get3A_759 = tpu.vector_load %arg19[%get3A_758] {strides = array<i32>} : memref<16xf32, #tpu.memory_space<vmem>>, vector<16xf32>,
    %add3A_760 = arith.addf %broadcast_in_dim3A_13, %get3A_759 : vector<16xf32>
    %get3A_761 = arith.constant 0 : index
    %get3A_762 = tpu.vector_load %arg12[%get3A_761] {strides = array<i32>} : memref<16xf32, #tpu.memory_space<vmem>>, vector<16xf32>,
    %add3A_763 = arith.addf %add3A_757, %get3A_762 : vector<16xf32>
    %get3A_764 = arith.constant 0 : index
    %get3A_765 = tpu.vector_load %arg20[%get3A_764] {strides = array<i32>} : memref<16xf32, #tpu.memory_space<vmem>>, vector<16xf32>,
    %add3A_766 = arith.addf %add3A_760, %get3A_765 : vector<16xf32>
    %get3A_767 = arith.constant 0 : index
    %get3A_768 = tpu.vector_load %arg13[%get3A_767] {strides = array<i32>} : memref<16xf32, #tpu.memory_space<vmem>>, vector<16xf32>,
    %add3A_769 = arith.addf %add3A_763, %get3A_768 : vector<16xf32>
    %get3A_770 = arith.constant 0 : index
    %get3A_771 = tpu.vector_load %arg21[%get3A_770] {strides = array<i32>} : memref<16xf32, #tpu.memory_space<vmem>>, vector<16xf32>,
    %add3A_772 = arith.addf %add3A_766, %get3A_771 : vector<16xf32>
    %get3A_773 = arith.constant 0 : index
    %get3A_774 = tpu.vector_load %arg14[%get3A_773] {strides = array<i32>} : memref<16xf32, #tpu.memory_space<vmem>>, vector<16xf32>,
    %add3A_775 = arith.addf %add3A_769, %get3A_774 : vector<16xf32>
    %get3A_776 = arith.constant 0 : index
    %get3A_777 = tpu.vector_load %arg22[%get3A_776] {strides = array<i32>} : memref<16xf32, #tpu.memory_space<vmem>>, vector<16xf32>,
    %add3A_778 = arith.addf %add3A_772, %get3A_777 : vector<16xf32>
    %get3A_779 = arith.constant 0 : index
    %get3A_780 = tpu.vector_load %arg15[%get3A_779] {strides = array<i32>} : memref<16xf32, #tpu.memory_space<vmem>>, vector<16xf32>,
    %add3A_781 = arith.addf %add3A_775, %get3A_780 : vector<16xf32>
    %get3A_782 = arith.constant 0 : index
    %get3A_783 = tpu.vector_load %arg23[%get3A_782] {strides = array<i32>} : memref<16xf32, #tpu.memory_space<vmem>>, vector<16xf32>,
    %add3A_784 = arith.addf %add3A_778, %get3A_783 : vector<16xf32>
    %get3A_785 = arith.constant 0 : index
    %get3A_786 = tpu.vector_load %arg16[%get3A_785] {strides = array<i32>} : memref<16xf32, #tpu.memory_space<vmem>>, vector<16xf32>,
    %add3A_787 = arith.addf %add3A_781, %get3A_786 : vector<16xf32>
    %get3A_788 = arith.constant 0 : index
    %get3A_789 = tpu.vector_load %arg24[%get3A_788] {strides = array<i32>} : memref<16xf32, #tpu.memory_space<vmem>>, vector<16xf32>,
    %add3A_790 = arith.addf %add3A_784, %get3A_789 : vector<16xf32>
    %get3A_791 = arith.constant 0 : index
    %get3A_792 = tpu.vector_load %arg17[%get3A_791] {strides = array<i32>} : memref<16xf32, #tpu.memory_space<vmem>>, vector<16xf32>,
    %add3A_793 = arith.addf %add3A_787, %get3A_792 : vector<16xf32>
    %get3A_794 = arith.constant 0 : index
    %get3A_795 = tpu.vector_load %arg25[%get3A_794] {strides = array<i32>} : memref<16xf32, #tpu.memory_space<vmem>>, vector<16xf32>,
    %add3A_796 = arith.addf %add3A_790, %get3A_795 : vector<16xf32>
    %get3A_797 = arith.constant 0 : index
    %get3A_798 = tpu.vector_load %arg18[%get3A_797] {strides = array<i32>} : memref<16xf32, #tpu.memory_space<vmem>>, vector<16xf32>,
    %add3A_799 = arith.addf %add3A_793, %get3A_798 : vector<16xf32>
    %get3A_800 = arith.constant 0 : index
    %get3A_801 = tpu.vector_load %arg26[%get3A_800] {strides = array<i32>} : memref<16xf32, #tpu.memory_space<vmem>>, vector<16xf32>,
    %add3A_802 = arith.addf %add3A_796, %get3A_801 : vector<16xf32>
    %add3A_803 = arith.addf %add3A_721, %add3A_732 : vector<16xf32>
    %add3A_804 = arith.addf %add3A_743, %add3A_754 : vector<16xf32>
    %add3A_805 = arith.addf %add3A_803, %add3A_804 : vector<16xf32>
    %swap3A_806 = arith.constant 0 : index
    %swap3A_807 = tpu.vector_load %arg27[%swap3A_806] {strides = array<i32>} : memref<48xf32, #tpu.memory_space<vmem>>, vector<16xf32>,
    tpu.vector_store %arg27[%swap3A_806], %add3A_799 {strides = array<i32>} : memref<48xf32, #tpu.memory_space<vmem>>, vector<16xf32>,
    %swap3A_808 = arith.constant 16 : index
    %swap3A_809 = tpu.vector_load %arg27[%swap3A_808] {strides = array<i32>} : memref<48xf32, #tpu.memory_space<vmem>>, vector<16xf32>,
    tpu.vector_store %arg27[%swap3A_808], %add3A_802 {strides = array<i32>} : memref<48xf32, #tpu.memory_space<vmem>>, vector<16xf32>,
    %swap3A_810 = arith.constant 32 : index
    %swap3A_811 = tpu.vector_load %arg27[%swap3A_810] {strides = array<i32>} : memref<48xf32, #tpu.memory_space<vmem>>, vector<16xf32>,
    tpu.vector_store %arg27[%swap3A_810], %add3A_805 {strides = array<i32>} : memref<48xf32, #tpu.memory_space<vmem>>, vector<16xf32>,
    %mul3A_812 = arith.constant 3 : i32
    %mul3A_813 = arith.muli %arg1, %mul3A_812 : i32
    %mul3A_814 = arith.constant 16 : i32
    %mul3A_815 = arith.muli %mul3A_813, %mul3A_814 : i32
    "tpu.region"() ({
      %run_scoped3A = tpu.sem_alloc : memref<!tpu.dma_semaphore, #tpu.memory_space<semaphore_mem>>
      %dma_start3A_821 = tpu.memref_slice %arg31[%mul3A_815] : memref<768xf32, #tpu.memory_space<vmem_shared>> -> memref<48xf32, #tpu.memory_space<vmem_shared>>
      %dma_start3A_822 = tpu.memref_slice %arg31[%mul3A_815] : memref<768xf32, #tpu.memory_space<vmem_shared>> -> memref<48xf32, #tpu.memory_space<vmem_shared>>
      tpu.enqueue_dma source(%arg27 : memref<48xf32, #tpu.memory_space<vmem>>) target(%dma_start3A_822 : memref<48xf32, #tpu.memory_space<vmem_shared>>) target_semaphore(%run_scoped3A : memref<!tpu.dma_semaphore, #tpu.memory_space<semaphore_mem>>)
      %dma_wait3A_823 = tpu.memref_slice %arg31[%mul3A_815] : memref<768xf32, #tpu.memory_space<vmem_shared>> -> memref<48xf32, #tpu.memory_space<vmem_shared>>
      %dma_wait3A_824 = tpu.memref_slice %arg31[%mul3A_815] : memref<768xf32, #tpu.memory_space<vmem_shared>> -> memref<48xf32, #tpu.memory_space<vmem_shared>>
      tpu.wait_dma2 semaphore(%run_scoped3A : memref<!tpu.dma_semaphore, #tpu.memory_space<semaphore_mem>>) src(%arg27 : memref<48xf32, #tpu.memory_space<vmem>>) dst(%dma_wait3A_824 : memref<48xf32, #tpu.memory_space<vmem_shared>>)
      tpu.yield
    }) : () -> ()
    %barrier3A = arith.constant 0 : index
    tpu.barrier barrier_id(%barrier3A)
    %eq3A_816 = arith.constant 0 : i32
    %eq3A_817 = arith.cmpi eq, %arg1, %eq3A_816 : i32
    %convert_element_type3A_818 = arith.extui %eq3A_817 : i1 to i32
    %cond3A_819 = arith.constant 0 : i32
    %cond3A_820 = arith.cmpi ne, %convert_element_type3A_818, %cond3A_819 : i32
    scf.if %cond3A_820 {
      "tpu.region"() ({
        %run_scoped3A = tpu.sem_alloc : memref<!tpu.dma_semaphore, #tpu.memory_space<semaphore_mem>>
        tpu.enqueue_dma source(%arg31 : memref<768xf32, #tpu.memory_space<vmem_shared>>) target(%arg32 : memref<768xf32, #tpu.memory_space<vmem>>) target_semaphore(%run_scoped3A : memref<!tpu.dma_semaphore, #tpu.memory_space<semaphore_mem>>)
        tpu.wait_dma2 semaphore(%run_scoped3A : memref<!tpu.dma_semaphore, #tpu.memory_space<semaphore_mem>>) src(%arg31 : memref<768xf32, #tpu.memory_space<vmem_shared>>) dst(%arg32 : memref<768xf32, #tpu.memory_space<vmem>>)
        tpu.yield
      }) : () -> ()
      %dma_wait3A_821 = arith.constant 16384 : i32
      %dma_wait3A_822 = tpu.memref_slice %arg3[%dma_wait3A_821] : memref<16400xi32, #tpu.memory_space<hbm>> -> memref<16xi32, #tpu.memory_space<hbm>>
      %dma_wait3A_823 = arith.constant 16384 : i32
      %dma_wait3A_824 = tpu.memref_slice %arg3[%dma_wait3A_823] : memref<16400xi32, #tpu.memory_space<hbm>> -> memref<16xi32, #tpu.memory_space<hbm>>
      tpu.wait_dma2 semaphore(%arg34 : memref<!tpu.dma_semaphore, #tpu.memory_space<semaphore_mem>>) src(%dma_wait3A_824 : memref<16xi32, #tpu.memory_space<hbm>>) dst(%arg28 : memref<16xi32, #tpu.memory_space<vmem>>)
      %dma_wait3A_825 = arith.constant 0 : i32
      %dma_wait3A_826 = tpu.memref_slice %arg4[%dma_wait3A_825] : memref<408xf32, #tpu.memory_space<hbm>> -> memref<384xf32, #tpu.memory_space<hbm>>
      %dma_wait3A_827 = arith.constant 0 : i32
      %dma_wait3A_828 = tpu.memref_slice %arg4[%dma_wait3A_827] : memref<408xf32, #tpu.memory_space<hbm>> -> memref<384xf32, #tpu.memory_space<hbm>>
      tpu.wait_dma2 semaphore(%arg34 : memref<!tpu.dma_semaphore, #tpu.memory_space<semaphore_mem>>) src(%dma_wait3A_828 : memref<384xf32, #tpu.memory_space<hbm>>) dst(%arg30 : memref<384xf32, #tpu.memory_space<vmem>>)
      %dma_wait3A_829 = arith.constant 384 : i32
      %dma_wait3A_830 = tpu.memref_slice %arg4[%dma_wait3A_829] : memref<408xf32, #tpu.memory_space<hbm>> -> memref<24xf32, #tpu.memory_space<hbm>>
      %dma_wait3A_831 = arith.constant 384 : i32
      %dma_wait3A_832 = tpu.memref_slice %arg4[%dma_wait3A_831] : memref<408xf32, #tpu.memory_space<hbm>> -> memref<24xf32, #tpu.memory_space<hbm>>
      tpu.wait_dma2 semaphore(%arg34 : memref<!tpu.dma_semaphore, #tpu.memory_space<semaphore_mem>>) src(%dma_wait3A_832 : memref<24xf32, #tpu.memory_space<hbm>>) dst(%arg29 : memref<24xf32, #tpu.memory_space<vmem>>)
      %get3A_833 = arith.constant 0 : index
      %get3A_834 = tpu.vector_load %arg28[%get3A_833] {strides = array<i32>} : memref<16xi32, #tpu.memory_space<vmem>>, vector<16xi32>,
      %get3A_835 = arith.constant 0 : index
      %get3A_836 = tpu.vector_load %arg32[%get3A_835] {strides = array<i32>} : memref<768xf32, #tpu.memory_space<vmem>>, vector<16xf32>,
      %get3A_837 = arith.constant 16 : index
      %get3A_838 = tpu.vector_load %arg32[%get3A_837] {strides = array<i32>} : memref<768xf32, #tpu.memory_space<vmem>>, vector<16xf32>,
      %get3A_839 = arith.constant 32 : index
      %get3A_840 = tpu.vector_load %arg32[%get3A_839] {strides = array<i32>} : memref<768xf32, #tpu.memory_space<vmem>>, vector<16xf32>,
      %get3A_841 = arith.constant 48 : index
      %get3A_842 = tpu.vector_load %arg32[%get3A_841] {strides = array<i32>} : memref<768xf32, #tpu.memory_space<vmem>>, vector<16xf32>,
      %add3A_843 = arith.addf %get3A_836, %get3A_842 : vector<16xf32>
      %get3A_844 = arith.constant 64 : index
      %get3A_845 = tpu.vector_load %arg32[%get3A_844] {strides = array<i32>} : memref<768xf32, #tpu.memory_space<vmem>>, vector<16xf32>,
      %add3A_846 = arith.addf %get3A_838, %get3A_845 : vector<16xf32>
      %get3A_847 = arith.constant 80 : index
      %get3A_848 = tpu.vector_load %arg32[%get3A_847] {strides = array<i32>} : memref<768xf32, #tpu.memory_space<vmem>>, vector<16xf32>,
      %add3A_849 = arith.addf %get3A_840, %get3A_848 : vector<16xf32>
      %get3A_850 = arith.constant 96 : index
      %get3A_851 = tpu.vector_load %arg32[%get3A_850] {strides = array<i32>} : memref<768xf32, #tpu.memory_space<vmem>>, vector<16xf32>,
      %add3A_852 = arith.addf %add3A_843, %get3A_851 : vector<16xf32>
      %get3A_853 = arith.constant 112 : index
      %get3A_854 = tpu.vector_load %arg32[%get3A_853] {strides = array<i32>} : memref<768xf32, #tpu.memory_space<vmem>>, vector<16xf32>,
      %add3A_855 = arith.addf %add3A_846, %get3A_854 : vector<16xf32>
      %get3A_856 = arith.constant 128 : index
      %get3A_857 = tpu.vector_load %arg32[%get3A_856] {strides = array<i32>} : memref<768xf32, #tpu.memory_space<vmem>>, vector<16xf32>,
      %add3A_858 = arith.addf %add3A_849, %get3A_857 : vector<16xf32>
      %get3A_859 = arith.constant 144 : index
      %get3A_860 = tpu.vector_load %arg32[%get3A_859] {strides = array<i32>} : memref<768xf32, #tpu.memory_space<vmem>>, vector<16xf32>,
      %add3A_861 = arith.addf %add3A_852, %get3A_860 : vector<16xf32>
      %get3A_862 = arith.constant 160 : index
      %get3A_863 = tpu.vector_load %arg32[%get3A_862] {strides = array<i32>} : memref<768xf32, #tpu.memory_space<vmem>>, vector<16xf32>,
      %add3A_864 = arith.addf %add3A_855, %get3A_863 : vector<16xf32>
      %get3A_865 = arith.constant 176 : index
      %get3A_866 = tpu.vector_load %arg32[%get3A_865] {strides = array<i32>} : memref<768xf32, #tpu.memory_space<vmem>>, vector<16xf32>,
      %add3A_867 = arith.addf %add3A_858, %get3A_866 : vector<16xf32>
      %get3A_868 = arith.constant 192 : index
      %get3A_869 = tpu.vector_load %arg32[%get3A_868] {strides = array<i32>} : memref<768xf32, #tpu.memory_space<vmem>>, vector<16xf32>,
      %add3A_870 = arith.addf %add3A_861, %get3A_869 : vector<16xf32>
      %get3A_871 = arith.constant 208 : index
      %get3A_872 = tpu.vector_load %arg32[%get3A_871] {strides = array<i32>} : memref<768xf32, #tpu.memory_space<vmem>>, vector<16xf32>,
      %add3A_873 = arith.addf %add3A_864, %get3A_872 : vector<16xf32>
      %get3A_874 = arith.constant 224 : index
      %get3A_875 = tpu.vector_load %arg32[%get3A_874] {strides = array<i32>} : memref<768xf32, #tpu.memory_space<vmem>>, vector<16xf32>,
      %add3A_876 = arith.addf %add3A_867, %get3A_875 : vector<16xf32>
      %get3A_877 = arith.constant 240 : index
      %get3A_878 = tpu.vector_load %arg32[%get3A_877] {strides = array<i32>} : memref<768xf32, #tpu.memory_space<vmem>>, vector<16xf32>,
      %add3A_879 = arith.addf %add3A_870, %get3A_878 : vector<16xf32>
      %get3A_880 = arith.constant 256 : index
      %get3A_881 = tpu.vector_load %arg32[%get3A_880] {strides = array<i32>} : memref<768xf32, #tpu.memory_space<vmem>>, vector<16xf32>,
      %add3A_882 = arith.addf %add3A_873, %get3A_881 : vector<16xf32>
      %get3A_883 = arith.constant 272 : index
      %get3A_884 = tpu.vector_load %arg32[%get3A_883] {strides = array<i32>} : memref<768xf32, #tpu.memory_space<vmem>>, vector<16xf32>,
      %add3A_885 = arith.addf %add3A_876, %get3A_884 : vector<16xf32>
      %get3A_886 = arith.constant 288 : index
      %get3A_887 = tpu.vector_load %arg32[%get3A_886] {strides = array<i32>} : memref<768xf32, #tpu.memory_space<vmem>>, vector<16xf32>,
      %add3A_888 = arith.addf %add3A_879, %get3A_887 : vector<16xf32>
      %get3A_889 = arith.constant 304 : index
      %get3A_890 = tpu.vector_load %arg32[%get3A_889] {strides = array<i32>} : memref<768xf32, #tpu.memory_space<vmem>>, vector<16xf32>,
      %add3A_891 = arith.addf %add3A_882, %get3A_890 : vector<16xf32>
      %get3A_892 = arith.constant 320 : index
      %get3A_893 = tpu.vector_load %arg32[%get3A_892] {strides = array<i32>} : memref<768xf32, #tpu.memory_space<vmem>>, vector<16xf32>,
      %add3A_894 = arith.addf %add3A_885, %get3A_893 : vector<16xf32>
      %get3A_895 = arith.constant 336 : index
      %get3A_896 = tpu.vector_load %arg32[%get3A_895] {strides = array<i32>} : memref<768xf32, #tpu.memory_space<vmem>>, vector<16xf32>,
      %add3A_897 = arith.addf %add3A_888, %get3A_896 : vector<16xf32>
      %get3A_898 = arith.constant 352 : index
      %get3A_899 = tpu.vector_load %arg32[%get3A_898] {strides = array<i32>} : memref<768xf32, #tpu.memory_space<vmem>>, vector<16xf32>,
      %add3A_900 = arith.addf %add3A_891, %get3A_899 : vector<16xf32>
      %get3A_901 = arith.constant 368 : index
      %get3A_902 = tpu.vector_load %arg32[%get3A_901] {strides = array<i32>} : memref<768xf32, #tpu.memory_space<vmem>>, vector<16xf32>,
      %add3A_903 = arith.addf %add3A_894, %get3A_902 : vector<16xf32>
      %get3A_904 = arith.constant 384 : index
      %get3A_905 = tpu.vector_load %arg32[%get3A_904] {strides = array<i32>} : memref<768xf32, #tpu.memory_space<vmem>>, vector<16xf32>,
      %add3A_906 = arith.addf %add3A_897, %get3A_905 : vector<16xf32>
      %get3A_907 = arith.constant 400 : index
      %get3A_908 = tpu.vector_load %arg32[%get3A_907] {strides = array<i32>} : memref<768xf32, #tpu.memory_space<vmem>>, vector<16xf32>,
      %add3A_909 = arith.addf %add3A_900, %get3A_908 : vector<16xf32>
      %get3A_910 = arith.constant 416 : index
      %get3A_911 = tpu.vector_load %arg32[%get3A_910] {strides = array<i32>} : memref<768xf32, #tpu.memory_space<vmem>>, vector<16xf32>,
      %add3A_912 = arith.addf %add3A_903, %get3A_911 : vector<16xf32>
      %get3A_913 = arith.constant 432 : index
      %get3A_914 = tpu.vector_load %arg32[%get3A_913] {strides = array<i32>} : memref<768xf32, #tpu.memory_space<vmem>>, vector<16xf32>,
      %add3A_915 = arith.addf %add3A_906, %get3A_914 : vector<16xf32>
      %get3A_916 = arith.constant 448 : index
      %get3A_917 = tpu.vector_load %arg32[%get3A_916] {strides = array<i32>} : memref<768xf32, #tpu.memory_space<vmem>>, vector<16xf32>,
      %add3A_918 = arith.addf %add3A_909, %get3A_917 : vector<16xf32>
      %get3A_919 = arith.constant 464 : index
      %get3A_920 = tpu.vector_load %arg32[%get3A_919] {strides = array<i32>} : memref<768xf32, #tpu.memory_space<vmem>>, vector<16xf32>,
      %add3A_921 = arith.addf %add3A_912, %get3A_920 : vector<16xf32>
      %get3A_922 = arith.constant 480 : index
      %get3A_923 = tpu.vector_load %arg32[%get3A_922] {strides = array<i32>} : memref<768xf32, #tpu.memory_space<vmem>>, vector<16xf32>,
      %add3A_924 = arith.addf %add3A_915, %get3A_923 : vector<16xf32>
      %get3A_925 = arith.constant 496 : index
      %get3A_926 = tpu.vector_load %arg32[%get3A_925] {strides = array<i32>} : memref<768xf32, #tpu.memory_space<vmem>>, vector<16xf32>,
      %add3A_927 = arith.addf %add3A_918, %get3A_926 : vector<16xf32>
      %get3A_928 = arith.constant 512 : index
      %get3A_929 = tpu.vector_load %arg32[%get3A_928] {strides = array<i32>} : memref<768xf32, #tpu.memory_space<vmem>>, vector<16xf32>,
      %add3A_930 = arith.addf %add3A_921, %get3A_929 : vector<16xf32>
      %get3A_931 = arith.constant 528 : index
      %get3A_932 = tpu.vector_load %arg32[%get3A_931] {strides = array<i32>} : memref<768xf32, #tpu.memory_space<vmem>>, vector<16xf32>,
      %add3A_933 = arith.addf %add3A_924, %get3A_932 : vector<16xf32>
      %get3A_934 = arith.constant 544 : index
      %get3A_935 = tpu.vector_load %arg32[%get3A_934] {strides = array<i32>} : memref<768xf32, #tpu.memory_space<vmem>>, vector<16xf32>,
      %add3A_936 = arith.addf %add3A_927, %get3A_935 : vector<16xf32>
      %get3A_937 = arith.constant 560 : index
      %get3A_938 = tpu.vector_load %arg32[%get3A_937] {strides = array<i32>} : memref<768xf32, #tpu.memory_space<vmem>>, vector<16xf32>,
      %add3A_939 = arith.addf %add3A_930, %get3A_938 : vector<16xf32>
      %get3A_940 = arith.constant 576 : index
      %get3A_941 = tpu.vector_load %arg32[%get3A_940] {strides = array<i32>} : memref<768xf32, #tpu.memory_space<vmem>>, vector<16xf32>,
      %add3A_942 = arith.addf %add3A_933, %get3A_941 : vector<16xf32>
      %get3A_943 = arith.constant 592 : index
      %get3A_944 = tpu.vector_load %arg32[%get3A_943] {strides = array<i32>} : memref<768xf32, #tpu.memory_space<vmem>>, vector<16xf32>,
      %add3A_945 = arith.addf %add3A_936, %get3A_944 : vector<16xf32>
      %get3A_946 = arith.constant 608 : index
      %get3A_947 = tpu.vector_load %arg32[%get3A_946] {strides = array<i32>} : memref<768xf32, #tpu.memory_space<vmem>>, vector<16xf32>,
      %add3A_948 = arith.addf %add3A_939, %get3A_947 : vector<16xf32>
      %get3A_949 = arith.constant 624 : index
      %get3A_950 = tpu.vector_load %arg32[%get3A_949] {strides = array<i32>} : memref<768xf32, #tpu.memory_space<vmem>>, vector<16xf32>,
      %add3A_951 = arith.addf %add3A_942, %get3A_950 : vector<16xf32>
      %get3A_952 = arith.constant 640 : index
      %get3A_953 = tpu.vector_load %arg32[%get3A_952] {strides = array<i32>} : memref<768xf32, #tpu.memory_space<vmem>>, vector<16xf32>,
      %add3A_954 = arith.addf %add3A_945, %get3A_953 : vector<16xf32>
      %get3A_955 = arith.constant 656 : index
      %get3A_956 = tpu.vector_load %arg32[%get3A_955] {strides = array<i32>} : memref<768xf32, #tpu.memory_space<vmem>>, vector<16xf32>,
      %add3A_957 = arith.addf %add3A_948, %get3A_956 : vector<16xf32>
      %get3A_958 = arith.constant 672 : index
      %get3A_959 = tpu.vector_load %arg32[%get3A_958] {strides = array<i32>} : memref<768xf32, #tpu.memory_space<vmem>>, vector<16xf32>,
      %add3A_960 = arith.addf %add3A_951, %get3A_959 : vector<16xf32>
      %get3A_961 = arith.constant 688 : index
      %get3A_962 = tpu.vector_load %arg32[%get3A_961] {strides = array<i32>} : memref<768xf32, #tpu.memory_space<vmem>>, vector<16xf32>,
      %add3A_963 = arith.addf %add3A_954, %get3A_962 : vector<16xf32>
      %get3A_964 = arith.constant 704 : index
      %get3A_965 = tpu.vector_load %arg32[%get3A_964] {strides = array<i32>} : memref<768xf32, #tpu.memory_space<vmem>>, vector<16xf32>,
      %add3A_966 = arith.addf %add3A_957, %get3A_965 : vector<16xf32>
      %get3A_967 = arith.constant 720 : index
      %get3A_968 = tpu.vector_load %arg32[%get3A_967] {strides = array<i32>} : memref<768xf32, #tpu.memory_space<vmem>>, vector<16xf32>,
      %add3A_969 = arith.addf %add3A_960, %get3A_968 : vector<16xf32>
      %get3A_970 = arith.constant 736 : index
      %get3A_971 = tpu.vector_load %arg32[%get3A_970] {strides = array<i32>} : memref<768xf32, #tpu.memory_space<vmem>>, vector<16xf32>,
      %add3A_972 = arith.addf %add3A_963, %get3A_971 : vector<16xf32>
      %get3A_973 = arith.constant 752 : index
      %get3A_974 = tpu.vector_load %arg32[%get3A_973] {strides = array<i32>} : memref<768xf32, #tpu.memory_space<vmem>>, vector<16xf32>,
      %add3A_975 = arith.addf %add3A_966, %get3A_974 : vector<16xf32>
      %reduce_sum3A = arith.constant true
      %reduce_sum3A_976 = vector.broadcast %reduce_sum3A : i1 to vector<16xi1>
      %reduce_sum3A_977 = tpu.scan <sum>, %add3A_975 masked %reduce_sum3A_976 : vector<16xf32>, vector<16xi1> -> vector<16xf32>
      %reduce_sum3A_978 = vector.extract %reduce_sum3A_977[15] : f32 from vector<16xf32>
      %mul3A_979 = arith.constant 6.10351563E-5 : f32
      %mul3A_980 = arith.mulf %reduce_sum3A_978, %mul3A_979 : f32
      %gather3A = tpu.vector_load_idx %arg29[%get3A_834] : memref<24xf32, #tpu.memory_space<vmem>>[vector<16xi32>], vector<16xf32>,
      %mul3A_981 = arith.constant 9.900000e-01 : f32
      %mul3A_982 = vector.broadcast %mul3A_981 : f32 to vector<16xf32>
      %mul3A_983 = arith.mulf %mul3A_982, %gather3A : vector<16xf32>
      %mul3A_984 = arith.constant 0.00999999977 : f32
      %mul3A_985 = arith.mulf %mul3A_984, %mul3A_980 : f32
      %add3A_986 = vector.broadcast %mul3A_985 : f32 to vector<16xf32>
      %add3A_987 = arith.addf %mul3A_983, %add3A_986 : vector<16xf32>
      %mul3A_988 = arith.constant 16 : i32
      %mul3A_989 = vector.broadcast %mul3A_988 : i32 to vector<16xi32>
      %mul3A_990 = arith.muli %get3A_834, %mul3A_989 : vector<16xi32>
      %add3A_991 = arith.addi %mul3A_990, %iota3A : vector<16xi32>
      %gather3A_992 = tpu.vector_load_idx %arg30[%add3A_991] : memref<384xf32, #tpu.memory_space<vmem>>[vector<16xi32>], vector<16xf32>,
      %mul3A_993 = arith.mulf %add3A_987, %add3A_969 : vector<16xf32>
      %add3A_994 = arith.addf %gather3A_992, %mul3A_993 : vector<16xf32>
      %sub3A = arith.subf %add3A_994, %add3A_972 : vector<16xf32>
      %reduce_sum3A_995 = arith.constant true
      %reduce_sum3A_996 = vector.broadcast %reduce_sum3A_995 : i1 to vector<16xi1>
      %reduce_sum3A_997 = tpu.scan <sum>, %sub3A masked %reduce_sum3A_996 : vector<16xf32>, vector<16xi1> -> vector<16xf32>
      %reduce_sum3A_998 = vector.extract %reduce_sum3A_997[15] : f32 from vector<16xf32>
      %mul3A_999 = arith.constant 1.250000e-01 : f32
      %mul3A_1000 = arith.mulf %reduce_sum3A_998, %mul3A_999 : f32
      %gt3A = vector.broadcast %mul3A_1000 : f32 to vector<16xf32>
      %gt3A_1001 = arith.cmpf ogt, %sub3A, %gt3A : vector<16xf32>
      %sub3A_1002 = vector.broadcast %mul3A_1000 : f32 to vector<16xf32>
      %sub3A_1003 = arith.subf %sub3A, %sub3A_1002 : vector<16xf32>
      %mul3A_1004 = arith.constant 1.000000e-01 : f32
      %mul3A_1005 = vector.broadcast %mul3A_1004 : f32 to vector<16xf32>
      %mul3A_1006 = arith.mulf %sub3A_1003, %mul3A_1005 : vector<16xf32>
      %sub3A_1007 = arith.subf %sub3A, %mul3A_1006 : vector<16xf32>
      %select_n3A = arith.select %gt3A_1001, %sub3A_1007, %sub3A : vector<16xi1>, vector<16xf32>
      %max3A = arith.constant 3.125000e+01 : f32
      %max3A_1008 = vector.broadcast %max3A : f32 to vector<16xf32>
      %max3A_1009 = arith.maximumf %select_n3A, %max3A_1008 : vector<16xf32>
      %reduce_sum3A_1010 = arith.constant true
      %reduce_sum3A_1011 = vector.broadcast %reduce_sum3A_1010 : i1 to vector<16xi1>
      %reduce_sum3A_1012 = tpu.scan <sum>, %max3A_1009 masked %reduce_sum3A_1011 : vector<16xf32>, vector<16xi1> -> vector<16xf32>
      %reduce_sum3A_1013 = vector.extract %reduce_sum3A_1012[15] : f32 from vector<16xf32>
      %gt3A_1014 = arith.constant 1.500000e+04 : f32
      %gt3A_1015 = arith.cmpf ogt, %reduce_sum3A_1013, %gt3A_1014 : f32
      %jit3A = arith.constant 0.949999988 : f32
      %jit3A_1016 = arith.constant 1.000000e+00 : f32
      %select_n3A_1017 = arith.select %gt3A_1015, %jit3A, %jit3A_1016 : f32
      %lt3A = arith.constant 5.000000e+03 : f32
      %lt3A_1018 = arith.cmpf olt, %reduce_sum3A_1013, %lt3A : f32
      %jit3A_1019 = arith.constant 1.000000e+02 : f32
      %jit3A_1020 = arith.constant 0.000000e+00 : f32
      %select_n3A_1021 = arith.select %lt3A_1018, %jit3A_1019, %jit3A_1020 : f32
      %mul3A_1022 = vector.broadcast %select_n3A_1017 : f32 to vector<16xf32>
      %mul3A_1023 = arith.mulf %max3A_1009, %mul3A_1022 : vector<16xf32>
      %add3A_1024 = vector.broadcast %select_n3A_1021 : f32 to vector<16xf32>
      %add3A_1025 = arith.addf %mul3A_1023, %add3A_1024 : vector<16xf32>
      tpu.vector_store_idx %arg30[%add3A_991], %add3A_1025 : memref<384xf32, #tpu.memory_space<vmem>>[vector<16xi32>], vector<16xf32>,
      %eq3A_1026 = arith.constant 0 : i32
      %eq3A_1027 = vector.broadcast %eq3A_1026 : i32 to vector<16xi32>
      %eq3A_1028 = arith.cmpi eq, %iota3A, %eq3A_1027 : vector<16xi32>
      tpu.vector_store_idx %arg29[%get3A_834], %add3A_987 masked %eq3A_1028 : memref<24xf32, #tpu.memory_space<vmem>>[vector<16xi32>], vector<16xf32>, vector<16xi1>
      tpu.enqueue_dma source(%arg30 : memref<384xf32, #tpu.memory_space<vmem>>) target(%arg5 : memref<384xf32, #tpu.memory_space<hbm>>) target_semaphore(%arg34 : memref<!tpu.dma_semaphore, #tpu.memory_space<semaphore_mem>>)
      tpu.enqueue_dma source(%arg29 : memref<24xf32, #tpu.memory_space<vmem>>) target(%arg6 : memref<24xf32, #tpu.memory_space<hbm>>) target_semaphore(%arg34 : memref<!tpu.dma_semaphore, #tpu.memory_space<semaphore_mem>>)
      tpu.wait_dma2 semaphore(%arg34 : memref<!tpu.dma_semaphore, #tpu.memory_space<semaphore_mem>>) src(%arg30 : memref<384xf32, #tpu.memory_space<vmem>>) dst(%arg5 : memref<384xf32, #tpu.memory_space<hbm>>)
      tpu.wait_dma2 semaphore(%arg34 : memref<!tpu.dma_semaphore, #tpu.memory_space<semaphore_mem>>) src(%arg29 : memref<24xf32, #tpu.memory_space<vmem>>) dst(%arg6 : memref<24xf32, #tpu.memory_space<hbm>>)
    } else {
    }
    return
  }
}

</mosaic_0001>

<sc_bundles>
// kernel: capital_manager_sc.3.cloned.1.call-start
scs
__scs_entry_jumppad:
0x0: {  	(pc) =	sbr.rel $0x88, $3  }
0x1: {  	(tag) =	ssettag $0x0;
	lr =	simm.s32 $0x1  }
0x2: {  	[smem:$0x3F9B] =	sst lr;
	_ =	strace $0xD0000000  }
0x3: {  	_ = 	snop  }
0x4: {  	_ = 	snop  }
0x5: {  	_ = 	snop  }
0x6: {  	_ = 	snop  }
0x7: {  	_ = 	snop  }
__scs_overlays_trampoline_lowered:
0x8: {  	[smem:$0x3FAA] =	sst s0  }
0x9: {  	[smem:$0x3FAB] =	sst s1  }
0xa: {  	[smem:$0x3FAC] =	sst s2  }
0xb: {  	[smem:$0x3FAD] =	sst s3  }
0xc: {  	[smem:$0x3FAE] =	sst s4  }
0xd: {  	[smem:$0x3FAF] =	sst s5  }
0xe: {  	[smem:$0x3FB0] =	sst s6  }
0xf: {  	[smem:$0x3FB1] =	sst s7  }
0x10: {  	[smem:$0x3FB2] =	sst s8  }
0x11: {  	[smem:$0x3FB3] =	sst s9;
	s0 =	simm.s32 @!p0 $0x0  }
0x12: {  	s1 =	sld [smem:$0x3F99];
	s0 =	simm.s32 @p0 $0x1  }
0x13: {  	[smem:$0x3FB4] =	sst s0;
	s0 =	simm.s32 @!p1 $0x0  }
0x14: {  	s2 =	sld [smem:$0x3F98];
	s0 =	simm.s32 @p1 $0x1  }
0x15: {  	[smem:$0x3FB5] =	sst s0;
	s0 =	simm.s32 @!p2 $0x0  }
0x16: {  	s3 =	sld [smem:$0x3FDB];
	s0 =	simm.s32 @p2 $0x1  }
0x17: {  	s4 =	simm.s32 $0x1BF5;
	[smem:$0x3FB7] =	sst s0  }
0x18: {  	s0 =	sld [smem:$0x3F9A];
	_ =	swait.ge [sflag:s4], $0x0  }
0x19: {  	s7 =	sld [smem:$0x3F9B]  }
0x1a: {  	s8 =	sadd.s32 $0xFFFFE003, lr  }
0x1b: {  	s9 =	sadd.s32 $0xFFFFFEF7, lr;
	s5 =	simm.s32 $0xFFFFFFFF;
	p2 =	slt.u32 s8, $0xFFFFF086  }
0x1c: {  	p1 =	slt.u32 s9, $0xF7A;
	s5 =	simm.s32 @!p2 $0x0  }
0x1d: {  	s5 =	simm.s32 @p1 $0x1;
	p0 =	seq.s32 s7, s2  }
0x1e: {  	s7 =	smul.u32 @!p0 $0xF7A, s2;
	p2 =	seq.s32 @!p0 s5, $0x0  }
0x1f: {  	s9 =	smul.u32 $0xF7A, s1;
	s8 =	simm.s32 @!p0 $0x1BF5;
	p2 =	por !p2, p0  }
0x20: {  	[sflag:s8] =	ssyncset.s32 @!p0 $0xFFFFF086;
	s6 =	sadd.s32 @!p0 s3, s7;
	s7 =	simm.s32 @!p0 $0x108  }
0x21: {  	s3 =	sadd.s32 s3, s9;
	s6 =	sadd.s32 @!p0 $0x88, s6;
	s7 =	simm.s32 @p2 $0x1082  }
0x22: {  	[simem:s7], [sflag:s8] =	dma.local @!p0 [hbm:s6], $0xF7A  }
0x23: {  	s9 =	sor.u32 $0xD0000000, s2;
	s6 =	simm.s32 $0x108;
	_ =	swait.ge @!p0 [sflag:s8], $0x0  }
0x24: {  	s3 =	sadd.s32 $0x88, s3;
	s6 =	simm.s32 @!p1 $0x1082;
	[sflag:s4] =	ssyncset.s32 $0xFFFFF086  }
0x25: {  	[simem:s6], [sflag:s4] =	dma.local [hbm:s3], $0xF7A  }
0x26: {  	[smem:$0x3F9B] =	sst s1;
	(tag) =	ssettag s2;
	_ =	strace s9  }
0x27: {  	s1 =	sld [smem:$0x3FAB]  }
0x28: {  	s2 =	sld [smem:$0x3FAC]  }
0x29: {  	s4 =	sld [smem:$0x3FAE]  }
0x2a: {  	p0 =	seq.s32 s5, $0x0;
	s5 =	sld [smem:$0x3FAF]  }
0x2b: {  	s6 =	sld [smem:$0x3FB0]  }
0x2c: {  	s7 =	sld [smem:$0x3FB1]  }
0x2d: {  	s3 =	simm.s32 $0x108;
	s8 =	sld [smem:$0x3FB2]  }
0x2e: {  	s3 =	simm.s32 @!p0 $0x1082;
	s9 =	sld [smem:$0x3FB3]  }
0x2f: {  	lr =	sadd.s32 s0, s3;
	s0 =	sld [smem:$0x3FAA]  }
0x30: {  	s3 =	sld [smem:$0x3FAD]  }
0x31: {  	[smem:$0x3FB6] =	sst s10  }
0x32: {  	s10 =	sld [smem:$0x3FB4];
	_ =	sdelay $0x3  }
0x33: {  	p0 =	seq.s32 s10, $0x1;
	s10 =	sld [smem:$0x3FB6];
	_ =	sdelay $0x3  }
0x34: {  	[smem:$0x3FB6] =	sst s10  }
0x35: {  	s10 =	sld [smem:$0x3FB5];
	_ =	sdelay $0x3  }
0x36: {  	p1 =	seq.s32 s10, $0x1;
	s10 =	sld [smem:$0x3FB6];
	_ =	sdelay $0x3  }
0x37: {  	[smem:$0x3FB6] =	sst s10  }
0x38: {  	s10 =	sld [smem:$0x3FB7]  }
0x39: {  	_ = 	snop;
	(pc) =	sbr.ind lr, $3  }
0x3a: {  	_ = 	snop  }
0x3b: {  	_ = 	snop  }
0x3c: {  	p2 =	seq.s32 s10, $0x1;
	s10 =	sld [smem:$0x3FB6]  }
0x3d: {  	_ =	shalt  }
0x3e: {  	_ =	shalt  }
0x3f: {  	_ =	shalt  }
0x40: {  	_ =	shalt  }
0x41: {  	_ =	shalt  }
0x42: {  	_ =	shalt  }
0x43: {  	_ =	shalt  }
0x44: {  	_ =	shalt  }
0x45: {  	_ =	shalt  }
0x46: {  	_ =	shalt  }
0x47: {  	_ =	shalt  }
0x48: {  	_ =	shalt  }
0x49: {  	_ =	shalt  }
0x4a: {  	_ =	shalt  }
0x4b: {  	_ =	shalt  }
0x4c: {  	_ =	shalt  }
0x4d: {  	_ =	shalt  }
0x4e: {  	_ =	shalt  }
0x4f: {  	_ =	shalt  }
0x50: {  	_ =	shalt  }
0x51: {  	_ =	shalt  }
0x52: {  	_ =	shalt  }
0x53: {  	_ =	shalt  }
0x54: {  	_ =	shalt  }
0x55: {  	_ =	shalt  }
0x56: {  	_ =	shalt  }
0x57: {  	_ =	shalt  }
0x58: {  	_ =	shalt  }
0x59: {  	_ =	shalt  }
0x5a: {  	_ =	shalt  }
0x5b: {  	_ =	shalt  }
0x5c: {  	_ =	shalt  }
0x5d: {  	_ =	shalt  }
0x5e: {  	_ =	shalt  }
0x5f: {  	_ =	shalt  }
0x60: {  	_ =	shalt  }
0x61: {  	_ =	shalt  }
0x62: {  	_ =	shalt  }
0x63: {  	_ =	shalt  }
0x64: {  	_ =	shalt  }
0x65: {  	_ =	shalt  }
0x66: {  	_ =	shalt  }
0x67: {  	_ =	shalt  }
0x68: {  	_ =	shalt  }
0x69: {  	_ =	shalt  }
0x6a: {  	_ =	shalt  }
0x6b: {  	_ =	shalt  }
0x6c: {  	_ =	shalt  }
0x6d: {  	_ =	shalt  }
0x6e: {  	_ =	shalt  }
0x6f: {  	_ =	shalt  }
0x70: {  	_ =	shalt  }
0x71: {  	_ =	shalt  }
0x72: {  	_ =	shalt  }
0x73: {  	_ =	shalt  }
0x74: {  	_ =	shalt  }
0x75: {  	_ =	shalt  }
0x76: {  	_ =	shalt  }
0x77: {  	_ =	shalt  }
0x78: {  	_ =	shalt  }
0x79: {  	_ =	shalt  }
0x7a: {  	_ =	shalt  }
0x7b: {  	_ =	shalt  }
0x7c: {  	_ =	shalt  }
0x7d: {  	_ =	shalt  }
0x7e: {  	_ =	shalt  }
0x7f: {  	_ =	shalt  }
0x80: {  	_ =	shalt  }
0x81: {  	_ =	shalt  }
0x82: {  	_ =	shalt  }
0x83: {  	_ =	shalt  }
0x84: {  	_ =	shalt  }
0x85: {  	_ =	shalt  }
0x86: {  	_ =	shalt  }
0x87: {  	_ =	shalt  }
.Lfunc_end0:
.L_simem_size_0:
called_computation_lowered:
.L_overlay_start_0:
0x88: {  	s0 =	sld [smem:$0x3FD9]  }
0x89: {  	s1 =	sld [smem:$0x3FFE];
	_ =	sdelay $0x3  }
0x8a: {  	s0 =	sadd.s32 s1, s0  }
0x8b: {  	[smem:$0x3FC2] =	sst s0  }
0x8c: {  	_ = 	snop  }
0x8d: {  	s0 =	sld [smem:$0x3FD0];
	_ =	sdelay $0x2  }
0x8e: {  	s13 =	simm.s32 $0xA;
	s2 =	simm.s32 $0x10  }
0x8f: {  	[smem:s2], [sflag:s13] =	dma.local [hbm:s0], $0x1  }
0x90: {  	_ =	swait.eq [sflag:s13], $0x1  }
0x91: {  	[sflag:s13] =	ssyncset.done $0x0  }
0x92: {  	s14 =	sld [smem:$0x10];
	[sflag:s13] =	ssyncadd.s32 $0xFFFFFFFF  }
0x93: {  	s15 =	sld [smem:$0x11];
	(tm) =	ssettm $0x1  }
0x94: {  	s16 =	sld [smem:$0x3FFB];
	_ =	sdelay $0x3  }
0x95: {  	_ =	strace s16  }
0x96: {  	s2 =	sld [smem:$0x3FFC];
	_ =	sdelay $0x3  }
0x97: {  	_ =	strace s2  }
0x98: {  	s2 =	sld [smem:$0x3FFD];
	_ =	sdelay $0x3  }
0x99: {  	_ =	strace s2  }
0x9a: {  	_ =	strace $0x8FFFFFFF  }
0x9b: {  	s17 =	sld [smem:$0x3FDB];
	_ =	sdelay $0x1  }
0x9c: {  	s3 =	simm.s32 $_scs_section_size  }
0x9d: {  	s4 =	simm.s32 $_size__tile_overlayer_lowered;
	s5 =	simm.s32 $_tile_overlayer_lowered  }
0x9e: {  	s20 =	simm.s32 $0x1BFF;
	s19 =	sshll.u32 s5, $0x1;
	s2 =	sadd.s32 s3, s17  }
0x9f: {  	s6 =	simm.s32 $0x0;
	s18 =	sshll.u32 s4, $0x1;
	s4 =	sadd.s32 s19, s2  }
0xa0: {  	[timem:s6], [sflag:s20] =	dma.local [hbm:s4], s18  }
0xa1: {  	_ =	swait.ge [sflag:s20], s18  }
0xa2: {  	s3 =	ssub.s32 $0x0, s18;
	[sflag:s20] =	ssyncset.done $0x0  }
0xa3: {  	[sflag:s20] =	ssyncadd.s32 s3;
	_ =	sdelay $0x1  }
0xa4: {  	s21 =	simm.s32 $0x1B8B  }
0xa5: {  	_ =	swait.ge [sflag:s21], $0x1  }
0xa6: {  	[sflag:s21] =	ssyncset.done $0x0  }
0xa7: {  	s23 =	simm.s32 $0x1B8E;
	s22 =	sld [smem:$0x3FFE];
	[sflag:s21] =	ssyncadd.s32 $0xFFFFFFFF  }
0xa8: {  	s24 =	simm.s32 $execute0_lowered;
	[smem:$0x3FD2] =	sst s23  }
0xa9: {  	s4 =	sshll.u32 s24, $0x1;
	_ =	strace $0x80000046;
	[dreg:$0x1] =	wrdreg $0xFFFFFFFF  }
0xaa: {  	s25 =	simm.s32 $_size_execute0_lowered;
	s2 =	sadd.s32 s2, s4;
	[dreg:$0x0] =	wrdreg $0x0  }
0xab: {  	s4 =	sshll.u32 s25, $0x1;
	[dreg:$0x2] =	wrdreg s2  }
0xac: {  	[dreg:$0x3] =	wrdreg s4  }
0xad: {  	[dreg:$0x4] =	wrdreg $0xC0  }
0xae: {  	_ =	task [dreg:s6], $0x5FFFF  }
0xaf: {  	[dreg:$0x1] =	wrdreg $0xFFFFFFFF  }
0xb0: {  	[dreg:$0x0] =	wrdreg $0x60  }
0xb1: {  	[dreg:$0x2] =	wrdreg s22  }
0xb2: {  	[dreg:$0x3] =	wrdreg s14  }
0xb3: {  	[dreg:$0x4] =	wrdreg s15  }
0xb4: {  	[dreg:$0x5] =	wrdreg $0x1B000  }
0xb5: {  	[dreg:$0x6] =	wrdreg $0x9  }
0xb6: {  	_ =	task.clear_ibuf [dreg:s6], $0x7FFFF;
	_ =	strace $0x90000046  }
0xb7: {  	s26 =	simm.s32 $0x9;
	_ =	strace $0x80000048  }
0xb8: {  	_ =	swait.ge [sflag:s26], $0x1  }
0xb9: {  	[sflag:s26] =	ssyncadd.s32 $0xFFFFFFFF  }
0xba: {  	_ =	strace $0x90000048  }
0xbb: {  	_ =	sfence  }
0xbc: {  	s28 =	sld [smem:$0x0];
	_ =	sdelay $0x1  }
0xbd: {  	s29 =	srdreg.scid  }
0xbe: {  	s30 =	sshll.u32 s29, $0xD;
	s31 =	sshrl.u32 s29, $0x2  }
0xbf: {  	s1 =	sand.u32 $0x1, s29;
	s2 =	sand.u32 $0x4000, s30;
	s0 =	sadd.s32 s31, s28  }
0xc0: {  	s1 =	sor.u32 s2, s1;
	s0 =	sshll.u32 s0, $0x11  }
0xc1: {  	s0 =	sor.u32 s0, s1  }
0xc2: {  	s0 =	sadd.s32 $0x8F2B, s0  }
0xc3: {  	[sflag:s0] =	ssyncadd.remote.s32 $0x1  }
0xc4: {  	_ =	sfence.sel $0xFFFF  }
0xc5: {  	[dreg:$0x0] =	wrdreg $0xFFFFFFFF;
	(pc) =	sbr.abs _section_cstart, $3  }
0xc6: {  	[dreg:$0x1] =	wrdreg $0xFFFFFFFF  }
0xc7: {  	_ =	task.clear_ibuf [dreg:s6], $0x2FFFF;
	_ =	strace $0x9FFFFFFF  }
0xc8: {  	(tm) =	ssettm $0x7FFFFFFF  }
0xc9: {  	_ =	shalt  }
tec
execute0_lowered:
.L_overlay_start_1:
0x0: {  	(tag) =	ssettag $0x1  }
0x1: {  	s2 =	rddreg [dreg:$0x0]  }
0x2: {  	s6 =	rddreg [dreg:$0x1]  }
0x3: {  	s1 =	rddreg [dreg:$0x2];
	s5 =	stileid.u32  }
0x4: {  	s4 =	rddreg [dreg:$0x3];
	s3 =	simm.s32 $0x0;
	s7 =	sshll.u32 s5, $0x7  }
0x5: {  	[smem:$0x7FF] =	sst s3;
	s8 =	sadd.s32 s7, s2  }
0x6: {  	s0 =	rddreg [dreg:$0x4];
	_ =	strace $0x80000047;
	s9 =	sadd.s32 $0x1C00, s8  }
0x7: {  	[tilespmem:s3], [sflag:$0x1] =	stream.linear.gather [hbm4b:s9+s3], $0x400, $0x38;
	[tilespmem:$0x1E30] =	vst v63  }
0x8: {  	s11 =	simm.s32 $0x400;
	s10 =	sadd.s32 $0x2400, s8;
	s9 =	sadd.s32 $0x1200, s2  }
0x9: {  	[tilespmem:s11], [sflag:$0x1] =	stream.linear.gather [hbm4b:s10+s3], $0x400, $0x38;
	[tilespmem:$0x1E30] =	vst v63  }
0xa: {  	s20 =	simm.s32 $0x800;
	s7 =	sadd.s32 s9, s7  }
0xb: {  	[tilespmem:s20], [sflag:$0x1] =	stream.linear.gather [hbm4b:s7+s3], $0x400, $0x38;
	[tilespmem:$0x1E30] =	vst v63  }
0xc: {  	s22 =	simm.s32 $0xC00;
	p0 =	sne.s32 s5, $0x0;
	s21 =	sadd.s32 $0x2C00, s8  }
0xd: {  	[tilespmem:s22], [sflag:$0x1] =	stream.linear.gather [hbm4b:s21+s3], $0x400, $0x38;
	[tilespmem:$0x1E30] =	vst v63  }
0xe: {  	s8 =	simm.s32 @!p0 $0x0;
	s7 =	sadd.s32 @!p0 $0x800, s9;
	s9 =	simm.s32 @!p0 $0x1880  }
0xf: {  	[tilespmem:s9], [sflag:$0x2] =	stream.linear.gather @!p0 [hbm4b:s7+s8], $0x10, $0x38;
	[tilespmem:$0x1E30] =	vst v63  }
0x10: {  	s7 =	simm.s32 @!p0 $0x1980  }
0x11: {  	[tilespmem:s7], [sflag:$0x2] =	stream.linear.gather @!p0 [hbm4b:s6+s8], $0x180, $0x38;
	[tilespmem:$0x1E30] =	vst v63  }
0x12: {  	s6 =	sadd.s32 @!p0 $0x30, s6;
	s7 =	simm.s32 @!p0 $0x1900  }
0x13: {  	v0 =	vimm.f32 $0.0e+00;
	[tilespmem:s7], [sflag:$0x2] =	stream.linear.gather @!p0 [hbm4b:s6+s8], $0x18, $0x38;
	[tilespmem:$0x1E30] =	vst v63  }
0x14: {  	[tilespmem:$0x1000] =	vst v0  }
0x15: {  	[tilespmem:$0x1080] =	vst v0  }
0x16: {  	[tilespmem:$0x1100] =	vst v0  }
0x17: {  	[tilespmem:$0x1180] =	vst v0  }
0x18: {  	[tilespmem:$0x1200] =	vst v0  }
0x19: {  	[tilespmem:$0x1280] =	vst v0  }
0x1a: {  	[tilespmem:$0x1300] =	vst v0  }
0x1b: {  	[tilespmem:$0x1380] =	vst v0  }
0x1c: {  	[tilespmem:$0x1400] =	vst v0  }
0x1d: {  	[tilespmem:$0x1480] =	vst v0  }
0x1e: {  	[tilespmem:$0x1500] =	vst v0  }
0x1f: {  	[tilespmem:$0x1580] =	vst v0  }
0x20: {  	[tilespmem:$0x1600] =	vst v0  }
0x21: {  	[tilespmem:$0x1680] =	vst v0  }
0x22: {  	[tilespmem:$0x1700] =	vst v0  }
0x23: {  	s23 =	simm.s32 $0x1;
	[tilespmem:$0x1780] =	vst v0  }
0x24: {  	_ =	swait.ge [sflag:s23], $0x400  }
0x25: {  	[sflag:s23] =	ssyncset.done $0x0  }
0x26: {  	[sflag:s23] =	ssyncadd.s32 $0xFFFFFC00  }
0x27: {  	_ =	swait.ge [sflag:s23], $0x400  }
0x28: {  	[sflag:s23] =	ssyncset.done $0x0  }
0x29: {  	[sflag:s23] =	ssyncadd.s32 $0xFFFFFC00  }
0x2a: {  	_ =	swait.ge [sflag:s23], $0x400  }
0x2b: {  	[sflag:s23] =	ssyncset.done $0x0  }
0x2c: {  	[sflag:s23] =	ssyncadd.s32 $0xFFFFFC00  }
0x2d: {  	_ =	swait.ge [sflag:s23], $0x400  }
0x2e: {  	[sflag:s23] =	ssyncset.done $0x0  }
0x2f: {  	[sflag:s23] =	ssyncadd.s32 $0xFFFFFC00  }
0x30: {  	v2 =	vld [tilespmem:$0x800]  }
0x31: {  	v3 =	vld [tilespmem:$0xC00];
	_ =	sdelay $0x4  }
0x32: {  	v4 =	vld [tilespmem:$0x400];
	vm0 =	vne.s32 v3, v2;
	_ =	sdelay $0x2  }
0x33: {  	s24 =	simm.s32 $0x1000;
	v0 =	vimm.f32 $1.000000000e+00;
	v1 =	vld [tilespmem:$0x0]  }
0x34: {  	s25 =	simm.s32 $0x1400;
	[tilespmem:v2+s24+$0x0] =	vst.idx.add.f32.msk $0xffff, v0  }
0x35: {  	s13 =	simm.s32 $0x1080;
	[tilespmem:v2+s25+$0x0] =	vst.idx.add.f32.msk $0xffff, v4  }
0x36: {  	s16 =	simm.s32 $0x1480;
	[tilespmem:v3+s13+$0x0] =	vst.idx.add.f32.msk vm0, v0  }
0x37: {  	[tilespmem:v3+s16+$0x0] =	vst.idx.add.f32.msk vm0, v4  }
0x38: {  	v3 =	vld [tilespmem:$0x810]  }
0x39: {  	v4 =	vld [tilespmem:$0xC10];
	_ =	sdelay $0x4  }
0x3a: {  	v5 =	vld [tilespmem:$0x410];
	vm13 =	vne.s32 v4, v3;
	_ =	sdelay $0x2  }
0x3b: {  	s18 =	simm.s32 $0x1100;
	v2 =	vld [tilespmem:$0x10]  }
0x3c: {  	s19 =	simm.s32 $0x1500;
	[tilespmem:v3+s18+$0x0] =	vst.idx.add.f32.msk $0xffff, v0  }
0x3d: {  	s20 =	simm.s32 $0x1180;
	[tilespmem:v3+s19+$0x0] =	vst.idx.add.f32.msk $0xffff, v5  }
0x3e: {  	s21 =	simm.s32 $0x1580;
	[tilespmem:v4+s20+$0x0] =	vst.idx.add.f32.msk vm13, v0  }
0x3f: {  	[tilespmem:v4+s21+$0x0] =	vst.idx.add.f32.msk vm13, v5  }
0x40: {  	v4 =	vld [tilespmem:$0x820]  }
0x41: {  	v5 =	vld [tilespmem:$0xC20];
	_ =	sdelay $0x4  }
0x42: {  	v6 =	vld [tilespmem:$0x420];
	vm14 =	vne.s32 v5, v4;
	_ =	sdelay $0x2  }
0x43: {  	s17 =	simm.s32 $0x1200;
	v3 =	vld [tilespmem:$0x20]  }
0x44: {  	s14 =	simm.s32 $0x1600;
	[tilespmem:v4+s17+$0x0] =	vst.idx.add.f32.msk $0xffff, v0  }
0x45: {  	s12 =	simm.s32 $0x1280;
	[tilespmem:v4+s14+$0x0] =	vst.idx.add.f32.msk $0xffff, v6  }
0x46: {  	s15 =	simm.s32 $0x1680;
	[tilespmem:v5+s12+$0x0] =	vst.idx.add.f32.msk vm14, v0  }
0x47: {  	[tilespmem:v5+s15+$0x0] =	vst.idx.add.f32.msk vm14, v6  }
0x48: {  	v5 =	vld [tilespmem:$0x830]  }
0x49: {  	v6 =	vld [tilespmem:$0xC30];
	_ =	sdelay $0x4  }
0x4a: {  	v7 =	vld [tilespmem:$0x430];
	vm15 =	vne.s32 v6, v5;
	_ =	sdelay $0x2  }
0x4b: {  	s26 =	simm.s32 $0x1300;
	v4 =	vld [tilespmem:$0x30]  }
0x4c: {  	s28 =	simm.s32 $0x1700;
	[tilespmem:v5+s26+$0x0] =	vst.idx.add.f32.msk $0xffff, v0  }
0x4d: {  	s29 =	simm.s32 $0x1380;
	[tilespmem:v5+s28+$0x0] =	vst.idx.add.f32.msk $0xffff, v7  }
0x4e: {  	s30 =	simm.s32 $0x1780;
	[tilespmem:v6+s29+$0x0] =	vst.idx.add.f32.msk vm15, v0  }
0x4f: {  	[tilespmem:v6+s30+$0x0] =	vst.idx.add.f32.msk vm15, v7  }
0x50: {  	v7 =	vld [tilespmem:$0x840]  }
0x51: {  	v8 =	vld [tilespmem:$0xC40];
	_ =	sdelay $0x4  }
0x52: {  	v6 =	vld [tilespmem:$0x440];
	vm4 =	vne.s32 v8, v7;
	_ =	sdelay $0x2  }
0x53: {  	[tilespmem:$0x1FFC0] =	vst v4;
	v4 =	vld [tilespmem:$0x40]  }
0x54: {  	[tilespmem:v7+s24+$0x0] =	vst.idx.add.f32.msk $0xffff, v0  }
0x55: {  	[tilespmem:v7+s25+$0x0] =	vst.idx.add.f32.msk $0xffff, v6  }
0x56: {  	[tilespmem:v8+s13+$0x0] =	vst.idx.add.f32.msk vm4, v0  }
0x57: {  	[tilespmem:v8+s16+$0x0] =	vst.idx.add.f32.msk vm4, v6  }
0x58: {  	v7 =	vld [tilespmem:$0x850]  }
0x59: {  	v8 =	vld [tilespmem:$0xC50];
	_ =	sdelay $0x4  }
0x5a: {  	v9 =	vld [tilespmem:$0x450];
	vm5 =	vne.s32 v8, v7;
	_ =	sdelay $0x2  }
0x5b: {  	v61 =	vld [tilespmem:$0x50]  }
0x5c: {  	[tilespmem:v7+s18+$0x0] =	vst.idx.add.f32.msk $0xffff, v0  }
0x5d: {  	[tilespmem:v7+s19+$0x0] =	vst.idx.add.f32.msk $0xffff, v9  }
0x5e: {  	[tilespmem:v8+s20+$0x0] =	vst.idx.add.f32.msk vm5, v0  }
0x5f: {  	[tilespmem:v8+s21+$0x0] =	vst.idx.add.f32.msk vm5, v9  }
0x60: {  	v8 =	vld [tilespmem:$0x860]  }
0x61: {  	v9 =	vld [tilespmem:$0xC60];
	_ =	sdelay $0x4  }
0x62: {  	v10 =	vld [tilespmem:$0x460];
	vm6 =	vne.s32 v9, v8;
	_ =	sdelay $0x2  }
0x63: {  	v62 =	vld [tilespmem:$0x60]  }
0x64: {  	[tilespmem:v8+s17+$0x0] =	vst.idx.add.f32.msk $0xffff, v0  }
0x65: {  	[tilespmem:v8+s14+$0x0] =	vst.idx.add.f32.msk $0xffff, v10  }
0x66: {  	[tilespmem:v9+s12+$0x0] =	vst.idx.add.f32.msk vm6, v0  }
0x67: {  	[tilespmem:v9+s15+$0x0] =	vst.idx.add.f32.msk vm6, v10  }
0x68: {  	v9 =	vld [tilespmem:$0x870]  }
0x69: {  	v10 =	vld [tilespmem:$0xC70];
	_ =	sdelay $0x4  }
0x6a: {  	v11 =	vld [tilespmem:$0x470];
	vm7 =	vne.s32 v10, v9;
	_ =	sdelay $0x2  }
0x6b: {  	v63 =	vld [tilespmem:$0x70]  }
0x6c: {  	[tilespmem:v9+s26+$0x0] =	vst.idx.add.f32.msk $0xffff, v0  }
0x6d: {  	[tilespmem:v9+s28+$0x0] =	vst.idx.add.f32.msk $0xffff, v11  }
0x6e: {  	[tilespmem:v10+s29+$0x0] =	vst.idx.add.f32.msk vm7, v0  }
0x6f: {  	[tilespmem:v10+s30+$0x0] =	vst.idx.add.f32.msk vm7, v11  }
0x70: {  	v10 =	vld [tilespmem:$0x880]  }
0x71: {  	v11 =	vld [tilespmem:$0xC80];
	_ =	sdelay $0x4  }
0x72: {  	v12 =	vld [tilespmem:$0x480];
	vm8 =	vne.s32 v11, v10;
	_ =	sdelay $0x2  }
0x73: {  	v9 =	vld [tilespmem:$0x80]  }
0x74: {  	[tilespmem:v10+s24+$0x0] =	vst.idx.add.f32.msk $0xffff, v0  }
0x75: {  	[tilespmem:v10+s25+$0x0] =	vst.idx.add.f32.msk $0xffff, v12  }
0x76: {  	[tilespmem:v11+s13+$0x0] =	vst.idx.add.f32.msk vm8, v0  }
0x77: {  	[tilespmem:v11+s16+$0x0] =	vst.idx.add.f32.msk vm8, v12  }
0x78: {  	v11 =	vld [tilespmem:$0x890]  }
0x79: {  	v12 =	vld [tilespmem:$0xC90];
	_ =	sdelay $0x4  }
0x7a: {  	v13 =	vld [tilespmem:$0x490];
	vm9 =	vne.s32 v12, v11;
	_ =	sdelay $0x2  }
0x7b: {  	v10 =	vld [tilespmem:$0x90]  }
0x7c: {  	[tilespmem:v11+s18+$0x0] =	vst.idx.add.f32.msk $0xffff, v0  }
0x7d: {  	[tilespmem:v11+s19+$0x0] =	vst.idx.add.f32.msk $0xffff, v13  }
0x7e: {  	[tilespmem:v12+s20+$0x0] =	vst.idx.add.f32.msk vm9, v0  }
0x7f: {  	[tilespmem:v12+s21+$0x0] =	vst.idx.add.f32.msk vm9, v13  }
0x80: {  	v12 =	vld [tilespmem:$0x8A0]  }
0x81: {  	v13 =	vld [tilespmem:$0xCA0];
	_ =	sdelay $0x4  }
0x82: {  	v14 =	vld [tilespmem:$0x4A0];
	vm10 =	vne.s32 v13, v12;
	_ =	sdelay $0x2  }
0x83: {  	v11 =	vld [tilespmem:$0xA0]  }
0x84: {  	[tilespmem:v12+s17+$0x0] =	vst.idx.add.f32.msk $0xffff, v0  }
0x85: {  	[tilespmem:v12+s14+$0x0] =	vst.idx.add.f32.msk $0xffff, v14  }
0x86: {  	[tilespmem:v13+s12+$0x0] =	vst.idx.add.f32.msk vm10, v0  }
0x87: {  	[tilespmem:v13+s15+$0x0] =	vst.idx.add.f32.msk vm10, v14  }
0x88: {  	v13 =	vld [tilespmem:$0x8B0]  }
0x89: {  	v14 =	vld [tilespmem:$0xCB0];
	_ =	sdelay $0x4  }
0x8a: {  	v15 =	vld [tilespmem:$0x4B0];
	vm11 =	vne.s32 v14, v13;
	_ =	sdelay $0x2  }
0x8b: {  	v12 =	vld [tilespmem:$0xB0]  }
0x8c: {  	[tilespmem:v13+s26+$0x0] =	vst.idx.add.f32.msk $0xffff, v0  }
0x8d: {  	[tilespmem:v13+s28+$0x0] =	vst.idx.add.f32.msk $0xffff, v15  }
0x8e: {  	[tilespmem:v14+s29+$0x0] =	vst.idx.add.f32.msk vm11, v0  }
0x8f: {  	[tilespmem:v14+s30+$0x0] =	vst.idx.add.f32.msk vm11, v15  }
0x90: {  	v14 =	vld [tilespmem:$0x8C0]  }
0x91: {  	v15 =	vld [tilespmem:$0xCC0];
	_ =	sdelay $0x4  }
0x92: {  	v16 =	vld [tilespmem:$0x4C0];
	vm12 =	vne.s32 v15, v14;
	_ =	sdelay $0x2  }
0x93: {  	v13 =	vld [tilespmem:$0xC0]  }
0x94: {  	[tilespmem:v14+s24+$0x0] =	vst.idx.add.f32.msk $0xffff, v0  }
0x95: {  	[tilespmem:v14+s25+$0x0] =	vst.idx.add.f32.msk $0xffff, v16  }
0x96: {  	[tilespmem:v15+s13+$0x0] =	vst.idx.add.f32.msk vm12, v0  }
0x97: {  	[tilespmem:v15+s16+$0x0] =	vst.idx.add.f32.msk vm12, v16  }
0x98: {  	v15 =	vld [tilespmem:$0x8D0]  }
0x99: {  	v16 =	vld [tilespmem:$0xCD0];
	_ =	sdelay $0x4  }
0x9a: {  	v17 =	vld [tilespmem:$0x4D0];
	vm13 =	vne.s32 v16, v15;
	_ =	sdelay $0x2  }
0x9b: {  	v14 =	vld [tilespmem:$0xD0]  }
0x9c: {  	[tilespmem:v15+s18+$0x0] =	vst.idx.add.f32.msk $0xffff, v0  }
0x9d: {  	[tilespmem:v15+s19+$0x0] =	vst.idx.add.f32.msk $0xffff, v17  }
0x9e: {  	[tilespmem:v16+s20+$0x0] =	vst.idx.add.f32.msk vm13, v0  }
0x9f: {  	[tilespmem:v16+s21+$0x0] =	vst.idx.add.f32.msk vm13, v17  }
0xa0: {  	v16 =	vld [tilespmem:$0x8E0]  }
0xa1: {  	v17 =	vld [tilespmem:$0xCE0];
	_ =	sdelay $0x4  }
0xa2: {  	v18 =	vld [tilespmem:$0x4E0];
	vm14 =	vne.s32 v17, v16;
	_ =	sdelay $0x2  }
0xa3: {  	v15 =	vld [tilespmem:$0xE0]  }
0xa4: {  	[tilespmem:v16+s17+$0x0] =	vst.idx.add.f32.msk $0xffff, v0  }
0xa5: {  	[tilespmem:v16+s14+$0x0] =	vst.idx.add.f32.msk $0xffff, v18  }
0xa6: {  	[tilespmem:v17+s12+$0x0] =	vst.idx.add.f32.msk vm14, v0  }
0xa7: {  	[tilespmem:v17+s15+$0x0] =	vst.idx.add.f32.msk vm14, v18  }
0xa8: {  	v17 =	vld [tilespmem:$0x8F0]  }
0xa9: {  	v18 =	vld [tilespmem:$0xCF0];
	_ =	sdelay $0x4  }
0xaa: {  	v19 =	vld [tilespmem:$0x4F0];
	vm15 =	vne.s32 v18, v17;
	_ =	sdelay $0x2  }
0xab: {  	v16 =	vld [tilespmem:$0xF0]  }
0xac: {  	[tilespmem:v17+s26+$0x0] =	vst.idx.add.f32.msk $0xffff, v0  }
0xad: {  	[tilespmem:v17+s28+$0x0] =	vst.idx.add.f32.msk $0xffff, v19  }
0xae: {  	[tilespmem:v18+s29+$0x0] =	vst.idx.add.f32.msk vm15, v0  }
0xaf: {  	[tilespmem:v18+s30+$0x0] =	vst.idx.add.f32.msk vm15, v19  }
0xb0: {  	v18 =	vld [tilespmem:$0x900]  }
0xb1: {  	v19 =	vld [tilespmem:$0xD00];
	_ =	sdelay $0x4  }
0xb2: {  	v20 =	vld [tilespmem:$0x500];
	vm4 =	vne.s32 v19, v18;
	_ =	sdelay $0x2  }
0xb3: {  	v17 =	vld [tilespmem:$0x100]  }
0xb4: {  	[tilespmem:v18+s24+$0x0] =	vst.idx.add.f32.msk $0xffff, v0  }
0xb5: {  	[tilespmem:v18+s25+$0x0] =	vst.idx.add.f32.msk $0xffff, v20  }
0xb6: {  	[tilespmem:v19+s13+$0x0] =	vst.idx.add.f32.msk vm4, v0  }
0xb7: {  	[tilespmem:v19+s16+$0x0] =	vst.idx.add.f32.msk vm4, v20  }
0xb8: {  	v19 =	vld [tilespmem:$0x910]  }
0xb9: {  	v20 =	vld [tilespmem:$0xD10];
	_ =	sdelay $0x4  }
0xba: {  	v21 =	vld [tilespmem:$0x510];
	vm5 =	vne.s32 v20, v19;
	_ =	sdelay $0x2  }
0xbb: {  	v18 =	vld [tilespmem:$0x110]  }
0xbc: {  	[tilespmem:v19+s18+$0x0] =	vst.idx.add.f32.msk $0xffff, v0  }
0xbd: {  	[tilespmem:v19+s19+$0x0] =	vst.idx.add.f32.msk $0xffff, v21  }
0xbe: {  	[tilespmem:v20+s20+$0x0] =	vst.idx.add.f32.msk vm5, v0  }
0xbf: {  	[tilespmem:v20+s21+$0x0] =	vst.idx.add.f32.msk vm5, v21  }
0xc0: {  	v20 =	vld [tilespmem:$0x920]  }
0xc1: {  	v21 =	vld [tilespmem:$0xD20];
	_ =	sdelay $0x4  }
0xc2: {  	v22 =	vld [tilespmem:$0x520];
	vm6 =	vne.s32 v21, v20;
	_ =	sdelay $0x2  }
0xc3: {  	v19 =	vld [tilespmem:$0x120]  }
0xc4: {  	[tilespmem:v20+s17+$0x0] =	vst.idx.add.f32.msk $0xffff, v0  }
0xc5: {  	[tilespmem:v20+s14+$0x0] =	vst.idx.add.f32.msk $0xffff, v22  }
0xc6: {  	[tilespmem:v21+s12+$0x0] =	vst.idx.add.f32.msk vm6, v0  }
0xc7: {  	[tilespmem:v21+s15+$0x0] =	vst.idx.add.f32.msk vm6, v22  }
0xc8: {  	v21 =	vld [tilespmem:$0x930]  }
0xc9: {  	v22 =	vld [tilespmem:$0xD30];
	_ =	sdelay $0x4  }
0xca: {  	v23 =	vld [tilespmem:$0x530];
	vm7 =	vne.s32 v22, v21;
	_ =	sdelay $0x2  }
0xcb: {  	v20 =	vld [tilespmem:$0x130]  }
0xcc: {  	[tilespmem:v21+s26+$0x0] =	vst.idx.add.f32.msk $0xffff, v0  }
0xcd: {  	[tilespmem:v21+s28+$0x0] =	vst.idx.add.f32.msk $0xffff, v23  }
0xce: {  	[tilespmem:v22+s29+$0x0] =	vst.idx.add.f32.msk vm7, v0  }
0xcf: {  	[tilespmem:v22+s30+$0x0] =	vst.idx.add.f32.msk vm7, v23  }
0xd0: {  	v22 =	vld [tilespmem:$0x940]  }
0xd1: {  	v23 =	vld [tilespmem:$0xD40];
	_ =	sdelay $0x4  }
0xd2: {  	v24 =	vld [tilespmem:$0x540];
	vm8 =	vne.s32 v23, v22;
	_ =	sdelay $0x2  }
0xd3: {  	v21 =	vld [tilespmem:$0x140]  }
0xd4: {  	[tilespmem:v22+s24+$0x0] =	vst.idx.add.f32.msk $0xffff, v0  }
0xd5: {  	[tilespmem:v22+s25+$0x0] =	vst.idx.add.f32.msk $0xffff, v24  }
0xd6: {  	[tilespmem:v23+s13+$0x0] =	vst.idx.add.f32.msk vm8, v0  }
0xd7: {  	[tilespmem:v23+s16+$0x0] =	vst.idx.add.f32.msk vm8, v24  }
0xd8: {  	v23 =	vld [tilespmem:$0x950]  }
0xd9: {  	v24 =	vld [tilespmem:$0xD50];
	_ =	sdelay $0x4  }
0xda: {  	v25 =	vld [tilespmem:$0x550];
	vm9 =	vne.s32 v24, v23;
	_ =	sdelay $0x2  }
0xdb: {  	v22 =	vld [tilespmem:$0x150]  }
0xdc: {  	[tilespmem:v23+s18+$0x0] =	vst.idx.add.f32.msk $0xffff, v0  }
0xdd: {  	[tilespmem:v23+s19+$0x0] =	vst.idx.add.f32.msk $0xffff, v25  }
0xde: {  	[tilespmem:v24+s20+$0x0] =	vst.idx.add.f32.msk vm9, v0  }
0xdf: {  	[tilespmem:v24+s21+$0x0] =	vst.idx.add.f32.msk vm9, v25  }
0xe0: {  	v24 =	vld [tilespmem:$0x960]  }
0xe1: {  	v25 =	vld [tilespmem:$0xD60];
	_ =	sdelay $0x4  }
0xe2: {  	v26 =	vld [tilespmem:$0x560];
	vm10 =	vne.s32 v25, v24;
	_ =	sdelay $0x2  }
0xe3: {  	v23 =	vld [tilespmem:$0x160]  }
0xe4: {  	[tilespmem:v24+s17+$0x0] =	vst.idx.add.f32.msk $0xffff, v0  }
0xe5: {  	[tilespmem:v24+s14+$0x0] =	vst.idx.add.f32.msk $0xffff, v26  }
0xe6: {  	[tilespmem:v25+s12+$0x0] =	vst.idx.add.f32.msk vm10, v0  }
0xe7: {  	[tilespmem:v25+s15+$0x0] =	vst.idx.add.f32.msk vm10, v26  }
0xe8: {  	v25 =	vld [tilespmem:$0x970]  }
0xe9: {  	v26 =	vld [tilespmem:$0xD70];
	_ =	sdelay $0x4  }
0xea: {  	v27 =	vld [tilespmem:$0x570];
	vm11 =	vne.s32 v26, v25;
	_ =	sdelay $0x2  }
0xeb: {  	v24 =	vld [tilespmem:$0x170]  }
0xec: {  	[tilespmem:v25+s26+$0x0] =	vst.idx.add.f32.msk $0xffff, v0  }
0xed: {  	[tilespmem:v25+s28+$0x0] =	vst.idx.add.f32.msk $0xffff, v27  }
0xee: {  	[tilespmem:v26+s29+$0x0] =	vst.idx.add.f32.msk vm11, v0  }
0xef: {  	[tilespmem:v26+s30+$0x0] =	vst.idx.add.f32.msk vm11, v27  }
0xf0: {  	v26 =	vld [tilespmem:$0x980]  }
0xf1: {  	v27 =	vld [tilespmem:$0xD80];
	_ =	sdelay $0x4  }
0xf2: {  	v28 =	vld [tilespmem:$0x580];
	vm12 =	vne.s32 v27, v26;
	_ =	sdelay $0x2  }
0xf3: {  	v25 =	vld [tilespmem:$0x180]  }
0xf4: {  	[tilespmem:v26+s24+$0x0] =	vst.idx.add.f32.msk $0xffff, v0  }
0xf5: {  	[tilespmem:v26+s25+$0x0] =	vst.idx.add.f32.msk $0xffff, v28  }
0xf6: {  	[tilespmem:v27+s13+$0x0] =	vst.idx.add.f32.msk vm12, v0  }
0xf7: {  	[tilespmem:v27+s16+$0x0] =	vst.idx.add.f32.msk vm12, v28  }
0xf8: {  	v27 =	vld [tilespmem:$0x990]  }
0xf9: {  	v28 =	vld [tilespmem:$0xD90];
	_ =	sdelay $0x4  }
0xfa: {  	v29 =	vld [tilespmem:$0x590];
	vm13 =	vne.s32 v28, v27;
	_ =	sdelay $0x2  }
0xfb: {  	v26 =	vld [tilespmem:$0x190]  }
0xfc: {  	[tilespmem:v27+s18+$0x0] =	vst.idx.add.f32.msk $0xffff, v0  }
0xfd: {  	[tilespmem:v27+s19+$0x0] =	vst.idx.add.f32.msk $0xffff, v29  }
0xfe: {  	[tilespmem:v28+s20+$0x0] =	vst.idx.add.f32.msk vm13, v0  }
0xff: {  	[tilespmem:v28+s21+$0x0] =	vst.idx.add.f32.msk vm13, v29  }
0x100: {  	v28 =	vld [tilespmem:$0x9A0]  }
0x101: {  	v29 =	vld [tilespmem:$0xDA0];
	_ =	sdelay $0x4  }
0x102: {  	v30 =	vld [tilespmem:$0x5A0];
	vm14 =	vne.s32 v29, v28;
	_ =	sdelay $0x2  }
0x103: {  	v27 =	vld [tilespmem:$0x1A0]  }
0x104: {  	[tilespmem:v28+s17+$0x0] =	vst.idx.add.f32.msk $0xffff, v0  }
0x105: {  	[tilespmem:v28+s14+$0x0] =	vst.idx.add.f32.msk $0xffff, v30  }
0x106: {  	[tilespmem:v29+s12+$0x0] =	vst.idx.add.f32.msk vm14, v0  }
0x107: {  	[tilespmem:v29+s15+$0x0] =	vst.idx.add.f32.msk vm14, v30  }
0x108: {  	v29 =	vld [tilespmem:$0x9B0]  }
0x109: {  	v30 =	vld [tilespmem:$0xDB0];
	_ =	sdelay $0x4  }
0x10a: {  	v31 =	vld [tilespmem:$0x5B0];
	vm15 =	vne.s32 v30, v29;
	_ =	sdelay $0x2  }
0x10b: {  	v28 =	vld [tilespmem:$0x1B0]  }
0x10c: {  	[tilespmem:v29+s26+$0x0] =	vst.idx.add.f32.msk $0xffff, v0  }
0x10d: {  	[tilespmem:v29+s28+$0x0] =	vst.idx.add.f32.msk $0xffff, v31  }
0x10e: {  	[tilespmem:v30+s29+$0x0] =	vst.idx.add.f32.msk vm15, v0  }
0x10f: {  	[tilespmem:v30+s30+$0x0] =	vst.idx.add.f32.msk vm15, v31  }
0x110: {  	v30 =	vld [tilespmem:$0x9C0]  }
0x111: {  	v31 =	vld [tilespmem:$0xDC0];
	_ =	sdelay $0x4  }
0x112: {  	v32 =	vld [tilespmem:$0x5C0];
	vm4 =	vne.s32 v31, v30;
	_ =	sdelay $0x2  }
0x113: {  	v29 =	vld [tilespmem:$0x1C0]  }
0x114: {  	[tilespmem:v30+s24+$0x0] =	vst.idx.add.f32.msk $0xffff, v0  }
0x115: {  	[tilespmem:v30+s25+$0x0] =	vst.idx.add.f32.msk $0xffff, v32  }
0x116: {  	[tilespmem:v31+s13+$0x0] =	vst.idx.add.f32.msk vm4, v0  }
0x117: {  	[tilespmem:v31+s16+$0x0] =	vst.idx.add.f32.msk vm4, v32  }
0x118: {  	v31 =	vld [tilespmem:$0x9D0]  }
0x119: {  	v32 =	vld [tilespmem:$0xDD0];
	_ =	sdelay $0x4  }
0x11a: {  	v33 =	vld [tilespmem:$0x5D0];
	vm5 =	vne.s32 v32, v31;
	_ =	sdelay $0x2  }
0x11b: {  	v30 =	vld [tilespmem:$0x1D0]  }
0x11c: {  	[tilespmem:v31+s18+$0x0] =	vst.idx.add.f32.msk $0xffff, v0  }
0x11d: {  	[tilespmem:v31+s19+$0x0] =	vst.idx.add.f32.msk $0xffff, v33  }
0x11e: {  	[tilespmem:v32+s20+$0x0] =	vst.idx.add.f32.msk vm5, v0  }
0x11f: {  	[tilespmem:v32+s21+$0x0] =	vst.idx.add.f32.msk vm5, v33  }
0x120: {  	v32 =	vld [tilespmem:$0x9E0]  }
0x121: {  	v33 =	vld [tilespmem:$0xDE0];
	_ =	sdelay $0x4  }
0x122: {  	v34 =	vld [tilespmem:$0x5E0];
	vm6 =	vne.s32 v33, v32;
	_ =	sdelay $0x2  }
0x123: {  	v31 =	vld [tilespmem:$0x1E0]  }
0x124: {  	[tilespmem:v32+s17+$0x0] =	vst.idx.add.f32.msk $0xffff, v0  }
0x125: {  	[tilespmem:v32+s14+$0x0] =	vst.idx.add.f32.msk $0xffff, v34  }
0x126: {  	[tilespmem:v33+s12+$0x0] =	vst.idx.add.f32.msk vm6, v0  }
0x127: {  	[tilespmem:v33+s15+$0x0] =	vst.idx.add.f32.msk vm6, v34  }
0x128: {  	v33 =	vld [tilespmem:$0x9F0]  }
0x129: {  	v34 =	vld [tilespmem:$0xDF0];
	_ =	sdelay $0x4  }
0x12a: {  	v35 =	vld [tilespmem:$0x5F0];
	vm7 =	vne.s32 v34, v33;
	_ =	sdelay $0x2  }
0x12b: {  	v32 =	vld [tilespmem:$0x1F0]  }
0x12c: {  	[tilespmem:v33+s26+$0x0] =	vst.idx.add.f32.msk $0xffff, v0  }
0x12d: {  	[tilespmem:v33+s28+$0x0] =	vst.idx.add.f32.msk $0xffff, v35  }
0x12e: {  	[tilespmem:v34+s29+$0x0] =	vst.idx.add.f32.msk vm7, v0  }
0x12f: {  	[tilespmem:v34+s30+$0x0] =	vst.idx.add.f32.msk vm7, v35  }
0x130: {  	v34 =	vld [tilespmem:$0xA00]  }
0x131: {  	v35 =	vld [tilespmem:$0xE00];
	_ =	sdelay $0x4  }
0x132: {  	v36 =	vld [tilespmem:$0x600];
	vm8 =	vne.s32 v35, v34;
	_ =	sdelay $0x2  }
0x133: {  	v33 =	vld [tilespmem:$0x200]  }
0x134: {  	[tilespmem:v34+s24+$0x0] =	vst.idx.add.f32.msk $0xffff, v0  }
0x135: {  	[tilespmem:v34+s25+$0x0] =	vst.idx.add.f32.msk $0xffff, v36  }
0x136: {  	[tilespmem:v35+s13+$0x0] =	vst.idx.add.f32.msk vm8, v0  }
0x137: {  	[tilespmem:v35+s16+$0x0] =	vst.idx.add.f32.msk vm8, v36  }
0x138: {  	v35 =	vld [tilespmem:$0xA10]  }
0x139: {  	v36 =	vld [tilespmem:$0xE10];
	_ =	sdelay $0x4  }
0x13a: {  	v37 =	vld [tilespmem:$0x610];
	vm9 =	vne.s32 v36, v35;
	_ =	sdelay $0x2  }
0x13b: {  	v34 =	vld [tilespmem:$0x210]  }
0x13c: {  	[tilespmem:v35+s18+$0x0] =	vst.idx.add.f32.msk $0xffff, v0  }
0x13d: {  	[tilespmem:v35+s19+$0x0] =	vst.idx.add.f32.msk $0xffff, v37  }
0x13e: {  	[tilespmem:v36+s20+$0x0] =	vst.idx.add.f32.msk vm9, v0  }
0x13f: {  	[tilespmem:v36+s21+$0x0] =	vst.idx.add.f32.msk vm9, v37  }
0x140: {  	v36 =	vld [tilespmem:$0xA20]  }
0x141: {  	v37 =	vld [tilespmem:$0xE20];
	_ =	sdelay $0x4  }
0x142: {  	v38 =	vld [tilespmem:$0x620];
	vm10 =	vne.s32 v37, v36;
	_ =	sdelay $0x2  }
0x143: {  	v35 =	vld [tilespmem:$0x220]  }
0x144: {  	[tilespmem:v36+s17+$0x0] =	vst.idx.add.f32.msk $0xffff, v0  }
0x145: {  	[tilespmem:v36+s14+$0x0] =	vst.idx.add.f32.msk $0xffff, v38  }
0x146: {  	[tilespmem:v37+s12+$0x0] =	vst.idx.add.f32.msk vm10, v0  }
0x147: {  	[tilespmem:v37+s15+$0x0] =	vst.idx.add.f32.msk vm10, v38  }
0x148: {  	v37 =	vld [tilespmem:$0xA30]  }
0x149: {  	v38 =	vld [tilespmem:$0xE30];
	_ =	sdelay $0x4  }
0x14a: {  	v39 =	vld [tilespmem:$0x630];
	vm11 =	vne.s32 v38, v37;
	_ =	sdelay $0x2  }
0x14b: {  	v36 =	vld [tilespmem:$0x230]  }
0x14c: {  	[tilespmem:v37+s26+$0x0] =	vst.idx.add.f32.msk $0xffff, v0  }
0x14d: {  	[tilespmem:v37+s28+$0x0] =	vst.idx.add.f32.msk $0xffff, v39  }
0x14e: {  	[tilespmem:v38+s29+$0x0] =	vst.idx.add.f32.msk vm11, v0  }
0x14f: {  	[tilespmem:v38+s30+$0x0] =	vst.idx.add.f32.msk vm11, v39  }
0x150: {  	v38 =	vld [tilespmem:$0xA40]  }
0x151: {  	v39 =	vld [tilespmem:$0xE40];
	_ =	sdelay $0x4  }
0x152: {  	v40 =	vld [tilespmem:$0x640];
	vm12 =	vne.s32 v39, v38;
	_ =	sdelay $0x2  }
0x153: {  	v37 =	vld [tilespmem:$0x240]  }
0x154: {  	[tilespmem:v38+s24+$0x0] =	vst.idx.add.f32.msk $0xffff, v0  }
0x155: {  	[tilespmem:v38+s25+$0x0] =	vst.idx.add.f32.msk $0xffff, v40  }
0x156: {  	[tilespmem:v39+s13+$0x0] =	vst.idx.add.f32.msk vm12, v0  }
0x157: {  	[tilespmem:v39+s16+$0x0] =	vst.idx.add.f32.msk vm12, v40  }
0x158: {  	v39 =	vld [tilespmem:$0xA50]  }
0x159: {  	v40 =	vld [tilespmem:$0xE50];
	_ =	sdelay $0x4  }
0x15a: {  	v41 =	vld [tilespmem:$0x650];
	vm13 =	vne.s32 v40, v39;
	_ =	sdelay $0x2  }
0x15b: {  	v38 =	vld [tilespmem:$0x250]  }
0x15c: {  	[tilespmem:v39+s18+$0x0] =	vst.idx.add.f32.msk $0xffff, v0  }
0x15d: {  	[tilespmem:v39+s19+$0x0] =	vst.idx.add.f32.msk $0xffff, v41  }
0x15e: {  	[tilespmem:v40+s20+$0x0] =	vst.idx.add.f32.msk vm13, v0  }
0x15f: {  	[tilespmem:v40+s21+$0x0] =	vst.idx.add.f32.msk vm13, v41  }
0x160: {  	v40 =	vld [tilespmem:$0xA60]  }
0x161: {  	v41 =	vld [tilespmem:$0xE60];
	_ =	sdelay $0x4  }
0x162: {  	v42 =	vld [tilespmem:$0x660];
	vm14 =	vne.s32 v41, v40;
	_ =	sdelay $0x2  }
0x163: {  	v39 =	vld [tilespmem:$0x260]  }
0x164: {  	[tilespmem:v40+s17+$0x0] =	vst.idx.add.f32.msk $0xffff, v0  }
0x165: {  	[tilespmem:v40+s14+$0x0] =	vst.idx.add.f32.msk $0xffff, v42  }
0x166: {  	[tilespmem:v41+s12+$0x0] =	vst.idx.add.f32.msk vm14, v0  }
0x167: {  	[tilespmem:v41+s15+$0x0] =	vst.idx.add.f32.msk vm14, v42  }
0x168: {  	v41 =	vld [tilespmem:$0xA70]  }
0x169: {  	v42 =	vld [tilespmem:$0xE70];
	_ =	sdelay $0x4  }
0x16a: {  	v43 =	vld [tilespmem:$0x670];
	vm15 =	vne.s32 v42, v41;
	_ =	sdelay $0x2  }
0x16b: {  	v40 =	vld [tilespmem:$0x270]  }
0x16c: {  	[tilespmem:v41+s26+$0x0] =	vst.idx.add.f32.msk $0xffff, v0  }
0x16d: {  	[tilespmem:v41+s28+$0x0] =	vst.idx.add.f32.msk $0xffff, v43  }
0x16e: {  	[tilespmem:v42+s29+$0x0] =	vst.idx.add.f32.msk vm15, v0  }
0x16f: {  	[tilespmem:v42+s30+$0x0] =	vst.idx.add.f32.msk vm15, v43  }
0x170: {  	v42 =	vld [tilespmem:$0xA80]  }
0x171: {  	v43 =	vld [tilespmem:$0xE80];
	_ =	sdelay $0x4  }
0x172: {  	v44 =	vld [tilespmem:$0x680];
	vm4 =	vne.s32 v43, v42;
	_ =	sdelay $0x2  }
0x173: {  	v41 =	vld [tilespmem:$0x280]  }
0x174: {  	[tilespmem:v42+s24+$0x0] =	vst.idx.add.f32.msk $0xffff, v0  }
0x175: {  	[tilespmem:v42+s25+$0x0] =	vst.idx.add.f32.msk $0xffff, v44  }
0x176: {  	[tilespmem:v43+s13+$0x0] =	vst.idx.add.f32.msk vm4, v0  }
0x177: {  	[tilespmem:v43+s16+$0x0] =	vst.idx.add.f32.msk vm4, v44  }
0x178: {  	v43 =	vld [tilespmem:$0xA90]  }
0x179: {  	v44 =	vld [tilespmem:$0xE90];
	_ =	sdelay $0x4  }
0x17a: {  	v45 =	vld [tilespmem:$0x690];
	vm5 =	vne.s32 v44, v43;
	_ =	sdelay $0x2  }
0x17b: {  	v42 =	vld [tilespmem:$0x290]  }
0x17c: {  	[tilespmem:v43+s18+$0x0] =	vst.idx.add.f32.msk $0xffff, v0  }
0x17d: {  	[tilespmem:v43+s19+$0x0] =	vst.idx.add.f32.msk $0xffff, v45  }
0x17e: {  	[tilespmem:v44+s20+$0x0] =	vst.idx.add.f32.msk vm5, v0  }
0x17f: {  	[tilespmem:v44+s21+$0x0] =	vst.idx.add.f32.msk vm5, v45  }
0x180: {  	v44 =	vld [tilespmem:$0xAA0]  }
0x181: {  	v45 =	vld [tilespmem:$0xEA0];
	_ =	sdelay $0x4  }
0x182: {  	v46 =	vld [tilespmem:$0x6A0];
	vm6 =	vne.s32 v45, v44;
	_ =	sdelay $0x2  }
0x183: {  	v43 =	vld [tilespmem:$0x2A0]  }
0x184: {  	[tilespmem:v44+s17+$0x0] =	vst.idx.add.f32.msk $0xffff, v0  }
0x185: {  	[tilespmem:v44+s14+$0x0] =	vst.idx.add.f32.msk $0xffff, v46  }
0x186: {  	[tilespmem:v45+s12+$0x0] =	vst.idx.add.f32.msk vm6, v0  }
0x187: {  	[tilespmem:v45+s15+$0x0] =	vst.idx.add.f32.msk vm6, v46  }
0x188: {  	v45 =	vld [tilespmem:$0xAB0]  }
0x189: {  	v46 =	vld [tilespmem:$0xEB0];
	_ =	sdelay $0x4  }
0x18a: {  	v47 =	vld [tilespmem:$0x6B0];
	vm7 =	vne.s32 v46, v45;
	_ =	sdelay $0x2  }
0x18b: {  	v44 =	vld [tilespmem:$0x2B0]  }
0x18c: {  	[tilespmem:v45+s26+$0x0] =	vst.idx.add.f32.msk $0xffff, v0  }
0x18d: {  	[tilespmem:v45+s28+$0x0] =	vst.idx.add.f32.msk $0xffff, v47  }
0x18e: {  	[tilespmem:v46+s29+$0x0] =	vst.idx.add.f32.msk vm7, v0  }
0x18f: {  	[tilespmem:v46+s30+$0x0] =	vst.idx.add.f32.msk vm7, v47  }
0x190: {  	v46 =	vld [tilespmem:$0xAC0]  }
0x191: {  	v47 =	vld [tilespmem:$0xEC0];
	_ =	sdelay $0x4  }
0x192: {  	v48 =	vld [tilespmem:$0x6C0];
	vm8 =	vne.s32 v47, v46;
	_ =	sdelay $0x2  }
0x193: {  	v45 =	vld [tilespmem:$0x2C0]  }
0x194: {  	[tilespmem:v46+s24+$0x0] =	vst.idx.add.f32.msk $0xffff, v0  }
0x195: {  	[tilespmem:v46+s25+$0x0] =	vst.idx.add.f32.msk $0xffff, v48  }
0x196: {  	[tilespmem:v47+s13+$0x0] =	vst.idx.add.f32.msk vm8, v0  }
0x197: {  	[tilespmem:v47+s16+$0x0] =	vst.idx.add.f32.msk vm8, v48  }
0x198: {  	v47 =	vld [tilespmem:$0xAD0]  }
0x199: {  	v48 =	vld [tilespmem:$0xED0];
	_ =	sdelay $0x4  }
0x19a: {  	v49 =	vld [tilespmem:$0x6D0];
	vm9 =	vne.s32 v48, v47;
	_ =	sdelay $0x2  }
0x19b: {  	v46 =	vld [tilespmem:$0x2D0]  }
0x19c: {  	[tilespmem:v47+s18+$0x0] =	vst.idx.add.f32.msk $0xffff, v0  }
0x19d: {  	[tilespmem:v47+s19+$0x0] =	vst.idx.add.f32.msk $0xffff, v49  }
0x19e: {  	[tilespmem:v48+s20+$0x0] =	vst.idx.add.f32.msk vm9, v0  }
0x19f: {  	[tilespmem:v48+s21+$0x0] =	vst.idx.add.f32.msk vm9, v49  }
0x1a0: {  	v48 =	vld [tilespmem:$0xAE0]  }
0x1a1: {  	v49 =	vld [tilespmem:$0xEE0];
	_ =	sdelay $0x4  }
0x1a2: {  	v50 =	vld [tilespmem:$0x6E0];
	vm10 =	vne.s32 v49, v48;
	_ =	sdelay $0x2  }
0x1a3: {  	v47 =	vld [tilespmem:$0x2E0]  }
0x1a4: {  	[tilespmem:v48+s17+$0x0] =	vst.idx.add.f32.msk $0xffff, v0  }
0x1a5: {  	[tilespmem:v48+s14+$0x0] =	vst.idx.add.f32.msk $0xffff, v50  }
0x1a6: {  	[tilespmem:v49+s12+$0x0] =	vst.idx.add.f32.msk vm10, v0  }
0x1a7: {  	[tilespmem:v49+s15+$0x0] =	vst.idx.add.f32.msk vm10, v50  }
0x1a8: {  	v49 =	vld [tilespmem:$0xAF0]  }
0x1a9: {  	v50 =	vld [tilespmem:$0xEF0];
	_ =	sdelay $0x4  }
0x1aa: {  	v51 =	vld [tilespmem:$0x6F0];
	vm11 =	vne.s32 v50, v49;
	_ =	sdelay $0x2  }
0x1ab: {  	v48 =	vld [tilespmem:$0x2F0]  }
0x1ac: {  	[tilespmem:v49+s26+$0x0] =	vst.idx.add.f32.msk $0xffff, v0  }
0x1ad: {  	[tilespmem:v49+s28+$0x0] =	vst.idx.add.f32.msk $0xffff, v51  }
0x1ae: {  	[tilespmem:v50+s29+$0x0] =	vst.idx.add.f32.msk vm11, v0  }
0x1af: {  	[tilespmem:v50+s30+$0x0] =	vst.idx.add.f32.msk vm11, v51  }
0x1b0: {  	v50 =	vld [tilespmem:$0xB00]  }
0x1b1: {  	v51 =	vld [tilespmem:$0xF00];
	_ =	sdelay $0x4  }
0x1b2: {  	v52 =	vld [tilespmem:$0x700];
	vm12 =	vne.s32 v51, v50;
	_ =	sdelay $0x2  }
0x1b3: {  	v49 =	vld [tilespmem:$0x300]  }
0x1b4: {  	[tilespmem:v50+s24+$0x0] =	vst.idx.add.f32.msk $0xffff, v0  }
0x1b5: {  	[tilespmem:v50+s25+$0x0] =	vst.idx.add.f32.msk $0xffff, v52  }
0x1b6: {  	[tilespmem:v51+s13+$0x0] =	vst.idx.add.f32.msk vm12, v0  }
0x1b7: {  	[tilespmem:v51+s16+$0x0] =	vst.idx.add.f32.msk vm12, v52  }
0x1b8: {  	v51 =	vld [tilespmem:$0xB10]  }
0x1b9: {  	v52 =	vld [tilespmem:$0xF10];
	_ =	sdelay $0x4  }
0x1ba: {  	v53 =	vld [tilespmem:$0x710];
	vm13 =	vne.s32 v52, v51;
	_ =	sdelay $0x2  }
0x1bb: {  	v50 =	vld [tilespmem:$0x310]  }
0x1bc: {  	[tilespmem:v51+s18+$0x0] =	vst.idx.add.f32.msk $0xffff, v0  }
0x1bd: {  	[tilespmem:v51+s19+$0x0] =	vst.idx.add.f32.msk $0xffff, v53  }
0x1be: {  	[tilespmem:v52+s20+$0x0] =	vst.idx.add.f32.msk vm13, v0  }
0x1bf: {  	[tilespmem:v52+s21+$0x0] =	vst.idx.add.f32.msk vm13, v53  }
0x1c0: {  	v52 =	vld [tilespmem:$0xB20]  }
0x1c1: {  	v53 =	vld [tilespmem:$0xF20];
	_ =	sdelay $0x4  }
0x1c2: {  	v54 =	vld [tilespmem:$0x720];
	vm14 =	vne.s32 v53, v52;
	_ =	sdelay $0x2  }
0x1c3: {  	v51 =	vld [tilespmem:$0x320]  }
0x1c4: {  	[tilespmem:v52+s17+$0x0] =	vst.idx.add.f32.msk $0xffff, v0  }
0x1c5: {  	[tilespmem:v52+s14+$0x0] =	vst.idx.add.f32.msk $0xffff, v54  }
0x1c6: {  	[tilespmem:v53+s12+$0x0] =	vst.idx.add.f32.msk vm14, v0  }
0x1c7: {  	[tilespmem:v53+s15+$0x0] =	vst.idx.add.f32.msk vm14, v54  }
0x1c8: {  	v53 =	vld [tilespmem:$0xB30]  }
0x1c9: {  	v54 =	vld [tilespmem:$0xF30];
	_ =	sdelay $0x4  }
0x1ca: {  	v55 =	vld [tilespmem:$0x730];
	vm15 =	vne.s32 v54, v53;
	_ =	sdelay $0x2  }
0x1cb: {  	v52 =	vld [tilespmem:$0x330]  }
0x1cc: {  	[tilespmem:v53+s26+$0x0] =	vst.idx.add.f32.msk $0xffff, v0  }
0x1cd: {  	[tilespmem:v53+s28+$0x0] =	vst.idx.add.f32.msk $0xffff, v55  }
0x1ce: {  	[tilespmem:v54+s29+$0x0] =	vst.idx.add.f32.msk vm15, v0  }
0x1cf: {  	[tilespmem:v54+s30+$0x0] =	vst.idx.add.f32.msk vm15, v55  }
0x1d0: {  	v54 =	vld [tilespmem:$0xB40]  }
0x1d1: {  	v55 =	vld [tilespmem:$0xF40];
	_ =	sdelay $0x4  }
0x1d2: {  	v56 =	vld [tilespmem:$0x740];
	vm4 =	vne.s32 v55, v54;
	_ =	sdelay $0x2  }
0x1d3: {  	v53 =	vld [tilespmem:$0x340]  }
0x1d4: {  	[tilespmem:v54+s24+$0x0] =	vst.idx.add.f32.msk $0xffff, v0  }
0x1d5: {  	[tilespmem:v54+s25+$0x0] =	vst.idx.add.f32.msk $0xffff, v56  }
0x1d6: {  	[tilespmem:v55+s13+$0x0] =	vst.idx.add.f32.msk vm4, v0  }
0x1d7: {  	[tilespmem:v55+s16+$0x0] =	vst.idx.add.f32.msk vm4, v56  }
0x1d8: {  	v55 =	vld [tilespmem:$0xB50]  }
0x1d9: {  	v56 =	vld [tilespmem:$0xF50];
	_ =	sdelay $0x4  }
0x1da: {  	v57 =	vld [tilespmem:$0x750];
	vm5 =	vne.s32 v56, v55;
	_ =	sdelay $0x2  }
0x1db: {  	v54 =	vld [tilespmem:$0x350]  }
0x1dc: {  	[tilespmem:v55+s18+$0x0] =	vst.idx.add.f32.msk $0xffff, v0  }
0x1dd: {  	[tilespmem:v55+s19+$0x0] =	vst.idx.add.f32.msk $0xffff, v57  }
0x1de: {  	[tilespmem:v56+s20+$0x0] =	vst.idx.add.f32.msk vm5, v0  }
0x1df: {  	[tilespmem:v56+s21+$0x0] =	vst.idx.add.f32.msk vm5, v57  }
0x1e0: {  	v56 =	vld [tilespmem:$0xB60]  }
0x1e1: {  	v57 =	vld [tilespmem:$0xF60];
	_ =	sdelay $0x4  }
0x1e2: {  	v58 =	vld [tilespmem:$0x760];
	vm6 =	vne.s32 v57, v56;
	_ =	sdelay $0x2  }
0x1e3: {  	v55 =	vld [tilespmem:$0x360]  }
0x1e4: {  	[tilespmem:v56+s17+$0x0] =	vst.idx.add.f32.msk $0xffff, v0  }
0x1e5: {  	[tilespmem:v56+s14+$0x0] =	vst.idx.add.f32.msk $0xffff, v58  }
0x1e6: {  	[tilespmem:v57+s12+$0x0] =	vst.idx.add.f32.msk vm6, v0  }
0x1e7: {  	[tilespmem:v57+s15+$0x0] =	vst.idx.add.f32.msk vm6, v58  }
0x1e8: {  	v57 =	vld [tilespmem:$0xB70]  }
0x1e9: {  	v58 =	vld [tilespmem:$0xF70];
	_ =	sdelay $0x4  }
0x1ea: {  	v59 =	vld [tilespmem:$0x770];
	vm7 =	vne.s32 v58, v57;
	_ =	sdelay $0x2  }
0x1eb: {  	v56 =	vld [tilespmem:$0x370]  }
0x1ec: {  	[tilespmem:v57+s26+$0x0] =	vst.idx.add.f32.msk $0xffff, v0  }
0x1ed: {  	[tilespmem:v57+s28+$0x0] =	vst.idx.add.f32.msk $0xffff, v59  }
0x1ee: {  	[tilespmem:v58+s29+$0x0] =	vst.idx.add.f32.msk vm7, v0  }
0x1ef: {  	[tilespmem:v58+s30+$0x0] =	vst.idx.add.f32.msk vm7, v59  }
0x1f0: {  	v58 =	vld [tilespmem:$0xB80]  }
0x1f1: {  	v59 =	vld [tilespmem:$0xF80];
	_ =	sdelay $0x4  }
0x1f2: {  	v60 =	vld [tilespmem:$0x780];
	vm8 =	vne.s32 v59, v58;
	_ =	sdelay $0x2  }
0x1f3: {  	v57 =	vld [tilespmem:$0x380]  }
0x1f4: {  	[tilespmem:v58+s24+$0x0] =	vst.idx.add.f32.msk $0xffff, v0  }
0x1f5: {  	[tilespmem:v58+s25+$0x0] =	vst.idx.add.f32.msk $0xffff, v60  }
0x1f6: {  	[tilespmem:v59+s13+$0x0] =	vst.idx.add.f32.msk vm8, v0  }
0x1f7: {  	[tilespmem:v59+s16+$0x0] =	vst.idx.add.f32.msk vm8, v60  }
0x1f8: {  	v59 =	vld [tilespmem:$0xB90]  }
0x1f9: {  	v60 =	vld [tilespmem:$0xF90];
	_ =	sdelay $0x4  }
0x1fa: {  	[tilespmem:$0x1FFD0] =	vst v61;
	v61 =	vld [tilespmem:$0x790];
	vm9 =	vne.s32 v60, v59;
	_ =	sdelay $0x2  }
0x1fb: {  	v58 =	vld [tilespmem:$0x390]  }
0x1fc: {  	[tilespmem:v59+s18+$0x0] =	vst.idx.add.f32.msk $0xffff, v0  }
0x1fd: {  	[tilespmem:v59+s19+$0x0] =	vst.idx.add.f32.msk $0xffff, v61  }
0x1fe: {  	[tilespmem:v60+s20+$0x0] =	vst.idx.add.f32.msk vm9, v0  }
0x1ff: {  	[tilespmem:v60+s21+$0x0] =	vst.idx.add.f32.msk vm9, v61  }
0x200: {  	v60 =	vld [tilespmem:$0xBA0]  }
0x201: {  	v61 =	vld [tilespmem:$0xFA0];
	_ =	sdelay $0x4  }
0x202: {  	[tilespmem:$0x1FFE0] =	vst v62;
	v62 =	vld [tilespmem:$0x7A0];
	vm10 =	vne.s32 v61, v60;
	_ =	sdelay $0x2  }
0x203: {  	v59 =	vld [tilespmem:$0x3A0]  }
0x204: {  	[tilespmem:v60+s17+$0x0] =	vst.idx.add.f32.msk $0xffff, v0  }
0x205: {  	[tilespmem:v60+s14+$0x0] =	vst.idx.add.f32.msk $0xffff, v62  }
0x206: {  	[tilespmem:v61+s12+$0x0] =	vst.idx.add.f32.msk vm10, v0  }
0x207: {  	[tilespmem:v61+s15+$0x0] =	vst.idx.add.f32.msk vm10, v62  }
0x208: {  	v60 =	vld [tilespmem:$0xBB0]  }
0x209: {  	v61 =	vld [tilespmem:$0xFB0];
	_ =	sdelay $0x4  }
0x20a: {  	v62 =	vld [tilespmem:$0x7B0];
	vm11 =	vne.s32 v61, v60;
	_ =	sdelay $0x2  }
0x20b: {  	[tilespmem:$0x1FFF0] =	vst v63;
	v63 =	vld [tilespmem:$0x3B0]  }
0x20c: {  	[tilespmem:v60+s26+$0x0] =	vst.idx.add.f32.msk $0xffff, v0  }
0x20d: {  	[tilespmem:v60+s28+$0x0] =	vst.idx.add.f32.msk $0xffff, v62  }
0x20e: {  	[tilespmem:v61+s29+$0x0] =	vst.idx.add.f32.msk vm11, v0  }
0x20f: {  	[tilespmem:v61+s30+$0x0] =	vst.idx.add.f32.msk vm11, v62  }
0x210: {  	v60 =	vld [tilespmem:$0xBC0]  }
0x211: {  	v61 =	vld [tilespmem:$0xFC0];
	_ =	sdelay $0x4  }
0x212: {  	v62 =	vld [tilespmem:$0x7C0];
	vm12 =	vne.s32 v61, v60;
	_ =	sdelay $0x2  }
0x213: {  	v7 =	vld [tilespmem:$0x3C0]  }
0x214: {  	[tilespmem:v60+s24+$0x0] =	vst.idx.add.f32.msk $0xffff, v0  }
0x215: {  	[tilespmem:v60+s25+$0x0] =	vst.idx.add.f32.msk $0xffff, v62  }
0x216: {  	[tilespmem:v61+s13+$0x0] =	vst.idx.add.f32.msk vm12, v0  }
0x217: {  	[tilespmem:v61+s16+$0x0] =	vst.idx.add.f32.msk vm12, v62  }
0x218: {  	v60 =	vld [tilespmem:$0xBD0]  }
0x219: {  	v61 =	vld [tilespmem:$0xFD0];
	_ =	sdelay $0x1  }
0x21a: {  	v8 =	vld [tilespmem:$0x1FFC0];
	_ =	sdelay $0x2  }
0x21b: {  	v1 =	vadd.f32 $0.0e+00, v1;
	v62 =	vld [tilespmem:$0x7D0];
	vm13 =	vne.s32 v61, v60;
	_ =	sdelay $0x1  }
0x21c: {  	v4 =	vadd.f32 v4, v1;
	v1 =	vadd.f32 $0.0e+00, v8;
	v8 =	vld [tilespmem:$0x1FFD0]  }
0x21d: {  	v6 =	vld [tilespmem:$0x3D0]  }
0x21e: {  	[tilespmem:v60+s18+$0x0] =	vst.idx.add.f32.msk $0xffff, v0  }
0x21f: {  	[tilespmem:v60+s19+$0x0] =	vst.idx.add.f32.msk $0xffff, v62  }
0x220: {  	[tilespmem:v61+s20+$0x0] =	vst.idx.add.f32.msk vm13, v0  }
0x221: {  	v2 =	vadd.f32 $0.0e+00, v2;
	[tilespmem:v61+s21+$0x0] =	vst.idx.add.f32.msk vm13, v62  }
0x222: {  	v60 =	vld [tilespmem:$0xBE0]  }
0x223: {  	v2 =	vadd.f32 v8, v2;
	v8 =	vld [tilespmem:$0x1FFE0];
	_ =	sdelay $0x1  }
0x224: {  	v61 =	vld [tilespmem:$0xFE0]  }
0x225: {  	v3 =	vadd.f32 $0.0e+00, v3;
	v62 =	vld [tilespmem:$0x7E0];
	_ =	sdelay $0x1  }
0x226: {  	v3 =	vadd.f32 v8, v3  }
0x227: {  	v5 =	vld [tilespmem:$0x3E0]  }
0x228: {  	v3 =	vadd.f32 v11, v3;
	vm14 =	vne.s32 v61, v60;
	[tilespmem:v60+s17+$0x0] =	vst.idx.add.f32.msk $0xffff, v0  }
0x229: {  	[tilespmem:v60+s14+$0x0] =	vst.idx.add.f32.msk $0xffff, v62  }
0x22a: {  	v2 =	vadd.f32 v10, v2;
	v3 =	vadd.f32 v15, v3;
	v60 =	vld [tilespmem:$0x1FFF0];
	_ =	sdelay $0x1  }
0x22b: {  	v2 =	vadd.f32 v14, v2;
	v3 =	vadd.f32 v19, v3  }
0x22c: {  	v4 =	vadd.f32 v9, v4  }
0x22d: {  	v2 =	vadd.f32 v18, v2;
	v3 =	vadd.f32 v23, v3;
	[tilespmem:v61+s12+$0x0] =	vst.idx.add.f32.msk vm14, v0  }
0x22e: {  	v4 =	vadd.f32 v13, v4;
	[tilespmem:v61+s15+$0x0] =	vst.idx.add.f32.msk vm14, v62;
	v1 =	vadd.f32 v60, v1  }
0x22f: {  	v2 =	vadd.f32 v22, v2;
	v3 =	vadd.f32 v27, v3;
	v13 =	vld [tilespmem:$0xBF0]  }
0x230: {  	v4 =	vadd.f32 v17, v4;
	v15 =	vld [tilespmem:$0xFF0];
	v1 =	vadd.f32 v12, v1  }
0x231: {  	v2 =	vadd.f32 v26, v2;
	v3 =	vadd.f32 v31, v3  }
0x232: {  	v4 =	vadd.f32 v21, v4;
	v1 =	vadd.f32 v16, v1  }
0x233: {  	v2 =	vadd.f32 v30, v2;
	v3 =	vadd.f32 v35, v3  }
0x234: {  	v4 =	vadd.f32 v25, v4;
	v1 =	vadd.f32 v20, v1  }
0x235: {  	v2 =	vadd.f32 v34, v2;
	v39 =	vadd.f32 v39, v3;
	v25 =	vld [tilespmem:$0x7F0];
	vm15 =	vne.s32 v15, v13  }
0x236: {  	v1 =	vadd.f32 v24, v1  }
0x237: {  	v38 =	vadd.f32 v38, v2;
	v2 =	vadd.f32 v43, v39  }
0x238: {  	v4 =	vadd.f32 v29, v4;
	v31 =	vld [tilespmem:$0x3F0];
	v1 =	vadd.f32 v28, v1  }
0x239: {  	v2 =	vadd.f32 v47, v2;
	[tilespmem:v13+s26+$0x0] =	vst.idx.add.f32.msk $0xffff, v0  }
0x23a: {  	v4 =	vadd.f32 v33, v4;
	[tilespmem:v13+s28+$0x0] =	vst.idx.add.f32.msk $0xffff, v25;
	v1 =	vadd.f32 v32, v1  }
0x23b: {  	v2 =	vadd.f32 v51, v2;
	[tilespmem:v15+s29+$0x0] =	vst.idx.add.f32.msk vm15, v0;
	v0 =	vadd.f32 v42, v38  }
0x23c: {  	v4 =	vadd.f32 v37, v4;
	v1 =	vadd.f32 v36, v1  }
0x23d: {  	v2 =	vadd.f32 v55, v2;
	[tilespmem:v15+s30+$0x0] =	vst.idx.add.f32.msk vm15, v25;
	v0 =	vadd.f32 v46, v0  }
0x23e: {  	v1 =	vadd.f32 v40, v1;
	v40 =	vadd.f32 v41, v4;
	v41 =	vld [tilespmem:$0x1000]  }
0x23f: {  	v2 =	vadd.f32 v59, v2;
	v8 =	vld [tilespmem:$0x1400]  }
0x240: {  	v9 =	vld [tilespmem:$0x1080];
	v0 =	vadd.f32 v50, v0;
	v3 =	vadd.f32 v45, v40  }
0x241: {  	v2 =	vadd.f32 v5, v2;
	v10 =	vld [tilespmem:$0x1480];
	v1 =	vadd.f32 v44, v1  }
0x242: {  	v0 =	vadd.f32 v54, v0;
	v3 =	vadd.f32 v49, v3;
	v49 =	vld [tilespmem:$0x1100]  }
0x243: {  	v50 =	vld [tilespmem:$0x1500];
	v1 =	vadd.f32 v48, v1;
	v4 =	vadd.f32 $0.0e+00, v41  }
0x244: {  	v51 =	vld [tilespmem:$0x1180];
	v8 =	vadd.f32 $0.0e+00, v8;
	v0 =	vadd.f32 v58, v0  }
0x245: {  	v1 =	vadd.f32 v52, v1;
	v52 =	vld [tilespmem:$0x1580];
	v4 =	vadd.f32 v9, v4  }
0x246: {  	v8 =	vadd.f32 v10, v8;
	v3 =	vadd.f32 v53, v3;
	v53 =	vld [tilespmem:$0x1200]  }
0x247: {  	v54 =	vld [tilespmem:$0x1600];
	v0 =	vadd.f32 v6, v0;
	v4 =	vadd.f32 v49, v4  }
0x248: {  	v55 =	vld [tilespmem:$0x1280];
	v8 =	vadd.f32 v50, v8;
	v1 =	vadd.f32 v56, v1  }
0x249: {  	v56 =	vld [tilespmem:$0x1680];
	v3 =	vadd.f32 v57, v3;
	v4 =	vadd.f32 v51, v4  }
0x24a: {  	v57 =	vld [tilespmem:$0x1300];
	v1 =	vadd.f32 v63, v1;
	v8 =	vadd.f32 v52, v8  }
0x24b: {  	v58 =	vld [tilespmem:$0x1700];
	v3 =	vadd.f32 v7, v3;
	v4 =	vadd.f32 v53, v4  }
0x24c: {  	v59 =	vld [tilespmem:$0x1380];
	v1 =	vadd.f32 v31, v1;
	v8 =	vadd.f32 v54, v8  }
0x24d: {  	v60 =	vld [tilespmem:$0x1780];
	v0 =	vadd.f32 v0, v3;
	v4 =	vadd.f32 v55, v4  }
0x24e: {  	v1 =	vadd.f32 v1, v2;
	v61 =	vadd.f32 v56, v8  }
0x24f: {  	v4 =	vadd.f32 v57, v4  }
0x250: {  	v0 =	vadd.f32 v1, v0;
	v62 =	vadd.f32 v58, v61  }
0x251: {  	s5 =	smul.u32 $0xC0, s5;
	v4 =	vadd.f32 v59, v4  }
0x252: {  	[tilespmem:$0x1820] =	vst v0;
	v63 =	vadd.f32 v60, v62  }
0x253: {  	s5 =	sshrl.u32 s5, $0x2;
	[tilespmem:$0x1800] =	vst v4  }
0x254: {  	s31 =	simm.s32 $0x1800;
	s5 =	sadd.s32 s5, s4;
	[tilespmem:$0x1810] =	vst v63  }
0x255: {  	[spmem:s5] =	stream.linear.scatter [tilespmem:s31], [sflag:$0x3], $0x30, $0x38;
	[tilespmem:$0x1E30] =	vst v63  }
0x256: {  	s5 =	simm.s32 $0x3  }
0x257: {  	_ =	swait.ge [sflag:s5], $0x30  }
0x258: {  	[sflag:s5] =	ssyncset.done $0x0  }
0x259: {  	[sflag:s5] =	ssyncadd.s32 $0xFFFFFFD0  }
0x25a: {  	[bflag:$0x0] =	sbarrier.arrive $0xFFFF  }
0x25b: {  	_ =	sfence.sel @p0 $0x180000  }
0x25c: {  	[bflag:$0x0] =	sbarrier.arrive @p0 $0xFFFF  }
0x25d: {  	_ =	strace @p0 $0x90000047  }
0x25e: {  	[bflag:$0x2] =	sbarrier.arrive @p0 $0xFFFF  }
0x25f: {  	_ =	shalt @p0  }
.LBB2_1:
0x260: {  	s6 =	simm.s32 $0x1B30  }
0x261: {  	[tilespmem:s6], [sflag:$0x3] =	stream.linear.gather [spmem:s4], $0x300, $0x38;
	[tilespmem:$0x1E30] =	vst v63  }
0x262: {  	_ =	swait.ge [sflag:s5], $0x300  }
0x263: {  	[sflag:s5] =	ssyncset.done $0x0  }
0x264: {  	s26 =	simm.s32 $0x2;
	[sflag:s5] =	ssyncadd.s32 $0xFFFFFD00  }
0x265: {  	_ =	swait.ge [sflag:s26], $0x10  }
0x266: {  	[sflag:s26] =	ssyncset.done $0x0  }
0x267: {  	[sflag:s26] =	ssyncadd.s32 $0xFFFFFFF0  }
0x268: {  	_ =	swait.ge [sflag:s26], $0x180  }
0x269: {  	[sflag:s26] =	ssyncset.done $0x0  }
0x26a: {  	[sflag:s26] =	ssyncadd.s32 $0xFFFFFE80  }
0x26b: {  	_ =	swait.ge [sflag:s26], $0x18  }
0x26c: {  	[sflag:s26] =	ssyncset.done $0x0  }
0x26d: {  	[sflag:s26] =	ssyncadd.s32 $0xFFFFFFE8  }
0x26e: {  	v0 =	vld [tilespmem:$0x1B50]  }
0x26f: {  	v1 =	vld [tilespmem:$0x1B80];
	_ =	sdelay $0x1  }
0x270: {  	v2 =	vld [tilespmem:$0x1BB0];
	_ =	sdelay $0x1  }
0x271: {  	v3 =	vld [tilespmem:$0x1BE0]  }
0x272: {  	v0 =	vadd.f32 v1, v0  }
0x273: {  	v17 =	vld [tilespmem:$0x1C10]  }
0x274: {  	v0 =	vadd.f32 v2, v0  }
0x275: {  	v18 =	vld [tilespmem:$0x1C40]  }
0x276: {  	v0 =	vadd.f32 v3, v0  }
0x277: {  	v19 =	vld [tilespmem:$0x1C70]  }
0x278: {  	v0 =	vadd.f32 v17, v0  }
0x279: {  	v20 =	vld [tilespmem:$0x1CA0]  }
0x27a: {  	v0 =	vadd.f32 v18, v0  }
0x27b: {  	v21 =	vld [tilespmem:$0x1CD0]  }
0x27c: {  	v0 =	vadd.f32 v19, v0  }
0x27d: {  	v22 =	vld [tilespmem:$0x1D00]  }
0x27e: {  	v0 =	vadd.f32 v20, v0  }
0x27f: {  	v23 =	vld [tilespmem:$0x1D30]  }
0x280: {  	v0 =	vadd.f32 v21, v0  }
0x281: {  	v24 =	vld [tilespmem:$0x1D60]  }
0x282: {  	v0 =	vadd.f32 v22, v0  }
0x283: {  	v25 =	vld [tilespmem:$0x1D90]  }
0x284: {  	v0 =	vadd.f32 v23, v0  }
0x285: {  	v26 =	vld [tilespmem:$0x1DC0]  }
0x286: {  	v0 =	vadd.f32 v24, v0  }
0x287: {  	v27 =	vld [tilespmem:$0x1DF0]  }
0x288: {  	v0 =	vadd.f32 v25, v0  }
0x289: {  	v28 =	vld [tilespmem:$0x1E20]  }
0x28a: {  	v0 =	vadd.f32 v26, v0  }
0x28b: {  	v29 =	vld [tilespmem:$0x1880]  }
0x28c: {  	v4 =	vld [tilespmem:$0x1B30];
	v0 =	vadd.f32 v27, v0  }
0x28d: {  	v5 =	vld [tilespmem:$0x1B60]  }
0x28e: {  	v30 =	vld [tilespmem:$0x1B40];
	v0 =	vadd.f32 v28, v0  }
0x28f: {  	v6 =	vld [tilespmem:$0x1B90]  }
0x290: {  	v31 =	vld [tilespmem:$0x1B70];
	(xrf2) =	vadd.scan.msk.f32 $0xffff, v0  }
0x291: {  	v7 =	vld [tilespmem:$0x1BC0]  }
0x292: {  	v32 =	vld [tilespmem:$0x1BA0];
	v4 =	vadd.f32 v5, v4  }
0x293: {  	v8 =	vld [tilespmem:$0x1BF0]  }
0x294: {  	v33 =	vld [tilespmem:$0x1BD0];
	v4 =	vadd.f32 v6, v4  }
0x295: {  	v35 =	vld [tilespmem:$0x1C20]  }
0x296: {  	v34 =	vld [tilespmem:$0x1C00];
	v4 =	vadd.f32 v7, v4  }
0x297: {  	v37 =	vld [tilespmem:$0x1C50];
	v2 =	vadd.f32 v31, v30  }
0x298: {  	v36 =	vld [tilespmem:$0x1C30];
	v4 =	vadd.f32 v8, v4  }
0x299: {  	v39 =	vld [tilespmem:$0x1C80];
	v0 =	vadd.f32 v32, v2  }
0x29a: {  	v38 =	vld [tilespmem:$0x1C60];
	v3 =	vadd.f32 v35, v4;
	v9, _, _ =	vpop (xrf2)  }
0x29b: {  	v41 =	vld [tilespmem:$0x1CB0];
	v0 =	vadd.f32 v33, v0;
	(v2sf) =	vpush v9, $0xF  }
0x29c: {  	v40 =	vld [tilespmem:$0x1C90];
	v2 =	vadd.f32 v37, v3  }
0x29d: {  	v43 =	vld [tilespmem:$0x1CE0];
	v0 =	vadd.f32 v34, v0  }
0x29e: {  	v42 =	vld [tilespmem:$0x1CC0];
	v2 =	vadd.f32 v39, v2  }
0x29f: {  	v45 =	vld [tilespmem:$0x1D10];
	v0 =	vadd.f32 v36, v0  }
0x2a0: {  	v44 =	vld [tilespmem:$0x1CF0];
	v2 =	vadd.f32 v41, v2  }
0x2a1: {  	v47 =	vld [tilespmem:$0x1D40];
	v0 =	vadd.f32 v38, v0  }
0x2a2: {  	v46 =	vld [tilespmem:$0x1D20];
	v2 =	vadd.f32 v43, v2  }
0x2a3: {  	v49 =	vld [tilespmem:$0x1D70];
	v0 =	vadd.f32 v40, v0  }
0x2a4: {  	v48 =	vld [tilespmem:$0x1D50];
	v2 =	vadd.f32 v45, v2  }
0x2a5: {  	v51 =	vld [tilespmem:$0x1DA0];
	v0 =	vadd.f32 v42, v0  }
0x2a6: {  	v50 =	vld [tilespmem:$0x1D80];
	v2 =	vadd.f32 v47, v2  }
0x2a7: {  	s28 =	simm.s32 $0x1900;
	v52 =	vld [tilespmem:$0x1DD0];
	v0 =	vadd.f32 v44, v0  }
0x2a8: {  	v10 =	vlaneseq.u32;
	v54 =	vshll.u32 v29, $0x4;
	v53 =	vld.idx.msk [tilespmem:v29+s28+$0x0], $0xffff;
	v2 =	vadd.f32 v49, v2  }
0x2a9: {  	v57 =	vld [tilespmem:$0x1E00];
	v55 =	vor.u32 v10, v54;
	v0 =	vadd.f32 v46, v0  }
0x2aa: {  	v56 =	vld [tilespmem:$0x1DB0];
	v2 =	vadd.f32 v51, v2;
	s29 =	spop (v2sf)  }
0x2ab: {  	v0 =	vadd.f32 v48, v0;
	s6 =	smul.f32 $6.103515630e-05, s29  }
0x2ac: {  	v58 =	vld [tilespmem:$0x1DE0];
	v2 =	vadd.f32 v52, v2  }
0x2ad: {  	s7 =	simm.s32 $0x1980;
	v59 =	vld [tilespmem:$0x1E10];
	v6 =	vmul.f32 $9.900000090e-01, v53;
	v0 =	vadd.f32 v50, v0;
	s6 =	smul.f32 $9.999999770e-03, s6  }
0x2ae: {  	v60 =	vld.idx.msk [tilespmem:v55+s7+$0x0], $0xffff;
	v2 =	vadd.f32 v57, v2  }
0x2af: {  	v0 =	vadd.f32 v56, v0;
	v6 =	vadd.f32 s6, v6;
	_ =	sdelay $0x1  }
0x2b0: {  	v0 =	vadd.f32 v58, v0;
	v2 =	vmul.f32 v6, v2;
	_ =	sdelay $0x1  }
0x2b1: {  	v0 =	vadd.f32 v59, v0;
	v2 =	vadd.f32 v2, v60;
	_ =	sdelay $0x1  }
0x2b2: {  	v0 =	vsub.f32 v2, v0;
	_ =	sdelay $0x1  }
0x2b3: {  	(xrf2) =	vadd.scan.msk.f32 $0xffff, v0;
	_ =	sdelay $0x9  }
0x2b4: {  	v61, _, _ =	vpop (xrf2)  }
0x2b5: {  	(v2sf) =	vpush v61, $0xF;
	_ =	sdelay $0xe  }
0x2b6: {  	s30 =	spop (v2sf)  }
0x2b7: {  	s6 =	smul.f32 $1.250000000e-01, s30;
	_ =	sdelay $0x1  }
0x2b8: {  	v62 =	vmov s6  }
0x2b9: {  	v2 =	vsub.f32 v0, v62;
	_ =	sdelay $0x1  }
0x2ba: {  	v2 =	vmul.f32 $-1.000000010e-01, v2;
	_ =	sdelay $0x1  }
0x2bb: {  	v2 =	vadd.f32 v2, v0  }
0x2bc: {  	vm0 =	vgt.f32 v0, s6  }
0x2bd: {  	v0 =	vsel vm0, v2, v0  }
0x2be: {  	v0 =	vmax.f32 v0, $3.125000000e+01  }
0x2bf: {  	(xrf2) =	vadd.scan.msk.f32 $0xffff, v0;
	_ =	sdelay $0x9  }
0x2c0: {  	v63, _, _ =	vpop (xrf2)  }
0x2c1: {  	(v2sf) =	vpush v63, $0xF;
	_ =	sdelay $0xe  }
0x2c2: {  	s31 =	spop (v2sf)  }
0x2c3: {  	p0 =	sgt.f32 s31, $1.500000000e+04  }
0x2c4: {  	s8 =	simm.f32 $9.499999880e-01  }
0x2c5: {  	s8 =	simm.s32 @!p0 $0x3F800000;
	p0 =	slt.f32 s31, $5.000000000e+03  }
0x2c6: {  	s6 =	simm.f32 $1.000000000e+02;
	v0 =	vmul.f32 s8, v0  }
0x2c7: {  	s6 =	simm.s32 @!p0 $0x0  }
0x2c8: {  	v0 =	vadd.f32 s6, v0;
	_ =	sdelay $0x1  }
0x2c9: {  	[tilespmem:v55+s7+$0x0] =	vst.idx.msk $0xffff, v0  }
0x2ca: {  	s2 =	sadd.s32 $0x3400, s2;
	[tilespmem:v29+s28+$0x0] =	vst.idx.msk $0x1, v6  }
0x2cb: {  	[hbm4b:s2+s3] =	stream.linear.scatter [tilespmem:s7], [sflag:$0x2], $0x180, $0x38;
	[tilespmem:$0x1E30] =	vst v63  }
0x2cc: {  	_ = 	snop  }
0x2cd: {  	[hbm4b:s1+s3] =	stream.linear.scatter [tilespmem:s28], [sflag:$0x2], $0x80, $0x38;
	[tilespmem:$0x1E30] =	vst v63  }
0x2ce: {  	_ =	swait.ge [sflag:s26], $0x180  }
0x2cf: {  	[sflag:s26] =	ssyncset.done $0x0  }
0x2d0: {  	[sflag:s26] =	ssyncadd.s32 $0xFFFFFE80  }
0x2d1: {  	_ =	swait.ge [sflag:s26], $0x80  }
0x2d2: {  	[sflag:s26] =	ssyncset.done $0x0  }
0x2d3: {  	[sflag:s26] =	ssyncadd.s32 $0xFFFFFF80  }
0x2d4: {  	_ =	sfence.sel $0x180000  }
0x2d5: {  	[bflag:$0x0] =	sbarrier.arrive $0xFFFF  }
0x2d6: {  	_ =	strace $0x90000047  }
0x2d7: {  	s0 =	sadd.s32 $0x100000, s0;
	[bflag:$0x2] =	sbarrier.arrive $0xFFFF  }
0x2d8: {  	[sflag:s0] =	ssyncadd.tile.s32 $0x1;
	_ =	shalt  }
.Lfunc_end2:
_tile_overlayer_lowered:
.L_overlay_start_2:
0x2d9: {  	(tag) =	ssettag $0x2  }
0x2da: {  	s0 =	rddreg [dreg:$0x0];
	s2 =	stileid.u32  }
0x2db: {  	s1 =	rddreg [dreg:$0x1];
	p0 =	sne.s32 s2, $0x0  }
0x2dc: {  	s3 =	rddreg [dreg:$0x2];
	[bflag:$0x3] =	sbarrier.arrive $0xFFFF;
	s2 =	simm.s32 @!p0 $0x1C03  }
0x2dd: {  	[timem:s3], [sflag:s2] =	dma.local @!p0 [hbm:s0], s1  }
0x2de: {  	s0 =	simm.s32 @!p0 $0x3  }
0x2df: {  	_ =	swait.ge @!p0 [sflag:s0], s1  }
0x2e0: {  	s1 =	ssub.s32 @!p0 $0x0, s1;
	[sflag:s0] =	ssyncset.done @!p0 $0x0  }
0x2e1: {  	[sflag:s0] =	ssyncadd.s32 @!p0 s1  }
0x2e2: {  	[bflag:$0x3] =	sbarrier.arrive $0xFFFF  }
0x2e3: {  	_ =	shalt  }

</sc_bundles>
